<compile_context>
chip_gen: v7x
topology: tpu7x:2x2x1
jax: 0.10.2.dev20260603
libtpu: 0.0.44.dev20260713+nightly
codegen_flags: <defaults>
</compile_context>

<pallas_src>
import jax
import jax.numpy as jnp
from jax import lax
from jax.experimental import pallas as pl
from jax.experimental.pallas import tpu as pltpu
from jax.experimental.pallas import tpu_sc as plsc

VEC = 768
LAT = 16384
K = 32
B = 128
LT = 2048
NT = LAT // LT
LTD = 2048
NTD = LAT // LTD

NWORK = 32
RPW = B // NWORK
NLANE = 16
NCHUNK = LAT // NLANE
NEG = -3.4e38


def _enc_body(x_ref, we_ref, be_ref, bd_ref, a_ref, t0_ref, m1_ref):
    t = pl.program_id(0)
    xbar = x_ref[...] - bd_ref[...]
    a = jax.lax.dot_general(
        xbar, we_ref[...], (((1,), (1,)), ((), ())),
        preferred_element_type=jnp.float32,
        precision=jax.lax.Precision.DEFAULT,
    )
    a = a + be_ref[...]
    a_ref[...] = a

    @pl.when(t == 0)
    def _():
        m1_ref[...] = jnp.full_like(m1_ref, NEG)

    m1 = m1_ref[...]
    for u in range(LT // 128):
        m1 = jnp.maximum(m1, a[:, u * 128:(u + 1) * 128])
    m1_ref[...] = m1

    @pl.when(t == NT - 1)
    def _():
        t0_ref[...] = m1


def _encode(x, W_enc, b_enc, b_dec):
    return pl.pallas_call(
        _enc_body,
        grid=(NT,),
        in_specs=[
            pl.BlockSpec((B, VEC), lambda t: (0, 0)),
            pl.BlockSpec((LT, VEC), lambda t: (t, 0)),
            pl.BlockSpec((1, LT), lambda t: (0, t)),
            pl.BlockSpec((1, VEC), lambda t: (0, 0)),
        ],
        out_specs=[
            pl.BlockSpec((B, LT), lambda t: (0, t)),
            pl.BlockSpec((B, 128), lambda t: (0, 0)),
        ],
        out_shape=[
            jax.ShapeDtypeStruct((B, LAT), jnp.float32),
            jax.ShapeDtypeStruct((B, 128), jnp.float32),
        ],
        scratch_shapes=[
            pltpu.VMEM((B, 128), jnp.float32),
        ],
        compiler_params=pltpu.CompilerParams(
            dimension_semantics=("arbitrary",),
        ),
    )(x, W_enc, b_enc.reshape(1, LAT), b_dec.reshape(1, VEC))


def _dec_body(a_ref, th_ref, wd_ref, bd_ref, f_ref, xhat_ref, acc_ref):
    t = pl.program_id(0)

    @pl.when(t == 0)
    def _():
        acc_ref[...] = jnp.zeros_like(acc_ref)

    a = a_ref[...]
    th = th_ref[...][:, :1]
    f = jnp.where((a >= th) & (a > 0.0), a, 0.0)
    f_ref[...] = f
    acc_ref[...] += jax.lax.dot_general(
        f, wd_ref[...], (((1,), (1,)), ((), ())),
        preferred_element_type=jnp.float32,
        precision=jax.lax.Precision.DEFAULT,
    )

    @pl.when(t == NTD - 1)
    def _():
        xhat_ref[...] = acc_ref[...] + bd_ref[...]


def _decode(a, thresh, W_dec, b_dec):
    return pl.pallas_call(
        _dec_body,
        grid=(NTD,),
        in_specs=[
            pl.BlockSpec((B, LTD), lambda t: (0, t)),
            pl.BlockSpec((B, NLANE), lambda t: (0, 0)),
            pl.BlockSpec((VEC, LTD), lambda t: (0, t)),
            pl.BlockSpec((1, VEC), lambda t: (0, 0)),
        ],
        out_specs=[
            pl.BlockSpec((B, LTD), lambda t: (0, t)),
            pl.BlockSpec((B, VEC), lambda t: (0, 0)),
        ],
        out_shape=[
            jax.ShapeDtypeStruct((B, LAT), jnp.float32),
            jax.ShapeDtypeStruct((B, VEC), jnp.float32),
        ],
        scratch_shapes=[pltpu.VMEM((B, VEC), jnp.float32)],
        compiler_params=pltpu.CompilerParams(
            dimension_semantics=("arbitrary",),
        ),
    )(a, thresh, W_dec, b_dec.reshape(1, VEC))


def _merge_top32(A, Bv, v_unsorted):
    vs = jnp.sort(v_unsorted)
    B2 = jnp.sort(jnp.maximum(Bv, jnp.flip(vs, 0)))
    rB2 = jnp.flip(B2, 0)
    newA = jnp.sort(jnp.maximum(A, rB2))
    newB = jnp.sort(jnp.minimum(A, rB2))
    return newA, newB


DEPTH = 1024
UNROLL = 16


def _sc_thresh_body(a_hbm, t0_hbm, out_hbm, rbuf0, rbuf1, rbuf2, rbuf3, cbuf,
                    tbuf, obuf, sem0, sem1, sem2, sem3, semt):
    wid = lax.axis_index("s") * 2 + lax.axis_index("c")
    sems = (sem0, sem1, sem2, sem3)
    bufs = (rbuf0, rbuf1, rbuf2, rbuf3)
    lane = lax.iota(jnp.int32, NLANE)
    col0 = lane * DEPTH
    neg = jnp.full((NLANE,), NEG, jnp.float32)

    cp_t = pltpu.async_copy(t0_hbm.at[pl.ds(RPW * wid, RPW)], tbuf, semt)
    cps = [pltpu.async_copy(a_hbm.at[RPW * wid + r], bufs[r], sems[r])
           for r in range(RPW)]
    cp_t.wait()

    Ts = []
    for rl in range(RPW):
        Am, Bm = neg, neg
        for c in range(128 // NLANE):
            Am, Bm = _merge_top32(Am, Bm, tbuf[rl, pl.ds(c * NLANE, NLANE)])
        Ts.append(jnp.min(Bm))

    for rl in range(RPW):
        cps[rl].wait()
        rb = bufs[rl]
        T = Ts[rl]

        @plsc.parallel_loop(0, NCHUNK, step=1, unroll=UNROLL, carry=col0)
        def scan(i, pos):
            v = rb[pl.ds(i * NLANE, NLANE)]
            msk = v >= T
            plsc.store_scatter(cbuf, [pos], v, mask=msk)
            return pos + msk.astype(jnp.int32)

        pos = scan

        cnt = pos - col0
        max_cnt = jnp.max(cnt)

        def sel(j, AB):
            g = plsc.load_gather(cbuf, [col0 + j])
            g = jnp.where(j < cnt, g, NEG)
            return _merge_top32(AB[0], AB[1], g)

        A, Bv = lax.fori_loop(0, max_cnt, sel, (neg, neg))
        obuf[rl, :] = jnp.full((NLANE,), jnp.min(Bv), jnp.float32)

    pltpu.sync_copy(obuf, out_hbm.at[pl.ds(RPW * wid, RPW)])


def _sc_thresh(a, t0):
    mesh = plsc.VectorSubcoreMesh(core_axis_name="c", subcore_axis_name="s")
    fn = pl.kernel(
        _sc_thresh_body,
        out_type=jax.ShapeDtypeStruct((B, NLANE), jnp.float32),
        mesh=mesh,
        scratch_types=[
            pltpu.VMEM((LAT,), jnp.float32),
            pltpu.VMEM((LAT,), jnp.float32),
            pltpu.VMEM((LAT,), jnp.float32),
            pltpu.VMEM((LAT,), jnp.float32),
            pltpu.VMEM((NLANE * DEPTH,), jnp.float32),
            pltpu.VMEM((RPW, 128), jnp.float32),
            pltpu.VMEM((RPW, NLANE), jnp.float32),
            pltpu.SemaphoreType.DMA,
            pltpu.SemaphoreType.DMA,
            pltpu.SemaphoreType.DMA,
            pltpu.SemaphoreType.DMA,
            pltpu.SemaphoreType.DMA,
        ],
        compiler_params=pltpu.CompilerParams(needs_layout_passes=False),
    )
    return fn(a, t0)


def kernel(x, W_enc, b_enc, W_dec, b_dec):
    a, t0 = _encode(x, W_enc, b_enc, b_dec)
    thresh = _sc_thresh(a, t0)
    f, xhat = _decode(a, thresh, W_dec, b_dec)
    return (f, xhat)

# --- scband reference (transcript-rebuilt; emitter-appended) ---
"""Pipeline reference for scband-ksparse-autoencoder-10084583211503 (READ-ONLY COPY).

The authoritative reference and input builder live on the scoring server;
editing this copy changes nothing except your own understanding.
"""

import jax, jax.numpy as jnp
import numpy as np

VECTOR_SIZE = 768
LATENT_SIZE = 16384
TOP_K = 32
BATCH = 128


def setup_inputs(seed: int = 0) -> dict:
    key = jax.random.key(seed)
    k_x, k_we, k_be, k_wd, k_bd = jax.random.split(key, 5)
    x = jax.random.normal(k_x, (BATCH, VECTOR_SIZE), dtype=jnp.float32)
    # nn.Linear(vectorSize, latentSize): weight [latent, vector], bias [latent]
    W_enc = jax.random.normal(k_we, (LATENT_SIZE, VECTOR_SIZE), dtype=jnp.float32) * (1.0 / np.sqrt(VECTOR_SIZE))
    b_enc = jax.random.normal(k_be, (LATENT_SIZE,), dtype=jnp.float32) * 0.01
    # nn.Linear(latentSize, vectorSize): weight [vector, latent], bias [vector]
    W_dec = jax.random.normal(k_wd, (VECTOR_SIZE, LATENT_SIZE), dtype=jnp.float32) * (1.0 / np.sqrt(LATENT_SIZE))
    b_dec = jax.random.normal(k_bd, (VECTOR_SIZE,), dtype=jnp.float32) * 0.01
    return {"x": x, "W_enc": W_enc, "b_enc": b_enc, "W_dec": W_dec, "b_dec": b_dec}


def reference(x, W_enc, b_enc, W_dec, b_dec):
    # xbar = x - decoder.bias
    xbar = x - b_dec[None, :]
    # a = encoder(xbar)
    a = xbar @ W_enc.T + b_enc[None, :]
    # topk along last dim
    vals, idx = jax.lax.top_k(a, TOP_K)
    # f = zeros_like(a); f.scatter_(1, idx, relu(vals))
    f = jnp.zeros_like(a)
    rows = jnp.arange(a.shape[0])[:, None]
    f = f.at[rows, idx].set(jax.nn.relu(vals))
    # xhat = decoder(f)
    xhat = f @ W_dec.T + b_dec[None, :]
    return (f, xhat)

if __name__ == "__main__":
    import jax
    _d = setup_inputs()
    print(jax.jit(kernel)(*tuple(_d.values())))

</pallas_src>

<mosaic_0001>
#map = affine_map<(d0, d1) -> (0, 0)>
module attributes {stable_mosaic.version = 14 : i64} {
  func.func @_sc_thresh_body(%arg0: i32, %arg1: i32, %arg2: memref<128x16384xf32, #tpu.memory_space<hbm>>, %arg3: memref<128x128xf32, #tpu.memory_space<hbm>>, %arg4: memref<128x16xf32, #tpu.memory_space<hbm>>, %arg5: memref<16384xf32, #tpu.memory_space<vmem>>, %arg6: memref<16384xf32, #tpu.memory_space<vmem>>, %arg7: memref<16384xf32, #tpu.memory_space<vmem>>, %arg8: memref<16384xf32, #tpu.memory_space<vmem>>, %arg9: memref<16384xf32, #tpu.memory_space<vmem>>, %arg10: memref<4x128xf32, #tpu.memory_space<vmem>>, %arg11: memref<4x16xf32, #tpu.memory_space<vmem>>, %arg12: memref<!tpu.dma_semaphore, #tpu.memory_space<semaphore_mem>>, %arg13: memref<!tpu.dma_semaphore, #tpu.memory_space<semaphore_mem>>, %arg14: memref<!tpu.dma_semaphore, #tpu.memory_space<semaphore_mem>>, %arg15: memref<!tpu.dma_semaphore, #tpu.memory_space<semaphore_mem>>, %arg16: memref<!tpu.dma_semaphore, #tpu.memory_space<semaphore_mem>>) attributes {dimension_semantics = [#tpu.dimension_semantics<core_parallel>, #tpu.dimension_semantics<subcore_parallel>], iteration_bounds = array<i64: 2, 16>, scalar_prefetch = 0 : i64, scratch_operands = 12 : i64, tpu.core_type = #tpu.core_type<sc_vector_subcore>, window_params = [{transform_indices = #map}, {transform_indices = #map}, {transform_indices = #map}]} {
    %mul3A = arith.constant 2 : i32
    %mul3A_0 = arith.muli %arg1, %mul3A : i32
    %add3A = arith.addi %mul3A_0, %arg0 : i32
    %iota3A = tpu.iota {dimensions = array<i32: 0>} : vector<16xi32>
    %mul3A_1 = arith.constant 1024 : i32
    %mul3A_2 = vector.broadcast %mul3A_1 : i32 to vector<16xi32>
    %mul3A_3 = arith.muli %iota3A, %mul3A_2 : vector<16xi32>
    %broadcast_in_dim3A = arith.constant -3.400000e+38 : f32
    %broadcast_in_dim3A_4 = vector.broadcast %broadcast_in_dim3A : f32 to vector<16xf32>
    %mul3A_5 = arith.constant 4 : i32
    %mul3A_6 = arith.muli %mul3A_5, %add3A : i32
    %dma_start3A = arith.constant 0 : i32
    %dma_start3A_7 = tpu.memref_slice %arg3[%mul3A_6, %dma_start3A] : memref<128x128xf32, #tpu.memory_space<hbm>> -> memref<4x128xf32, #tpu.memory_space<hbm>>
    %dma_start3A_8 = arith.constant 0 : i32
    %dma_start3A_9 = tpu.memref_slice %arg3[%mul3A_6, %dma_start3A_8] : memref<128x128xf32, #tpu.memory_space<hbm>> -> memref<4x128xf32, #tpu.memory_space<hbm>>
    tpu.enqueue_dma source(%dma_start3A_9 : memref<4x128xf32, #tpu.memory_space<hbm>>) target(%arg10 : memref<4x128xf32, #tpu.memory_space<vmem>>) target_semaphore(%arg16 : memref<!tpu.dma_semaphore, #tpu.memory_space<semaphore_mem>>)
    %mul3A_10 = arith.constant 4 : i32
    %mul3A_11 = arith.muli %mul3A_10, %add3A : i32
    %add3A_12 = arith.constant 0 : i32
    %add3A_13 = arith.addi %mul3A_11, %add3A_12 : i32
    %dma_start3A_14 = arith.constant 0 : i32
    %dma_start3A_15 = tpu.memref_slice %arg2[%add3A_13, %dma_start3A_14] : memref<128x16384xf32, #tpu.memory_space<hbm>> -> memref<1x16384xf32, #tpu.memory_space<hbm>>
    %dma_start3A_16 = tpu.memref_squeeze %dma_start3A_15 : memref<1x16384xf32, #tpu.memory_space<hbm>> -> memref<16384xf32, #tpu.memory_space<hbm>>
    %dma_start3A_17 = arith.constant 0 : i32
    %dma_start3A_18 = tpu.memref_slice %arg2[%add3A_13, %dma_start3A_17] : memref<128x16384xf32, #tpu.memory_space<hbm>> -> memref<1x16384xf32, #tpu.memory_space<hbm>>
    %dma_start3A_19 = tpu.memref_squeeze %dma_start3A_18 : memref<1x16384xf32, #tpu.memory_space<hbm>> -> memref<16384xf32, #tpu.memory_space<hbm>>
    tpu.enqueue_dma source(%dma_start3A_19 : memref<16384xf32, #tpu.memory_space<hbm>>) target(%arg5 : memref<16384xf32, #tpu.memory_space<vmem>>) target_semaphore(%arg12 : memref<!tpu.dma_semaphore, #tpu.memory_space<semaphore_mem>>)
    %mul3A_20 = arith.constant 4 : i32
    %mul3A_21 = arith.muli %mul3A_20, %add3A : i32
    %add3A_22 = arith.constant 1 : i32
    %add3A_23 = arith.addi %mul3A_21, %add3A_22 : i32
    %dma_start3A_24 = arith.constant 0 : i32
    %dma_start3A_25 = tpu.memref_slice %arg2[%add3A_23, %dma_start3A_24] : memref<128x16384xf32, #tpu.memory_space<hbm>> -> memref<1x16384xf32, #tpu.memory_space<hbm>>
    %dma_start3A_26 = tpu.memref_squeeze %dma_start3A_25 : memref<1x16384xf32, #tpu.memory_space<hbm>> -> memref<16384xf32, #tpu.memory_space<hbm>>
    %dma_start3A_27 = arith.constant 0 : i32
    %dma_start3A_28 = tpu.memref_slice %arg2[%add3A_23, %dma_start3A_27] : memref<128x16384xf32, #tpu.memory_space<hbm>> -> memref<1x16384xf32, #tpu.memory_space<hbm>>
    %dma_start3A_29 = tpu.memref_squeeze %dma_start3A_28 : memref<1x16384xf32, #tpu.memory_space<hbm>> -> memref<16384xf32, #tpu.memory_space<hbm>>
    tpu.enqueue_dma source(%dma_start3A_29 : memref<16384xf32, #tpu.memory_space<hbm>>) target(%arg6 : memref<16384xf32, #tpu.memory_space<vmem>>) target_semaphore(%arg13 : memref<!tpu.dma_semaphore, #tpu.memory_space<semaphore_mem>>)
    %mul3A_30 = arith.constant 4 : i32
    %mul3A_31 = arith.muli %mul3A_30, %add3A : i32
    %add3A_32 = arith.constant 2 : i32
    %add3A_33 = arith.addi %mul3A_31, %add3A_32 : i32
    %dma_start3A_34 = arith.constant 0 : i32
    %dma_start3A_35 = tpu.memref_slice %arg2[%add3A_33, %dma_start3A_34] : memref<128x16384xf32, #tpu.memory_space<hbm>> -> memref<1x16384xf32, #tpu.memory_space<hbm>>
    %dma_start3A_36 = tpu.memref_squeeze %dma_start3A_35 : memref<1x16384xf32, #tpu.memory_space<hbm>> -> memref<16384xf32, #tpu.memory_space<hbm>>
    %dma_start3A_37 = arith.constant 0 : i32
    %dma_start3A_38 = tpu.memref_slice %arg2[%add3A_33, %dma_start3A_37] : memref<128x16384xf32, #tpu.memory_space<hbm>> -> memref<1x16384xf32, #tpu.memory_space<hbm>>
    %dma_start3A_39 = tpu.memref_squeeze %dma_start3A_38 : memref<1x16384xf32, #tpu.memory_space<hbm>> -> memref<16384xf32, #tpu.memory_space<hbm>>
    tpu.enqueue_dma source(%dma_start3A_39 : memref<16384xf32, #tpu.memory_space<hbm>>) target(%arg7 : memref<16384xf32, #tpu.memory_space<vmem>>) target_semaphore(%arg14 : memref<!tpu.dma_semaphore, #tpu.memory_space<semaphore_mem>>)
    %mul3A_40 = arith.constant 4 : i32
    %mul3A_41 = arith.muli %mul3A_40, %add3A : i32
    %add3A_42 = arith.constant 3 : i32
    %add3A_43 = arith.addi %mul3A_41, %add3A_42 : i32
    %dma_start3A_44 = arith.constant 0 : i32
    %dma_start3A_45 = tpu.memref_slice %arg2[%add3A_43, %dma_start3A_44] : memref<128x16384xf32, #tpu.memory_space<hbm>> -> memref<1x16384xf32, #tpu.memory_space<hbm>>
    %dma_start3A_46 = tpu.memref_squeeze %dma_start3A_45 : memref<1x16384xf32, #tpu.memory_space<hbm>> -> memref<16384xf32, #tpu.memory_space<hbm>>
    %dma_start3A_47 = arith.constant 0 : i32
    %dma_start3A_48 = tpu.memref_slice %arg2[%add3A_43, %dma_start3A_47] : memref<128x16384xf32, #tpu.memory_space<hbm>> -> memref<1x16384xf32, #tpu.memory_space<hbm>>
    %dma_start3A_49 = tpu.memref_squeeze %dma_start3A_48 : memref<1x16384xf32, #tpu.memory_space<hbm>> -> memref<16384xf32, #tpu.memory_space<hbm>>
    tpu.enqueue_dma source(%dma_start3A_49 : memref<16384xf32, #tpu.memory_space<hbm>>) target(%arg8 : memref<16384xf32, #tpu.memory_space<vmem>>) target_semaphore(%arg15 : memref<!tpu.dma_semaphore, #tpu.memory_space<semaphore_mem>>)
    %dma_wait3A = arith.constant 0 : i32
    %dma_wait3A_50 = tpu.memref_slice %arg3[%mul3A_6, %dma_wait3A] : memref<128x128xf32, #tpu.memory_space<hbm>> -> memref<4x128xf32, #tpu.memory_space<hbm>>
    %dma_wait3A_51 = arith.constant 0 : i32
    %dma_wait3A_52 = tpu.memref_slice %arg3[%mul3A_6, %dma_wait3A_51] : memref<128x128xf32, #tpu.memory_space<hbm>> -> memref<4x128xf32, #tpu.memory_space<hbm>>
    tpu.wait_dma2 semaphore(%arg16 : memref<!tpu.dma_semaphore, #tpu.memory_space<semaphore_mem>>) src(%dma_wait3A_52 : memref<4x128xf32, #tpu.memory_space<hbm>>) dst(%arg10 : memref<4x128xf32, #tpu.memory_space<vmem>>)
    %get3A = arith.constant 0 : i32
    %get3A_53 = arith.index_cast %get3A : i32 to index
    %get3A_54 = arith.constant 0 : index
    %get3A_55 = tpu.vector_load %arg10[%get3A_53, %get3A_54] {strides = array<i32>} : memref<4x128xf32, #tpu.memory_space<vmem>>, vector<16xf32>,
    %sort3A = arith.constant dense<true> : vector<16xi1>
    %sort3A_56, %sort3A_57, %sort3A_58 = tpu.sort %get3A_55, %get3A_55 masked %sort3A : (vector<16xf32>, vector<16xf32>, vector<16xi1>) -> (vector<16xi1>, vector<16xf32>, vector<16xf32>)
    %rev3A = arith.constant 15 : i32
    %rev3A_59 = vector.broadcast %rev3A : i32 to vector<16xi32>
    %rev3A_60 = tpu.iota {dimensions = array<i32: 0>} : vector<16xi32>
    %rev3A_61 = arith.subi %rev3A_59, %rev3A_60 : vector<16xi32>
    %rev3A_62 = tpu.dynamic_gather %sort3A_57[%rev3A_61] in [0] : vector<16xf32>, vector<16xi32> -> vector<16xf32>
    %max3A = arith.maximumf %broadcast_in_dim3A_4, %rev3A_62 : vector<16xf32>
    %sort3A_63 = arith.constant dense<true> : vector<16xi1>
    %sort3A_64, %sort3A_65, %sort3A_66 = tpu.sort %max3A, %max3A masked %sort3A_63 : (vector<16xf32>, vector<16xf32>, vector<16xi1>) -> (vector<16xi1>, vector<16xf32>, vector<16xf32>)
    %rev3A_67 = arith.constant 15 : i32
    %rev3A_68 = vector.broadcast %rev3A_67 : i32 to vector<16xi32>
    %rev3A_69 = tpu.iota {dimensions = array<i32: 0>} : vector<16xi32>
    %rev3A_70 = arith.subi %rev3A_68, %rev3A_69 : vector<16xi32>
    %rev3A_71 = tpu.dynamic_gather %sort3A_65[%rev3A_70] in [0] : vector<16xf32>, vector<16xi32> -> vector<16xf32>
    %max3A_72 = arith.maximumf %broadcast_in_dim3A_4, %rev3A_71 : vector<16xf32>
    %sort3A_73 = arith.constant dense<true> : vector<16xi1>
    %sort3A_74, %sort3A_75, %sort3A_76 = tpu.sort %max3A_72, %max3A_72 masked %sort3A_73 : (vector<16xf32>, vector<16xf32>, vector<16xi1>) -> (vector<16xi1>, vector<16xf32>, vector<16xf32>)
    %min3A = arith.minimumf %broadcast_in_dim3A_4, %rev3A_71 : vector<16xf32>
    %sort3A_77 = arith.constant dense<true> : vector<16xi1>
    %sort3A_78, %sort3A_79, %sort3A_80 = tpu.sort %min3A, %min3A masked %sort3A_77 : (vector<16xf32>, vector<16xf32>, vector<16xi1>) -> (vector<16xi1>, vector<16xf32>, vector<16xf32>)
    %get3A_81 = arith.constant 0 : i32
    %get3A_82 = arith.index_cast %get3A_81 : i32 to index
    %get3A_83 = arith.constant 16 : index
    %get3A_84 = tpu.vector_load %arg10[%get3A_82, %get3A_83] {strides = array<i32>} : memref<4x128xf32, #tpu.memory_space<vmem>>, vector<16xf32>,
    %sort3A_85 = arith.constant dense<true> : vector<16xi1>
    %sort3A_86, %sort3A_87, %sort3A_88 = tpu.sort %get3A_84, %get3A_84 masked %sort3A_85 : (vector<16xf32>, vector<16xf32>, vector<16xi1>) -> (vector<16xi1>, vector<16xf32>, vector<16xf32>)
    %rev3A_89 = arith.constant 15 : i32
    %rev3A_90 = vector.broadcast %rev3A_89 : i32 to vector<16xi32>
    %rev3A_91 = tpu.iota {dimensions = array<i32: 0>} : vector<16xi32>
    %rev3A_92 = arith.subi %rev3A_90, %rev3A_91 : vector<16xi32>
    %rev3A_93 = tpu.dynamic_gather %sort3A_87[%rev3A_92] in [0] : vector<16xf32>, vector<16xi32> -> vector<16xf32>
    %max3A_94 = arith.maximumf %sort3A_79, %rev3A_93 : vector<16xf32>
    %sort3A_95 = arith.constant dense<true> : vector<16xi1>
    %sort3A_96, %sort3A_97, %sort3A_98 = tpu.sort %max3A_94, %max3A_94 masked %sort3A_95 : (vector<16xf32>, vector<16xf32>, vector<16xi1>) -> (vector<16xi1>, vector<16xf32>, vector<16xf32>)
    %rev3A_99 = arith.constant 15 : i32
    %rev3A_100 = vector.broadcast %rev3A_99 : i32 to vector<16xi32>
    %rev3A_101 = tpu.iota {dimensions = array<i32: 0>} : vector<16xi32>
    %rev3A_102 = arith.subi %rev3A_100, %rev3A_101 : vector<16xi32>
    %rev3A_103 = tpu.dynamic_gather %sort3A_97[%rev3A_102] in [0] : vector<16xf32>, vector<16xi32> -> vector<16xf32>
    %max3A_104 = arith.maximumf %sort3A_75, %rev3A_103 : vector<16xf32>
    %sort3A_105 = arith.constant dense<true> : vector<16xi1>
    %sort3A_106, %sort3A_107, %sort3A_108 = tpu.sort %max3A_104, %max3A_104 masked %sort3A_105 : (vector<16xf32>, vector<16xf32>, vector<16xi1>) -> (vector<16xi1>, vector<16xf32>, vector<16xf32>)
    %min3A_109 = arith.minimumf %sort3A_75, %rev3A_103 : vector<16xf32>
    %sort3A_110 = arith.constant dense<true> : vector<16xi1>
    %sort3A_111, %sort3A_112, %sort3A_113 = tpu.sort %min3A_109, %min3A_109 masked %sort3A_110 : (vector<16xf32>, vector<16xf32>, vector<16xi1>) -> (vector<16xi1>, vector<16xf32>, vector<16xf32>)
    %get3A_114 = arith.constant 0 : i32
    %get3A_115 = arith.index_cast %get3A_114 : i32 to index
    %get3A_116 = arith.constant 32 : index
    %get3A_117 = tpu.vector_load %arg10[%get3A_115, %get3A_116] {strides = array<i32>} : memref<4x128xf32, #tpu.memory_space<vmem>>, vector<16xf32>,
    %sort3A_118 = arith.constant dense<true> : vector<16xi1>
    %sort3A_119, %sort3A_120, %sort3A_121 = tpu.sort %get3A_117, %get3A_117 masked %sort3A_118 : (vector<16xf32>, vector<16xf32>, vector<16xi1>) -> (vector<16xi1>, vector<16xf32>, vector<16xf32>)
    %rev3A_122 = arith.constant 15 : i32
    %rev3A_123 = vector.broadcast %rev3A_122 : i32 to vector<16xi32>
    %rev3A_124 = tpu.iota {dimensions = array<i32: 0>} : vector<16xi32>
    %rev3A_125 = arith.subi %rev3A_123, %rev3A_124 : vector<16xi32>
    %rev3A_126 = tpu.dynamic_gather %sort3A_120[%rev3A_125] in [0] : vector<16xf32>, vector<16xi32> -> vector<16xf32>
    %max3A_127 = arith.maximumf %sort3A_112, %rev3A_126 : vector<16xf32>
    %sort3A_128 = arith.constant dense<true> : vector<16xi1>
    %sort3A_129, %sort3A_130, %sort3A_131 = tpu.sort %max3A_127, %max3A_127 masked %sort3A_128 : (vector<16xf32>, vector<16xf32>, vector<16xi1>) -> (vector<16xi1>, vector<16xf32>, vector<16xf32>)
    %rev3A_132 = arith.constant 15 : i32
    %rev3A_133 = vector.broadcast %rev3A_132 : i32 to vector<16xi32>
    %rev3A_134 = tpu.iota {dimensions = array<i32: 0>} : vector<16xi32>
    %rev3A_135 = arith.subi %rev3A_133, %rev3A_134 : vector<16xi32>
    %rev3A_136 = tpu.dynamic_gather %sort3A_130[%rev3A_135] in [0] : vector<16xf32>, vector<16xi32> -> vector<16xf32>
    %max3A_137 = arith.maximumf %sort3A_107, %rev3A_136 : vector<16xf32>
    %sort3A_138 = arith.constant dense<true> : vector<16xi1>
    %sort3A_139, %sort3A_140, %sort3A_141 = tpu.sort %max3A_137, %max3A_137 masked %sort3A_138 : (vector<16xf32>, vector<16xf32>, vector<16xi1>) -> (vector<16xi1>, vector<16xf32>, vector<16xf32>)
    %min3A_142 = arith.minimumf %sort3A_107, %rev3A_136 : vector<16xf32>
    %sort3A_143 = arith.constant dense<true> : vector<16xi1>
    %sort3A_144, %sort3A_145, %sort3A_146 = tpu.sort %min3A_142, %min3A_142 masked %sort3A_143 : (vector<16xf32>, vector<16xf32>, vector<16xi1>) -> (vector<16xi1>, vector<16xf32>, vector<16xf32>)
    %get3A_147 = arith.constant 0 : i32
    %get3A_148 = arith.index_cast %get3A_147 : i32 to index
    %get3A_149 = arith.constant 48 : index
    %get3A_150 = tpu.vector_load %arg10[%get3A_148, %get3A_149] {strides = array<i32>} : memref<4x128xf32, #tpu.memory_space<vmem>>, vector<16xf32>,
    %sort3A_151 = arith.constant dense<true> : vector<16xi1>
    %sort3A_152, %sort3A_153, %sort3A_154 = tpu.sort %get3A_150, %get3A_150 masked %sort3A_151 : (vector<16xf32>, vector<16xf32>, vector<16xi1>) -> (vector<16xi1>, vector<16xf32>, vector<16xf32>)
    %rev3A_155 = arith.constant 15 : i32
    %rev3A_156 = vector.broadcast %rev3A_155 : i32 to vector<16xi32>
    %rev3A_157 = tpu.iota {dimensions = array<i32: 0>} : vector<16xi32>
    %rev3A_158 = arith.subi %rev3A_156, %rev3A_157 : vector<16xi32>
    %rev3A_159 = tpu.dynamic_gather %sort3A_153[%rev3A_158] in [0] : vector<16xf32>, vector<16xi32> -> vector<16xf32>
    %max3A_160 = arith.maximumf %sort3A_145, %rev3A_159 : vector<16xf32>
    %sort3A_161 = arith.constant dense<true> : vector<16xi1>
    %sort3A_162, %sort3A_163, %sort3A_164 = tpu.sort %max3A_160, %max3A_160 masked %sort3A_161 : (vector<16xf32>, vector<16xf32>, vector<16xi1>) -> (vector<16xi1>, vector<16xf32>, vector<16xf32>)
    %rev3A_165 = arith.constant 15 : i32
    %rev3A_166 = vector.broadcast %rev3A_165 : i32 to vector<16xi32>
    %rev3A_167 = tpu.iota {dimensions = array<i32: 0>} : vector<16xi32>
    %rev3A_168 = arith.subi %rev3A_166, %rev3A_167 : vector<16xi32>
    %rev3A_169 = tpu.dynamic_gather %sort3A_163[%rev3A_168] in [0] : vector<16xf32>, vector<16xi32> -> vector<16xf32>
    %max3A_170 = arith.maximumf %sort3A_140, %rev3A_169 : vector<16xf32>
    %sort3A_171 = arith.constant dense<true> : vector<16xi1>
    %sort3A_172, %sort3A_173, %sort3A_174 = tpu.sort %max3A_170, %max3A_170 masked %sort3A_171 : (vector<16xf32>, vector<16xf32>, vector<16xi1>) -> (vector<16xi1>, vector<16xf32>, vector<16xf32>)
    %min3A_175 = arith.minimumf %sort3A_140, %rev3A_169 : vector<16xf32>
    %sort3A_176 = arith.constant dense<true> : vector<16xi1>
    %sort3A_177, %sort3A_178, %sort3A_179 = tpu.sort %min3A_175, %min3A_175 masked %sort3A_176 : (vector<16xf32>, vector<16xf32>, vector<16xi1>) -> (vector<16xi1>, vector<16xf32>, vector<16xf32>)
    %get3A_180 = arith.constant 0 : i32
    %get3A_181 = arith.index_cast %get3A_180 : i32 to index
    %get3A_182 = arith.constant 64 : index
    %get3A_183 = tpu.vector_load %arg10[%get3A_181, %get3A_182] {strides = array<i32>} : memref<4x128xf32, #tpu.memory_space<vmem>>, vector<16xf32>,
    %sort3A_184 = arith.constant dense<true> : vector<16xi1>
    %sort3A_185, %sort3A_186, %sort3A_187 = tpu.sort %get3A_183, %get3A_183 masked %sort3A_184 : (vector<16xf32>, vector<16xf32>, vector<16xi1>) -> (vector<16xi1>, vector<16xf32>, vector<16xf32>)
    %rev3A_188 = arith.constant 15 : i32
    %rev3A_189 = vector.broadcast %rev3A_188 : i32 to vector<16xi32>
    %rev3A_190 = tpu.iota {dimensions = array<i32: 0>} : vector<16xi32>
    %rev3A_191 = arith.subi %rev3A_189, %rev3A_190 : vector<16xi32>
    %rev3A_192 = tpu.dynamic_gather %sort3A_186[%rev3A_191] in [0] : vector<16xf32>, vector<16xi32> -> vector<16xf32>
    %max3A_193 = arith.maximumf %sort3A_178, %rev3A_192 : vector<16xf32>
    %sort3A_194 = arith.constant dense<true> : vector<16xi1>
    %sort3A_195, %sort3A_196, %sort3A_197 = tpu.sort %max3A_193, %max3A_193 masked %sort3A_194 : (vector<16xf32>, vector<16xf32>, vector<16xi1>) -> (vector<16xi1>, vector<16xf32>, vector<16xf32>)
    %rev3A_198 = arith.constant 15 : i32
    %rev3A_199 = vector.broadcast %rev3A_198 : i32 to vector<16xi32>
    %rev3A_200 = tpu.iota {dimensions = array<i32: 0>} : vector<16xi32>
    %rev3A_201 = arith.subi %rev3A_199, %rev3A_200 : vector<16xi32>
    %rev3A_202 = tpu.dynamic_gather %sort3A_196[%rev3A_201] in [0] : vector<16xf32>, vector<16xi32> -> vector<16xf32>
    %max3A_203 = arith.maximumf %sort3A_173, %rev3A_202 : vector<16xf32>
    %sort3A_204 = arith.constant dense<true> : vector<16xi1>
    %sort3A_205, %sort3A_206, %sort3A_207 = tpu.sort %max3A_203, %max3A_203 masked %sort3A_204 : (vector<16xf32>, vector<16xf32>, vector<16xi1>) -> (vector<16xi1>, vector<16xf32>, vector<16xf32>)
    %min3A_208 = arith.minimumf %sort3A_173, %rev3A_202 : vector<16xf32>
    %sort3A_209 = arith.constant dense<true> : vector<16xi1>
    %sort3A_210, %sort3A_211, %sort3A_212 = tpu.sort %min3A_208, %min3A_208 masked %sort3A_209 : (vector<16xf32>, vector<16xf32>, vector<16xi1>) -> (vector<16xi1>, vector<16xf32>, vector<16xf32>)
    %get3A_213 = arith.constant 0 : i32
    %get3A_214 = arith.index_cast %get3A_213 : i32 to index
    %get3A_215 = arith.constant 80 : index
    %get3A_216 = tpu.vector_load %arg10[%get3A_214, %get3A_215] {strides = array<i32>} : memref<4x128xf32, #tpu.memory_space<vmem>>, vector<16xf32>,
    %sort3A_217 = arith.constant dense<true> : vector<16xi1>
    %sort3A_218, %sort3A_219, %sort3A_220 = tpu.sort %get3A_216, %get3A_216 masked %sort3A_217 : (vector<16xf32>, vector<16xf32>, vector<16xi1>) -> (vector<16xi1>, vector<16xf32>, vector<16xf32>)
    %rev3A_221 = arith.constant 15 : i32
    %rev3A_222 = vector.broadcast %rev3A_221 : i32 to vector<16xi32>
    %rev3A_223 = tpu.iota {dimensions = array<i32: 0>} : vector<16xi32>
    %rev3A_224 = arith.subi %rev3A_222, %rev3A_223 : vector<16xi32>
    %rev3A_225 = tpu.dynamic_gather %sort3A_219[%rev3A_224] in [0] : vector<16xf32>, vector<16xi32> -> vector<16xf32>
    %max3A_226 = arith.maximumf %sort3A_211, %rev3A_225 : vector<16xf32>
    %sort3A_227 = arith.constant dense<true> : vector<16xi1>
    %sort3A_228, %sort3A_229, %sort3A_230 = tpu.sort %max3A_226, %max3A_226 masked %sort3A_227 : (vector<16xf32>, vector<16xf32>, vector<16xi1>) -> (vector<16xi1>, vector<16xf32>, vector<16xf32>)
    %rev3A_231 = arith.constant 15 : i32
    %rev3A_232 = vector.broadcast %rev3A_231 : i32 to vector<16xi32>
    %rev3A_233 = tpu.iota {dimensions = array<i32: 0>} : vector<16xi32>
    %rev3A_234 = arith.subi %rev3A_232, %rev3A_233 : vector<16xi32>
    %rev3A_235 = tpu.dynamic_gather %sort3A_229[%rev3A_234] in [0] : vector<16xf32>, vector<16xi32> -> vector<16xf32>
    %max3A_236 = arith.maximumf %sort3A_206, %rev3A_235 : vector<16xf32>
    %sort3A_237 = arith.constant dense<true> : vector<16xi1>
    %sort3A_238, %sort3A_239, %sort3A_240 = tpu.sort %max3A_236, %max3A_236 masked %sort3A_237 : (vector<16xf32>, vector<16xf32>, vector<16xi1>) -> (vector<16xi1>, vector<16xf32>, vector<16xf32>)
    %min3A_241 = arith.minimumf %sort3A_206, %rev3A_235 : vector<16xf32>
    %sort3A_242 = arith.constant dense<true> : vector<16xi1>
    %sort3A_243, %sort3A_244, %sort3A_245 = tpu.sort %min3A_241, %min3A_241 masked %sort3A_242 : (vector<16xf32>, vector<16xf32>, vector<16xi1>) -> (vector<16xi1>, vector<16xf32>, vector<16xf32>)
    %get3A_246 = arith.constant 0 : i32
    %get3A_247 = arith.index_cast %get3A_246 : i32 to index
    %get3A_248 = arith.constant 96 : index
    %get3A_249 = tpu.vector_load %arg10[%get3A_247, %get3A_248] {strides = array<i32>} : memref<4x128xf32, #tpu.memory_space<vmem>>, vector<16xf32>,
    %sort3A_250 = arith.constant dense<true> : vector<16xi1>
    %sort3A_251, %sort3A_252, %sort3A_253 = tpu.sort %get3A_249, %get3A_249 masked %sort3A_250 : (vector<16xf32>, vector<16xf32>, vector<16xi1>) -> (vector<16xi1>, vector<16xf32>, vector<16xf32>)
    %rev3A_254 = arith.constant 15 : i32
    %rev3A_255 = vector.broadcast %rev3A_254 : i32 to vector<16xi32>
    %rev3A_256 = tpu.iota {dimensions = array<i32: 0>} : vector<16xi32>
    %rev3A_257 = arith.subi %rev3A_255, %rev3A_256 : vector<16xi32>
    %rev3A_258 = tpu.dynamic_gather %sort3A_252[%rev3A_257] in [0] : vector<16xf32>, vector<16xi32> -> vector<16xf32>
    %max3A_259 = arith.maximumf %sort3A_244, %rev3A_258 : vector<16xf32>
    %sort3A_260 = arith.constant dense<true> : vector<16xi1>
    %sort3A_261, %sort3A_262, %sort3A_263 = tpu.sort %max3A_259, %max3A_259 masked %sort3A_260 : (vector<16xf32>, vector<16xf32>, vector<16xi1>) -> (vector<16xi1>, vector<16xf32>, vector<16xf32>)
    %rev3A_264 = arith.constant 15 : i32
    %rev3A_265 = vector.broadcast %rev3A_264 : i32 to vector<16xi32>
    %rev3A_266 = tpu.iota {dimensions = array<i32: 0>} : vector<16xi32>
    %rev3A_267 = arith.subi %rev3A_265, %rev3A_266 : vector<16xi32>
    %rev3A_268 = tpu.dynamic_gather %sort3A_262[%rev3A_267] in [0] : vector<16xf32>, vector<16xi32> -> vector<16xf32>
    %max3A_269 = arith.maximumf %sort3A_239, %rev3A_268 : vector<16xf32>
    %sort3A_270 = arith.constant dense<true> : vector<16xi1>
    %sort3A_271, %sort3A_272, %sort3A_273 = tpu.sort %max3A_269, %max3A_269 masked %sort3A_270 : (vector<16xf32>, vector<16xf32>, vector<16xi1>) -> (vector<16xi1>, vector<16xf32>, vector<16xf32>)
    %min3A_274 = arith.minimumf %sort3A_239, %rev3A_268 : vector<16xf32>
    %sort3A_275 = arith.constant dense<true> : vector<16xi1>
    %sort3A_276, %sort3A_277, %sort3A_278 = tpu.sort %min3A_274, %min3A_274 masked %sort3A_275 : (vector<16xf32>, vector<16xf32>, vector<16xi1>) -> (vector<16xi1>, vector<16xf32>, vector<16xf32>)
    %get3A_279 = arith.constant 0 : i32
    %get3A_280 = arith.index_cast %get3A_279 : i32 to index
    %get3A_281 = arith.constant 112 : index
    %get3A_282 = tpu.vector_load %arg10[%get3A_280, %get3A_281] {strides = array<i32>} : memref<4x128xf32, #tpu.memory_space<vmem>>, vector<16xf32>,
    %sort3A_283 = arith.constant dense<true> : vector<16xi1>
    %sort3A_284, %sort3A_285, %sort3A_286 = tpu.sort %get3A_282, %get3A_282 masked %sort3A_283 : (vector<16xf32>, vector<16xf32>, vector<16xi1>) -> (vector<16xi1>, vector<16xf32>, vector<16xf32>)
    %rev3A_287 = arith.constant 15 : i32
    %rev3A_288 = vector.broadcast %rev3A_287 : i32 to vector<16xi32>
    %rev3A_289 = tpu.iota {dimensions = array<i32: 0>} : vector<16xi32>
    %rev3A_290 = arith.subi %rev3A_288, %rev3A_289 : vector<16xi32>
    %rev3A_291 = tpu.dynamic_gather %sort3A_285[%rev3A_290] in [0] : vector<16xf32>, vector<16xi32> -> vector<16xf32>
    %max3A_292 = arith.maximumf %sort3A_277, %rev3A_291 : vector<16xf32>
    %sort3A_293 = arith.constant dense<true> : vector<16xi1>
    %sort3A_294, %sort3A_295, %sort3A_296 = tpu.sort %max3A_292, %max3A_292 masked %sort3A_293 : (vector<16xf32>, vector<16xf32>, vector<16xi1>) -> (vector<16xi1>, vector<16xf32>, vector<16xf32>)
    %rev3A_297 = arith.constant 15 : i32
    %rev3A_298 = vector.broadcast %rev3A_297 : i32 to vector<16xi32>
    %rev3A_299 = tpu.iota {dimensions = array<i32: 0>} : vector<16xi32>
    %rev3A_300 = arith.subi %rev3A_298, %rev3A_299 : vector<16xi32>
    %rev3A_301 = tpu.dynamic_gather %sort3A_295[%rev3A_300] in [0] : vector<16xf32>, vector<16xi32> -> vector<16xf32>
    %max3A_302 = arith.maximumf %sort3A_272, %rev3A_301 : vector<16xf32>
    %sort3A_303 = arith.constant dense<true> : vector<16xi1>
    %sort3A_304, %sort3A_305, %sort3A_306 = tpu.sort %max3A_302, %max3A_302 masked %sort3A_303 : (vector<16xf32>, vector<16xf32>, vector<16xi1>) -> (vector<16xi1>, vector<16xf32>, vector<16xf32>)
    %min3A_307 = arith.minimumf %sort3A_272, %rev3A_301 : vector<16xf32>
    %sort3A_308 = arith.constant dense<true> : vector<16xi1>
    %sort3A_309, %sort3A_310, %sort3A_311 = tpu.sort %min3A_307, %min3A_307 masked %sort3A_308 : (vector<16xf32>, vector<16xf32>, vector<16xi1>) -> (vector<16xi1>, vector<16xf32>, vector<16xf32>)
    %reduce_min3A = arith.constant true
    %reduce_min3A_312 = vector.broadcast %reduce_min3A : i1 to vector<16xi1>
    %reduce_min3A_313 = tpu.scan <min>, %sort3A_310 masked %reduce_min3A_312 : vector<16xf32>, vector<16xi1> -> vector<16xf32>
    %reduce_min3A_314 = vector.extract %reduce_min3A_313[15] : f32 from vector<16xf32>
    %get3A_315 = arith.constant 1 : i32
    %get3A_316 = arith.index_cast %get3A_315 : i32 to index
    %get3A_317 = arith.constant 0 : index
    %get3A_318 = tpu.vector_load %arg10[%get3A_316, %get3A_317] {strides = array<i32>} : memref<4x128xf32, #tpu.memory_space<vmem>>, vector<16xf32>,
    %sort3A_319 = arith.constant dense<true> : vector<16xi1>
    %sort3A_320, %sort3A_321, %sort3A_322 = tpu.sort %get3A_318, %get3A_318 masked %sort3A_319 : (vector<16xf32>, vector<16xf32>, vector<16xi1>) -> (vector<16xi1>, vector<16xf32>, vector<16xf32>)
    %rev3A_323 = arith.constant 15 : i32
    %rev3A_324 = vector.broadcast %rev3A_323 : i32 to vector<16xi32>
    %rev3A_325 = tpu.iota {dimensions = array<i32: 0>} : vector<16xi32>
    %rev3A_326 = arith.subi %rev3A_324, %rev3A_325 : vector<16xi32>
    %rev3A_327 = tpu.dynamic_gather %sort3A_321[%rev3A_326] in [0] : vector<16xf32>, vector<16xi32> -> vector<16xf32>
    %max3A_328 = arith.maximumf %broadcast_in_dim3A_4, %rev3A_327 : vector<16xf32>
    %sort3A_329 = arith.constant dense<true> : vector<16xi1>
    %sort3A_330, %sort3A_331, %sort3A_332 = tpu.sort %max3A_328, %max3A_328 masked %sort3A_329 : (vector<16xf32>, vector<16xf32>, vector<16xi1>) -> (vector<16xi1>, vector<16xf32>, vector<16xf32>)
    %rev3A_333 = arith.constant 15 : i32
    %rev3A_334 = vector.broadcast %rev3A_333 : i32 to vector<16xi32>
    %rev3A_335 = tpu.iota {dimensions = array<i32: 0>} : vector<16xi32>
    %rev3A_336 = arith.subi %rev3A_334, %rev3A_335 : vector<16xi32>
    %rev3A_337 = tpu.dynamic_gather %sort3A_331[%rev3A_336] in [0] : vector<16xf32>, vector<16xi32> -> vector<16xf32>
    %max3A_338 = arith.maximumf %broadcast_in_dim3A_4, %rev3A_337 : vector<16xf32>
    %sort3A_339 = arith.constant dense<true> : vector<16xi1>
    %sort3A_340, %sort3A_341, %sort3A_342 = tpu.sort %max3A_338, %max3A_338 masked %sort3A_339 : (vector<16xf32>, vector<16xf32>, vector<16xi1>) -> (vector<16xi1>, vector<16xf32>, vector<16xf32>)
    %min3A_343 = arith.minimumf %broadcast_in_dim3A_4, %rev3A_337 : vector<16xf32>
    %sort3A_344 = arith.constant dense<true> : vector<16xi1>
    %sort3A_345, %sort3A_346, %sort3A_347 = tpu.sort %min3A_343, %min3A_343 masked %sort3A_344 : (vector<16xf32>, vector<16xf32>, vector<16xi1>) -> (vector<16xi1>, vector<16xf32>, vector<16xf32>)
    %get3A_348 = arith.constant 1 : i32
    %get3A_349 = arith.index_cast %get3A_348 : i32 to index
    %get3A_350 = arith.constant 16 : index
    %get3A_351 = tpu.vector_load %arg10[%get3A_349, %get3A_350] {strides = array<i32>} : memref<4x128xf32, #tpu.memory_space<vmem>>, vector<16xf32>,
    %sort3A_352 = arith.constant dense<true> : vector<16xi1>
    %sort3A_353, %sort3A_354, %sort3A_355 = tpu.sort %get3A_351, %get3A_351 masked %sort3A_352 : (vector<16xf32>, vector<16xf32>, vector<16xi1>) -> (vector<16xi1>, vector<16xf32>, vector<16xf32>)
    %rev3A_356 = arith.constant 15 : i32
    %rev3A_357 = vector.broadcast %rev3A_356 : i32 to vector<16xi32>
    %rev3A_358 = tpu.iota {dimensions = array<i32: 0>} : vector<16xi32>
    %rev3A_359 = arith.subi %rev3A_357, %rev3A_358 : vector<16xi32>
    %rev3A_360 = tpu.dynamic_gather %sort3A_354[%rev3A_359] in [0] : vector<16xf32>, vector<16xi32> -> vector<16xf32>
    %max3A_361 = arith.maximumf %sort3A_346, %rev3A_360 : vector<16xf32>
    %sort3A_362 = arith.constant dense<true> : vector<16xi1>
    %sort3A_363, %sort3A_364, %sort3A_365 = tpu.sort %max3A_361, %max3A_361 masked %sort3A_362 : (vector<16xf32>, vector<16xf32>, vector<16xi1>) -> (vector<16xi1>, vector<16xf32>, vector<16xf32>)
    %rev3A_366 = arith.constant 15 : i32
    %rev3A_367 = vector.broadcast %rev3A_366 : i32 to vector<16xi32>
    %rev3A_368 = tpu.iota {dimensions = array<i32: 0>} : vector<16xi32>
    %rev3A_369 = arith.subi %rev3A_367, %rev3A_368 : vector<16xi32>
    %rev3A_370 = tpu.dynamic_gather %sort3A_364[%rev3A_369] in [0] : vector<16xf32>, vector<16xi32> -> vector<16xf32>
    %max3A_371 = arith.maximumf %sort3A_341, %rev3A_370 : vector<16xf32>
    %sort3A_372 = arith.constant dense<true> : vector<16xi1>
    %sort3A_373, %sort3A_374, %sort3A_375 = tpu.sort %max3A_371, %max3A_371 masked %sort3A_372 : (vector<16xf32>, vector<16xf32>, vector<16xi1>) -> (vector<16xi1>, vector<16xf32>, vector<16xf32>)
    %min3A_376 = arith.minimumf %sort3A_341, %rev3A_370 : vector<16xf32>
    %sort3A_377 = arith.constant dense<true> : vector<16xi1>
    %sort3A_378, %sort3A_379, %sort3A_380 = tpu.sort %min3A_376, %min3A_376 masked %sort3A_377 : (vector<16xf32>, vector<16xf32>, vector<16xi1>) -> (vector<16xi1>, vector<16xf32>, vector<16xf32>)
    %get3A_381 = arith.constant 1 : i32
    %get3A_382 = arith.index_cast %get3A_381 : i32 to index
    %get3A_383 = arith.constant 32 : index
    %get3A_384 = tpu.vector_load %arg10[%get3A_382, %get3A_383] {strides = array<i32>} : memref<4x128xf32, #tpu.memory_space<vmem>>, vector<16xf32>,
    %sort3A_385 = arith.constant dense<true> : vector<16xi1>
    %sort3A_386, %sort3A_387, %sort3A_388 = tpu.sort %get3A_384, %get3A_384 masked %sort3A_385 : (vector<16xf32>, vector<16xf32>, vector<16xi1>) -> (vector<16xi1>, vector<16xf32>, vector<16xf32>)
    %rev3A_389 = arith.constant 15 : i32
    %rev3A_390 = vector.broadcast %rev3A_389 : i32 to vector<16xi32>
    %rev3A_391 = tpu.iota {dimensions = array<i32: 0>} : vector<16xi32>
    %rev3A_392 = arith.subi %rev3A_390, %rev3A_391 : vector<16xi32>
    %rev3A_393 = tpu.dynamic_gather %sort3A_387[%rev3A_392] in [0] : vector<16xf32>, vector<16xi32> -> vector<16xf32>
    %max3A_394 = arith.maximumf %sort3A_379, %rev3A_393 : vector<16xf32>
    %sort3A_395 = arith.constant dense<true> : vector<16xi1>
    %sort3A_396, %sort3A_397, %sort3A_398 = tpu.sort %max3A_394, %max3A_394 masked %sort3A_395 : (vector<16xf32>, vector<16xf32>, vector<16xi1>) -> (vector<16xi1>, vector<16xf32>, vector<16xf32>)
    %rev3A_399 = arith.constant 15 : i32
    %rev3A_400 = vector.broadcast %rev3A_399 : i32 to vector<16xi32>
    %rev3A_401 = tpu.iota {dimensions = array<i32: 0>} : vector<16xi32>
    %rev3A_402 = arith.subi %rev3A_400, %rev3A_401 : vector<16xi32>
    %rev3A_403 = tpu.dynamic_gather %sort3A_397[%rev3A_402] in [0] : vector<16xf32>, vector<16xi32> -> vector<16xf32>
    %max3A_404 = arith.maximumf %sort3A_374, %rev3A_403 : vector<16xf32>
    %sort3A_405 = arith.constant dense<true> : vector<16xi1>
    %sort3A_406, %sort3A_407, %sort3A_408 = tpu.sort %max3A_404, %max3A_404 masked %sort3A_405 : (vector<16xf32>, vector<16xf32>, vector<16xi1>) -> (vector<16xi1>, vector<16xf32>, vector<16xf32>)
    %min3A_409 = arith.minimumf %sort3A_374, %rev3A_403 : vector<16xf32>
    %sort3A_410 = arith.constant dense<true> : vector<16xi1>
    %sort3A_411, %sort3A_412, %sort3A_413 = tpu.sort %min3A_409, %min3A_409 masked %sort3A_410 : (vector<16xf32>, vector<16xf32>, vector<16xi1>) -> (vector<16xi1>, vector<16xf32>, vector<16xf32>)
    %get3A_414 = arith.constant 1 : i32
    %get3A_415 = arith.index_cast %get3A_414 : i32 to index
    %get3A_416 = arith.constant 48 : index
    %get3A_417 = tpu.vector_load %arg10[%get3A_415, %get3A_416] {strides = array<i32>} : memref<4x128xf32, #tpu.memory_space<vmem>>, vector<16xf32>,
    %sort3A_418 = arith.constant dense<true> : vector<16xi1>
    %sort3A_419, %sort3A_420, %sort3A_421 = tpu.sort %get3A_417, %get3A_417 masked %sort3A_418 : (vector<16xf32>, vector<16xf32>, vector<16xi1>) -> (vector<16xi1>, vector<16xf32>, vector<16xf32>)
    %rev3A_422 = arith.constant 15 : i32
    %rev3A_423 = vector.broadcast %rev3A_422 : i32 to vector<16xi32>
    %rev3A_424 = tpu.iota {dimensions = array<i32: 0>} : vector<16xi32>
    %rev3A_425 = arith.subi %rev3A_423, %rev3A_424 : vector<16xi32>
    %rev3A_426 = tpu.dynamic_gather %sort3A_420[%rev3A_425] in [0] : vector<16xf32>, vector<16xi32> -> vector<16xf32>
    %max3A_427 = arith.maximumf %sort3A_412, %rev3A_426 : vector<16xf32>
    %sort3A_428 = arith.constant dense<true> : vector<16xi1>
    %sort3A_429, %sort3A_430, %sort3A_431 = tpu.sort %max3A_427, %max3A_427 masked %sort3A_428 : (vector<16xf32>, vector<16xf32>, vector<16xi1>) -> (vector<16xi1>, vector<16xf32>, vector<16xf32>)
    %rev3A_432 = arith.constant 15 : i32
    %rev3A_433 = vector.broadcast %rev3A_432 : i32 to vector<16xi32>
    %rev3A_434 = tpu.iota {dimensions = array<i32: 0>} : vector<16xi32>
    %rev3A_435 = arith.subi %rev3A_433, %rev3A_434 : vector<16xi32>
    %rev3A_436 = tpu.dynamic_gather %sort3A_430[%rev3A_435] in [0] : vector<16xf32>, vector<16xi32> -> vector<16xf32>
    %max3A_437 = arith.maximumf %sort3A_407, %rev3A_436 : vector<16xf32>
    %sort3A_438 = arith.constant dense<true> : vector<16xi1>
    %sort3A_439, %sort3A_440, %sort3A_441 = tpu.sort %max3A_437, %max3A_437 masked %sort3A_438 : (vector<16xf32>, vector<16xf32>, vector<16xi1>) -> (vector<16xi1>, vector<16xf32>, vector<16xf32>)
    %min3A_442 = arith.minimumf %sort3A_407, %rev3A_436 : vector<16xf32>
    %sort3A_443 = arith.constant dense<true> : vector<16xi1>
    %sort3A_444, %sort3A_445, %sort3A_446 = tpu.sort %min3A_442, %min3A_442 masked %sort3A_443 : (vector<16xf32>, vector<16xf32>, vector<16xi1>) -> (vector<16xi1>, vector<16xf32>, vector<16xf32>)
    %get3A_447 = arith.constant 1 : i32
    %get3A_448 = arith.index_cast %get3A_447 : i32 to index
    %get3A_449 = arith.constant 64 : index
    %get3A_450 = tpu.vector_load %arg10[%get3A_448, %get3A_449] {strides = array<i32>} : memref<4x128xf32, #tpu.memory_space<vmem>>, vector<16xf32>,
    %sort3A_451 = arith.constant dense<true> : vector<16xi1>
    %sort3A_452, %sort3A_453, %sort3A_454 = tpu.sort %get3A_450, %get3A_450 masked %sort3A_451 : (vector<16xf32>, vector<16xf32>, vector<16xi1>) -> (vector<16xi1>, vector<16xf32>, vector<16xf32>)
    %rev3A_455 = arith.constant 15 : i32
    %rev3A_456 = vector.broadcast %rev3A_455 : i32 to vector<16xi32>
    %rev3A_457 = tpu.iota {dimensions = array<i32: 0>} : vector<16xi32>
    %rev3A_458 = arith.subi %rev3A_456, %rev3A_457 : vector<16xi32>
    %rev3A_459 = tpu.dynamic_gather %sort3A_453[%rev3A_458] in [0] : vector<16xf32>, vector<16xi32> -> vector<16xf32>
    %max3A_460 = arith.maximumf %sort3A_445, %rev3A_459 : vector<16xf32>
    %sort3A_461 = arith.constant dense<true> : vector<16xi1>
    %sort3A_462, %sort3A_463, %sort3A_464 = tpu.sort %max3A_460, %max3A_460 masked %sort3A_461 : (vector<16xf32>, vector<16xf32>, vector<16xi1>) -> (vector<16xi1>, vector<16xf32>, vector<16xf32>)
    %rev3A_465 = arith.constant 15 : i32
    %rev3A_466 = vector.broadcast %rev3A_465 : i32 to vector<16xi32>
    %rev3A_467 = tpu.iota {dimensions = array<i32: 0>} : vector<16xi32>
    %rev3A_468 = arith.subi %rev3A_466, %rev3A_467 : vector<16xi32>
    %rev3A_469 = tpu.dynamic_gather %sort3A_463[%rev3A_468] in [0] : vector<16xf32>, vector<16xi32> -> vector<16xf32>
    %max3A_470 = arith.maximumf %sort3A_440, %rev3A_469 : vector<16xf32>
    %sort3A_471 = arith.constant dense<true> : vector<16xi1>
    %sort3A_472, %sort3A_473, %sort3A_474 = tpu.sort %max3A_470, %max3A_470 masked %sort3A_471 : (vector<16xf32>, vector<16xf32>, vector<16xi1>) -> (vector<16xi1>, vector<16xf32>, vector<16xf32>)
    %min3A_475 = arith.minimumf %sort3A_440, %rev3A_469 : vector<16xf32>
    %sort3A_476 = arith.constant dense<true> : vector<16xi1>
    %sort3A_477, %sort3A_478, %sort3A_479 = tpu.sort %min3A_475, %min3A_475 masked %sort3A_476 : (vector<16xf32>, vector<16xf32>, vector<16xi1>) -> (vector<16xi1>, vector<16xf32>, vector<16xf32>)
    %get3A_480 = arith.constant 1 : i32
    %get3A_481 = arith.index_cast %get3A_480 : i32 to index
    %get3A_482 = arith.constant 80 : index
    %get3A_483 = tpu.vector_load %arg10[%get3A_481, %get3A_482] {strides = array<i32>} : memref<4x128xf32, #tpu.memory_space<vmem>>, vector<16xf32>,
    %sort3A_484 = arith.constant dense<true> : vector<16xi1>
    %sort3A_485, %sort3A_486, %sort3A_487 = tpu.sort %get3A_483, %get3A_483 masked %sort3A_484 : (vector<16xf32>, vector<16xf32>, vector<16xi1>) -> (vector<16xi1>, vector<16xf32>, vector<16xf32>)
    %rev3A_488 = arith.constant 15 : i32
    %rev3A_489 = vector.broadcast %rev3A_488 : i32 to vector<16xi32>
    %rev3A_490 = tpu.iota {dimensions = array<i32: 0>} : vector<16xi32>
    %rev3A_491 = arith.subi %rev3A_489, %rev3A_490 : vector<16xi32>
    %rev3A_492 = tpu.dynamic_gather %sort3A_486[%rev3A_491] in [0] : vector<16xf32>, vector<16xi32> -> vector<16xf32>
    %max3A_493 = arith.maximumf %sort3A_478, %rev3A_492 : vector<16xf32>
    %sort3A_494 = arith.constant dense<true> : vector<16xi1>
    %sort3A_495, %sort3A_496, %sort3A_497 = tpu.sort %max3A_493, %max3A_493 masked %sort3A_494 : (vector<16xf32>, vector<16xf32>, vector<16xi1>) -> (vector<16xi1>, vector<16xf32>, vector<16xf32>)
    %rev3A_498 = arith.constant 15 : i32
    %rev3A_499 = vector.broadcast %rev3A_498 : i32 to vector<16xi32>
    %rev3A_500 = tpu.iota {dimensions = array<i32: 0>} : vector<16xi32>
    %rev3A_501 = arith.subi %rev3A_499, %rev3A_500 : vector<16xi32>
    %rev3A_502 = tpu.dynamic_gather %sort3A_496[%rev3A_501] in [0] : vector<16xf32>, vector<16xi32> -> vector<16xf32>
    %max3A_503 = arith.maximumf %sort3A_473, %rev3A_502 : vector<16xf32>
    %sort3A_504 = arith.constant dense<true> : vector<16xi1>
    %sort3A_505, %sort3A_506, %sort3A_507 = tpu.sort %max3A_503, %max3A_503 masked %sort3A_504 : (vector<16xf32>, vector<16xf32>, vector<16xi1>) -> (vector<16xi1>, vector<16xf32>, vector<16xf32>)
    %min3A_508 = arith.minimumf %sort3A_473, %rev3A_502 : vector<16xf32>
    %sort3A_509 = arith.constant dense<true> : vector<16xi1>
    %sort3A_510, %sort3A_511, %sort3A_512 = tpu.sort %min3A_508, %min3A_508 masked %sort3A_509 : (vector<16xf32>, vector<16xf32>, vector<16xi1>) -> (vector<16xi1>, vector<16xf32>, vector<16xf32>)
    %get3A_513 = arith.constant 1 : i32
    %get3A_514 = arith.index_cast %get3A_513 : i32 to index
    %get3A_515 = arith.constant 96 : index
    %get3A_516 = tpu.vector_load %arg10[%get3A_514, %get3A_515] {strides = array<i32>} : memref<4x128xf32, #tpu.memory_space<vmem>>, vector<16xf32>,
    %sort3A_517 = arith.constant dense<true> : vector<16xi1>
    %sort3A_518, %sort3A_519, %sort3A_520 = tpu.sort %get3A_516, %get3A_516 masked %sort3A_517 : (vector<16xf32>, vector<16xf32>, vector<16xi1>) -> (vector<16xi1>, vector<16xf32>, vector<16xf32>)
    %rev3A_521 = arith.constant 15 : i32
    %rev3A_522 = vector.broadcast %rev3A_521 : i32 to vector<16xi32>
    %rev3A_523 = tpu.iota {dimensions = array<i32: 0>} : vector<16xi32>
    %rev3A_524 = arith.subi %rev3A_522, %rev3A_523 : vector<16xi32>
    %rev3A_525 = tpu.dynamic_gather %sort3A_519[%rev3A_524] in [0] : vector<16xf32>, vector<16xi32> -> vector<16xf32>
    %max3A_526 = arith.maximumf %sort3A_511, %rev3A_525 : vector<16xf32>
    %sort3A_527 = arith.constant dense<true> : vector<16xi1>
    %sort3A_528, %sort3A_529, %sort3A_530 = tpu.sort %max3A_526, %max3A_526 masked %sort3A_527 : (vector<16xf32>, vector<16xf32>, vector<16xi1>) -> (vector<16xi1>, vector<16xf32>, vector<16xf32>)
    %rev3A_531 = arith.constant 15 : i32
    %rev3A_532 = vector.broadcast %rev3A_531 : i32 to vector<16xi32>
    %rev3A_533 = tpu.iota {dimensions = array<i32: 0>} : vector<16xi32>
    %rev3A_534 = arith.subi %rev3A_532, %rev3A_533 : vector<16xi32>
    %rev3A_535 = tpu.dynamic_gather %sort3A_529[%rev3A_534] in [0] : vector<16xf32>, vector<16xi32> -> vector<16xf32>
    %max3A_536 = arith.maximumf %sort3A_506, %rev3A_535 : vector<16xf32>
    %sort3A_537 = arith.constant dense<true> : vector<16xi1>
    %sort3A_538, %sort3A_539, %sort3A_540 = tpu.sort %max3A_536, %max3A_536 masked %sort3A_537 : (vector<16xf32>, vector<16xf32>, vector<16xi1>) -> (vector<16xi1>, vector<16xf32>, vector<16xf32>)
    %min3A_541 = arith.minimumf %sort3A_506, %rev3A_535 : vector<16xf32>
    %sort3A_542 = arith.constant dense<true> : vector<16xi1>
    %sort3A_543, %sort3A_544, %sort3A_545 = tpu.sort %min3A_541, %min3A_541 masked %sort3A_542 : (vector<16xf32>, vector<16xf32>, vector<16xi1>) -> (vector<16xi1>, vector<16xf32>, vector<16xf32>)
    %get3A_546 = arith.constant 1 : i32
    %get3A_547 = arith.index_cast %get3A_546 : i32 to index
    %get3A_548 = arith.constant 112 : index
    %get3A_549 = tpu.vector_load %arg10[%get3A_547, %get3A_548] {strides = array<i32>} : memref<4x128xf32, #tpu.memory_space<vmem>>, vector<16xf32>,
    %sort3A_550 = arith.constant dense<true> : vector<16xi1>
    %sort3A_551, %sort3A_552, %sort3A_553 = tpu.sort %get3A_549, %get3A_549 masked %sort3A_550 : (vector<16xf32>, vector<16xf32>, vector<16xi1>) -> (vector<16xi1>, vector<16xf32>, vector<16xf32>)
    %rev3A_554 = arith.constant 15 : i32
    %rev3A_555 = vector.broadcast %rev3A_554 : i32 to vector<16xi32>
    %rev3A_556 = tpu.iota {dimensions = array<i32: 0>} : vector<16xi32>
    %rev3A_557 = arith.subi %rev3A_555, %rev3A_556 : vector<16xi32>
    %rev3A_558 = tpu.dynamic_gather %sort3A_552[%rev3A_557] in [0] : vector<16xf32>, vector<16xi32> -> vector<16xf32>
    %max3A_559 = arith.maximumf %sort3A_544, %rev3A_558 : vector<16xf32>
    %sort3A_560 = arith.constant dense<true> : vector<16xi1>
    %sort3A_561, %sort3A_562, %sort3A_563 = tpu.sort %max3A_559, %max3A_559 masked %sort3A_560 : (vector<16xf32>, vector<16xf32>, vector<16xi1>) -> (vector<16xi1>, vector<16xf32>, vector<16xf32>)
    %rev3A_564 = arith.constant 15 : i32
    %rev3A_565 = vector.broadcast %rev3A_564 : i32 to vector<16xi32>
    %rev3A_566 = tpu.iota {dimensions = array<i32: 0>} : vector<16xi32>
    %rev3A_567 = arith.subi %rev3A_565, %rev3A_566 : vector<16xi32>
    %rev3A_568 = tpu.dynamic_gather %sort3A_562[%rev3A_567] in [0] : vector<16xf32>, vector<16xi32> -> vector<16xf32>
    %max3A_569 = arith.maximumf %sort3A_539, %rev3A_568 : vector<16xf32>
    %sort3A_570 = arith.constant dense<true> : vector<16xi1>
    %sort3A_571, %sort3A_572, %sort3A_573 = tpu.sort %max3A_569, %max3A_569 masked %sort3A_570 : (vector<16xf32>, vector<16xf32>, vector<16xi1>) -> (vector<16xi1>, vector<16xf32>, vector<16xf32>)
    %min3A_574 = arith.minimumf %sort3A_539, %rev3A_568 : vector<16xf32>
    %sort3A_575 = arith.constant dense<true> : vector<16xi1>
    %sort3A_576, %sort3A_577, %sort3A_578 = tpu.sort %min3A_574, %min3A_574 masked %sort3A_575 : (vector<16xf32>, vector<16xf32>, vector<16xi1>) -> (vector<16xi1>, vector<16xf32>, vector<16xf32>)
    %reduce_min3A_579 = arith.constant true
    %reduce_min3A_580 = vector.broadcast %reduce_min3A_579 : i1 to vector<16xi1>
    %reduce_min3A_581 = tpu.scan <min>, %sort3A_577 masked %reduce_min3A_580 : vector<16xf32>, vector<16xi1> -> vector<16xf32>
    %reduce_min3A_582 = vector.extract %reduce_min3A_581[15] : f32 from vector<16xf32>
    %get3A_583 = arith.constant 2 : i32
    %get3A_584 = arith.index_cast %get3A_583 : i32 to index
    %get3A_585 = arith.constant 0 : index
    %get3A_586 = tpu.vector_load %arg10[%get3A_584, %get3A_585] {strides = array<i32>} : memref<4x128xf32, #tpu.memory_space<vmem>>, vector<16xf32>,
    %sort3A_587 = arith.constant dense<true> : vector<16xi1>
    %sort3A_588, %sort3A_589, %sort3A_590 = tpu.sort %get3A_586, %get3A_586 masked %sort3A_587 : (vector<16xf32>, vector<16xf32>, vector<16xi1>) -> (vector<16xi1>, vector<16xf32>, vector<16xf32>)
    %rev3A_591 = arith.constant 15 : i32
    %rev3A_592 = vector.broadcast %rev3A_591 : i32 to vector<16xi32>
    %rev3A_593 = tpu.iota {dimensions = array<i32: 0>} : vector<16xi32>
    %rev3A_594 = arith.subi %rev3A_592, %rev3A_593 : vector<16xi32>
    %rev3A_595 = tpu.dynamic_gather %sort3A_589[%rev3A_594] in [0] : vector<16xf32>, vector<16xi32> -> vector<16xf32>
    %max3A_596 = arith.maximumf %broadcast_in_dim3A_4, %rev3A_595 : vector<16xf32>
    %sort3A_597 = arith.constant dense<true> : vector<16xi1>
    %sort3A_598, %sort3A_599, %sort3A_600 = tpu.sort %max3A_596, %max3A_596 masked %sort3A_597 : (vector<16xf32>, vector<16xf32>, vector<16xi1>) -> (vector<16xi1>, vector<16xf32>, vector<16xf32>)
    %rev3A_601 = arith.constant 15 : i32
    %rev3A_602 = vector.broadcast %rev3A_601 : i32 to vector<16xi32>
    %rev3A_603 = tpu.iota {dimensions = array<i32: 0>} : vector<16xi32>
    %rev3A_604 = arith.subi %rev3A_602, %rev3A_603 : vector<16xi32>
    %rev3A_605 = tpu.dynamic_gather %sort3A_599[%rev3A_604] in [0] : vector<16xf32>, vector<16xi32> -> vector<16xf32>
    %max3A_606 = arith.maximumf %broadcast_in_dim3A_4, %rev3A_605 : vector<16xf32>
    %sort3A_607 = arith.constant dense<true> : vector<16xi1>
    %sort3A_608, %sort3A_609, %sort3A_610 = tpu.sort %max3A_606, %max3A_606 masked %sort3A_607 : (vector<16xf32>, vector<16xf32>, vector<16xi1>) -> (vector<16xi1>, vector<16xf32>, vector<16xf32>)
    %min3A_611 = arith.minimumf %broadcast_in_dim3A_4, %rev3A_605 : vector<16xf32>
    %sort3A_612 = arith.constant dense<true> : vector<16xi1>
    %sort3A_613, %sort3A_614, %sort3A_615 = tpu.sort %min3A_611, %min3A_611 masked %sort3A_612 : (vector<16xf32>, vector<16xf32>, vector<16xi1>) -> (vector<16xi1>, vector<16xf32>, vector<16xf32>)
    %get3A_616 = arith.constant 2 : i32
    %get3A_617 = arith.index_cast %get3A_616 : i32 to index
    %get3A_618 = arith.constant 16 : index
    %get3A_619 = tpu.vector_load %arg10[%get3A_617, %get3A_618] {strides = array<i32>} : memref<4x128xf32, #tpu.memory_space<vmem>>, vector<16xf32>,
    %sort3A_620 = arith.constant dense<true> : vector<16xi1>
    %sort3A_621, %sort3A_622, %sort3A_623 = tpu.sort %get3A_619, %get3A_619 masked %sort3A_620 : (vector<16xf32>, vector<16xf32>, vector<16xi1>) -> (vector<16xi1>, vector<16xf32>, vector<16xf32>)
    %rev3A_624 = arith.constant 15 : i32
    %rev3A_625 = vector.broadcast %rev3A_624 : i32 to vector<16xi32>
    %rev3A_626 = tpu.iota {dimensions = array<i32: 0>} : vector<16xi32>
    %rev3A_627 = arith.subi %rev3A_625, %rev3A_626 : vector<16xi32>
    %rev3A_628 = tpu.dynamic_gather %sort3A_622[%rev3A_627] in [0] : vector<16xf32>, vector<16xi32> -> vector<16xf32>
    %max3A_629 = arith.maximumf %sort3A_614, %rev3A_628 : vector<16xf32>
    %sort3A_630 = arith.constant dense<true> : vector<16xi1>
    %sort3A_631, %sort3A_632, %sort3A_633 = tpu.sort %max3A_629, %max3A_629 masked %sort3A_630 : (vector<16xf32>, vector<16xf32>, vector<16xi1>) -> (vector<16xi1>, vector<16xf32>, vector<16xf32>)
    %rev3A_634 = arith.constant 15 : i32
    %rev3A_635 = vector.broadcast %rev3A_634 : i32 to vector<16xi32>
    %rev3A_636 = tpu.iota {dimensions = array<i32: 0>} : vector<16xi32>
    %rev3A_637 = arith.subi %rev3A_635, %rev3A_636 : vector<16xi32>
    %rev3A_638 = tpu.dynamic_gather %sort3A_632[%rev3A_637] in [0] : vector<16xf32>, vector<16xi32> -> vector<16xf32>
    %max3A_639 = arith.maximumf %sort3A_609, %rev3A_638 : vector<16xf32>
    %sort3A_640 = arith.constant dense<true> : vector<16xi1>
    %sort3A_641, %sort3A_642, %sort3A_643 = tpu.sort %max3A_639, %max3A_639 masked %sort3A_640 : (vector<16xf32>, vector<16xf32>, vector<16xi1>) -> (vector<16xi1>, vector<16xf32>, vector<16xf32>)
    %min3A_644 = arith.minimumf %sort3A_609, %rev3A_638 : vector<16xf32>
    %sort3A_645 = arith.constant dense<true> : vector<16xi1>
    %sort3A_646, %sort3A_647, %sort3A_648 = tpu.sort %min3A_644, %min3A_644 masked %sort3A_645 : (vector<16xf32>, vector<16xf32>, vector<16xi1>) -> (vector<16xi1>, vector<16xf32>, vector<16xf32>)
    %get3A_649 = arith.constant 2 : i32
    %get3A_650 = arith.index_cast %get3A_649 : i32 to index
    %get3A_651 = arith.constant 32 : index
    %get3A_652 = tpu.vector_load %arg10[%get3A_650, %get3A_651] {strides = array<i32>} : memref<4x128xf32, #tpu.memory_space<vmem>>, vector<16xf32>,
    %sort3A_653 = arith.constant dense<true> : vector<16xi1>
    %sort3A_654, %sort3A_655, %sort3A_656 = tpu.sort %get3A_652, %get3A_652 masked %sort3A_653 : (vector<16xf32>, vector<16xf32>, vector<16xi1>) -> (vector<16xi1>, vector<16xf32>, vector<16xf32>)
    %rev3A_657 = arith.constant 15 : i32
    %rev3A_658 = vector.broadcast %rev3A_657 : i32 to vector<16xi32>
    %rev3A_659 = tpu.iota {dimensions = array<i32: 0>} : vector<16xi32>
    %rev3A_660 = arith.subi %rev3A_658, %rev3A_659 : vector<16xi32>
    %rev3A_661 = tpu.dynamic_gather %sort3A_655[%rev3A_660] in [0] : vector<16xf32>, vector<16xi32> -> vector<16xf32>
    %max3A_662 = arith.maximumf %sort3A_647, %rev3A_661 : vector<16xf32>
    %sort3A_663 = arith.constant dense<true> : vector<16xi1>
    %sort3A_664, %sort3A_665, %sort3A_666 = tpu.sort %max3A_662, %max3A_662 masked %sort3A_663 : (vector<16xf32>, vector<16xf32>, vector<16xi1>) -> (vector<16xi1>, vector<16xf32>, vector<16xf32>)
    %rev3A_667 = arith.constant 15 : i32
    %rev3A_668 = vector.broadcast %rev3A_667 : i32 to vector<16xi32>
    %rev3A_669 = tpu.iota {dimensions = array<i32: 0>} : vector<16xi32>
    %rev3A_670 = arith.subi %rev3A_668, %rev3A_669 : vector<16xi32>
    %rev3A_671 = tpu.dynamic_gather %sort3A_665[%rev3A_670] in [0] : vector<16xf32>, vector<16xi32> -> vector<16xf32>
    %max3A_672 = arith.maximumf %sort3A_642, %rev3A_671 : vector<16xf32>
    %sort3A_673 = arith.constant dense<true> : vector<16xi1>
    %sort3A_674, %sort3A_675, %sort3A_676 = tpu.sort %max3A_672, %max3A_672 masked %sort3A_673 : (vector<16xf32>, vector<16xf32>, vector<16xi1>) -> (vector<16xi1>, vector<16xf32>, vector<16xf32>)
    %min3A_677 = arith.minimumf %sort3A_642, %rev3A_671 : vector<16xf32>
    %sort3A_678 = arith.constant dense<true> : vector<16xi1>
    %sort3A_679, %sort3A_680, %sort3A_681 = tpu.sort %min3A_677, %min3A_677 masked %sort3A_678 : (vector<16xf32>, vector<16xf32>, vector<16xi1>) -> (vector<16xi1>, vector<16xf32>, vector<16xf32>)
    %get3A_682 = arith.constant 2 : i32
    %get3A_683 = arith.index_cast %get3A_682 : i32 to index
    %get3A_684 = arith.constant 48 : index
    %get3A_685 = tpu.vector_load %arg10[%get3A_683, %get3A_684] {strides = array<i32>} : memref<4x128xf32, #tpu.memory_space<vmem>>, vector<16xf32>,
    %sort3A_686 = arith.constant dense<true> : vector<16xi1>
    %sort3A_687, %sort3A_688, %sort3A_689 = tpu.sort %get3A_685, %get3A_685 masked %sort3A_686 : (vector<16xf32>, vector<16xf32>, vector<16xi1>) -> (vector<16xi1>, vector<16xf32>, vector<16xf32>)
    %rev3A_690 = arith.constant 15 : i32
    %rev3A_691 = vector.broadcast %rev3A_690 : i32 to vector<16xi32>
    %rev3A_692 = tpu.iota {dimensions = array<i32: 0>} : vector<16xi32>
    %rev3A_693 = arith.subi %rev3A_691, %rev3A_692 : vector<16xi32>
    %rev3A_694 = tpu.dynamic_gather %sort3A_688[%rev3A_693] in [0] : vector<16xf32>, vector<16xi32> -> vector<16xf32>
    %max3A_695 = arith.maximumf %sort3A_680, %rev3A_694 : vector<16xf32>
    %sort3A_696 = arith.constant dense<true> : vector<16xi1>
    %sort3A_697, %sort3A_698, %sort3A_699 = tpu.sort %max3A_695, %max3A_695 masked %sort3A_696 : (vector<16xf32>, vector<16xf32>, vector<16xi1>) -> (vector<16xi1>, vector<16xf32>, vector<16xf32>)
    %rev3A_700 = arith.constant 15 : i32
    %rev3A_701 = vector.broadcast %rev3A_700 : i32 to vector<16xi32>
    %rev3A_702 = tpu.iota {dimensions = array<i32: 0>} : vector<16xi32>
    %rev3A_703 = arith.subi %rev3A_701, %rev3A_702 : vector<16xi32>
    %rev3A_704 = tpu.dynamic_gather %sort3A_698[%rev3A_703] in [0] : vector<16xf32>, vector<16xi32> -> vector<16xf32>
    %max3A_705 = arith.maximumf %sort3A_675, %rev3A_704 : vector<16xf32>
    %sort3A_706 = arith.constant dense<true> : vector<16xi1>
    %sort3A_707, %sort3A_708, %sort3A_709 = tpu.sort %max3A_705, %max3A_705 masked %sort3A_706 : (vector<16xf32>, vector<16xf32>, vector<16xi1>) -> (vector<16xi1>, vector<16xf32>, vector<16xf32>)
    %min3A_710 = arith.minimumf %sort3A_675, %rev3A_704 : vector<16xf32>
    %sort3A_711 = arith.constant dense<true> : vector<16xi1>
    %sort3A_712, %sort3A_713, %sort3A_714 = tpu.sort %min3A_710, %min3A_710 masked %sort3A_711 : (vector<16xf32>, vector<16xf32>, vector<16xi1>) -> (vector<16xi1>, vector<16xf32>, vector<16xf32>)
    %get3A_715 = arith.constant 2 : i32
    %get3A_716 = arith.index_cast %get3A_715 : i32 to index
    %get3A_717 = arith.constant 64 : index
    %get3A_718 = tpu.vector_load %arg10[%get3A_716, %get3A_717] {strides = array<i32>} : memref<4x128xf32, #tpu.memory_space<vmem>>, vector<16xf32>,
    %sort3A_719 = arith.constant dense<true> : vector<16xi1>
    %sort3A_720, %sort3A_721, %sort3A_722 = tpu.sort %get3A_718, %get3A_718 masked %sort3A_719 : (vector<16xf32>, vector<16xf32>, vector<16xi1>) -> (vector<16xi1>, vector<16xf32>, vector<16xf32>)
    %rev3A_723 = arith.constant 15 : i32
    %rev3A_724 = vector.broadcast %rev3A_723 : i32 to vector<16xi32>
    %rev3A_725 = tpu.iota {dimensions = array<i32: 0>} : vector<16xi32>
    %rev3A_726 = arith.subi %rev3A_724, %rev3A_725 : vector<16xi32>
    %rev3A_727 = tpu.dynamic_gather %sort3A_721[%rev3A_726] in [0] : vector<16xf32>, vector<16xi32> -> vector<16xf32>
    %max3A_728 = arith.maximumf %sort3A_713, %rev3A_727 : vector<16xf32>
    %sort3A_729 = arith.constant dense<true> : vector<16xi1>
    %sort3A_730, %sort3A_731, %sort3A_732 = tpu.sort %max3A_728, %max3A_728 masked %sort3A_729 : (vector<16xf32>, vector<16xf32>, vector<16xi1>) -> (vector<16xi1>, vector<16xf32>, vector<16xf32>)
    %rev3A_733 = arith.constant 15 : i32
    %rev3A_734 = vector.broadcast %rev3A_733 : i32 to vector<16xi32>
    %rev3A_735 = tpu.iota {dimensions = array<i32: 0>} : vector<16xi32>
    %rev3A_736 = arith.subi %rev3A_734, %rev3A_735 : vector<16xi32>
    %rev3A_737 = tpu.dynamic_gather %sort3A_731[%rev3A_736] in [0] : vector<16xf32>, vector<16xi32> -> vector<16xf32>
    %max3A_738 = arith.maximumf %sort3A_708, %rev3A_737 : vector<16xf32>
    %sort3A_739 = arith.constant dense<true> : vector<16xi1>
    %sort3A_740, %sort3A_741, %sort3A_742 = tpu.sort %max3A_738, %max3A_738 masked %sort3A_739 : (vector<16xf32>, vector<16xf32>, vector<16xi1>) -> (vector<16xi1>, vector<16xf32>, vector<16xf32>)
    %min3A_743 = arith.minimumf %sort3A_708, %rev3A_737 : vector<16xf32>
    %sort3A_744 = arith.constant dense<true> : vector<16xi1>
    %sort3A_745, %sort3A_746, %sort3A_747 = tpu.sort %min3A_743, %min3A_743 masked %sort3A_744 : (vector<16xf32>, vector<16xf32>, vector<16xi1>) -> (vector<16xi1>, vector<16xf32>, vector<16xf32>)
    %get3A_748 = arith.constant 2 : i32
    %get3A_749 = arith.index_cast %get3A_748 : i32 to index
    %get3A_750 = arith.constant 80 : index
    %get3A_751 = tpu.vector_load %arg10[%get3A_749, %get3A_750] {strides = array<i32>} : memref<4x128xf32, #tpu.memory_space<vmem>>, vector<16xf32>,
    %sort3A_752 = arith.constant dense<true> : vector<16xi1>
    %sort3A_753, %sort3A_754, %sort3A_755 = tpu.sort %get3A_751, %get3A_751 masked %sort3A_752 : (vector<16xf32>, vector<16xf32>, vector<16xi1>) -> (vector<16xi1>, vector<16xf32>, vector<16xf32>)
    %rev3A_756 = arith.constant 15 : i32
    %rev3A_757 = vector.broadcast %rev3A_756 : i32 to vector<16xi32>
    %rev3A_758 = tpu.iota {dimensions = array<i32: 0>} : vector<16xi32>
    %rev3A_759 = arith.subi %rev3A_757, %rev3A_758 : vector<16xi32>
    %rev3A_760 = tpu.dynamic_gather %sort3A_754[%rev3A_759] in [0] : vector<16xf32>, vector<16xi32> -> vector<16xf32>
    %max3A_761 = arith.maximumf %sort3A_746, %rev3A_760 : vector<16xf32>
    %sort3A_762 = arith.constant dense<true> : vector<16xi1>
    %sort3A_763, %sort3A_764, %sort3A_765 = tpu.sort %max3A_761, %max3A_761 masked %sort3A_762 : (vector<16xf32>, vector<16xf32>, vector<16xi1>) -> (vector<16xi1>, vector<16xf32>, vector<16xf32>)
    %rev3A_766 = arith.constant 15 : i32
    %rev3A_767 = vector.broadcast %rev3A_766 : i32 to vector<16xi32>
    %rev3A_768 = tpu.iota {dimensions = array<i32: 0>} : vector<16xi32>
    %rev3A_769 = arith.subi %rev3A_767, %rev3A_768 : vector<16xi32>
    %rev3A_770 = tpu.dynamic_gather %sort3A_764[%rev3A_769] in [0] : vector<16xf32>, vector<16xi32> -> vector<16xf32>
    %max3A_771 = arith.maximumf %sort3A_741, %rev3A_770 : vector<16xf32>
    %sort3A_772 = arith.constant dense<true> : vector<16xi1>
    %sort3A_773, %sort3A_774, %sort3A_775 = tpu.sort %max3A_771, %max3A_771 masked %sort3A_772 : (vector<16xf32>, vector<16xf32>, vector<16xi1>) -> (vector<16xi1>, vector<16xf32>, vector<16xf32>)
    %min3A_776 = arith.minimumf %sort3A_741, %rev3A_770 : vector<16xf32>
    %sort3A_777 = arith.constant dense<true> : vector<16xi1>
    %sort3A_778, %sort3A_779, %sort3A_780 = tpu.sort %min3A_776, %min3A_776 masked %sort3A_777 : (vector<16xf32>, vector<16xf32>, vector<16xi1>) -> (vector<16xi1>, vector<16xf32>, vector<16xf32>)
    %get3A_781 = arith.constant 2 : i32
    %get3A_782 = arith.index_cast %get3A_781 : i32 to index
    %get3A_783 = arith.constant 96 : index
    %get3A_784 = tpu.vector_load %arg10[%get3A_782, %get3A_783] {strides = array<i32>} : memref<4x128xf32, #tpu.memory_space<vmem>>, vector<16xf32>,
    %sort3A_785 = arith.constant dense<true> : vector<16xi1>
    %sort3A_786, %sort3A_787, %sort3A_788 = tpu.sort %get3A_784, %get3A_784 masked %sort3A_785 : (vector<16xf32>, vector<16xf32>, vector<16xi1>) -> (vector<16xi1>, vector<16xf32>, vector<16xf32>)
    %rev3A_789 = arith.constant 15 : i32
    %rev3A_790 = vector.broadcast %rev3A_789 : i32 to vector<16xi32>
    %rev3A_791 = tpu.iota {dimensions = array<i32: 0>} : vector<16xi32>
    %rev3A_792 = arith.subi %rev3A_790, %rev3A_791 : vector<16xi32>
    %rev3A_793 = tpu.dynamic_gather %sort3A_787[%rev3A_792] in [0] : vector<16xf32>, vector<16xi32> -> vector<16xf32>
    %max3A_794 = arith.maximumf %sort3A_779, %rev3A_793 : vector<16xf32>
    %sort3A_795 = arith.constant dense<true> : vector<16xi1>
    %sort3A_796, %sort3A_797, %sort3A_798 = tpu.sort %max3A_794, %max3A_794 masked %sort3A_795 : (vector<16xf32>, vector<16xf32>, vector<16xi1>) -> (vector<16xi1>, vector<16xf32>, vector<16xf32>)
    %rev3A_799 = arith.constant 15 : i32
    %rev3A_800 = vector.broadcast %rev3A_799 : i32 to vector<16xi32>
    %rev3A_801 = tpu.iota {dimensions = array<i32: 0>} : vector<16xi32>
    %rev3A_802 = arith.subi %rev3A_800, %rev3A_801 : vector<16xi32>
    %rev3A_803 = tpu.dynamic_gather %sort3A_797[%rev3A_802] in [0] : vector<16xf32>, vector<16xi32> -> vector<16xf32>
    %max3A_804 = arith.maximumf %sort3A_774, %rev3A_803 : vector<16xf32>
    %sort3A_805 = arith.constant dense<true> : vector<16xi1>
    %sort3A_806, %sort3A_807, %sort3A_808 = tpu.sort %max3A_804, %max3A_804 masked %sort3A_805 : (vector<16xf32>, vector<16xf32>, vector<16xi1>) -> (vector<16xi1>, vector<16xf32>, vector<16xf32>)
    %min3A_809 = arith.minimumf %sort3A_774, %rev3A_803 : vector<16xf32>
    %sort3A_810 = arith.constant dense<true> : vector<16xi1>
    %sort3A_811, %sort3A_812, %sort3A_813 = tpu.sort %min3A_809, %min3A_809 masked %sort3A_810 : (vector<16xf32>, vector<16xf32>, vector<16xi1>) -> (vector<16xi1>, vector<16xf32>, vector<16xf32>)
    %get3A_814 = arith.constant 2 : i32
    %get3A_815 = arith.index_cast %get3A_814 : i32 to index
    %get3A_816 = arith.constant 112 : index
    %get3A_817 = tpu.vector_load %arg10[%get3A_815, %get3A_816] {strides = array<i32>} : memref<4x128xf32, #tpu.memory_space<vmem>>, vector<16xf32>,
    %sort3A_818 = arith.constant dense<true> : vector<16xi1>
    %sort3A_819, %sort3A_820, %sort3A_821 = tpu.sort %get3A_817, %get3A_817 masked %sort3A_818 : (vector<16xf32>, vector<16xf32>, vector<16xi1>) -> (vector<16xi1>, vector<16xf32>, vector<16xf32>)
    %rev3A_822 = arith.constant 15 : i32
    %rev3A_823 = vector.broadcast %rev3A_822 : i32 to vector<16xi32>
    %rev3A_824 = tpu.iota {dimensions = array<i32: 0>} : vector<16xi32>
    %rev3A_825 = arith.subi %rev3A_823, %rev3A_824 : vector<16xi32>
    %rev3A_826 = tpu.dynamic_gather %sort3A_820[%rev3A_825] in [0] : vector<16xf32>, vector<16xi32> -> vector<16xf32>
    %max3A_827 = arith.maximumf %sort3A_812, %rev3A_826 : vector<16xf32>
    %sort3A_828 = arith.constant dense<true> : vector<16xi1>
    %sort3A_829, %sort3A_830, %sort3A_831 = tpu.sort %max3A_827, %max3A_827 masked %sort3A_828 : (vector<16xf32>, vector<16xf32>, vector<16xi1>) -> (vector<16xi1>, vector<16xf32>, vector<16xf32>)
    %rev3A_832 = arith.constant 15 : i32
    %rev3A_833 = vector.broadcast %rev3A_832 : i32 to vector<16xi32>
    %rev3A_834 = tpu.iota {dimensions = array<i32: 0>} : vector<16xi32>
    %rev3A_835 = arith.subi %rev3A_833, %rev3A_834 : vector<16xi32>
    %rev3A_836 = tpu.dynamic_gather %sort3A_830[%rev3A_835] in [0] : vector<16xf32>, vector<16xi32> -> vector<16xf32>
    %max3A_837 = arith.maximumf %sort3A_807, %rev3A_836 : vector<16xf32>
    %sort3A_838 = arith.constant dense<true> : vector<16xi1>
    %sort3A_839, %sort3A_840, %sort3A_841 = tpu.sort %max3A_837, %max3A_837 masked %sort3A_838 : (vector<16xf32>, vector<16xf32>, vector<16xi1>) -> (vector<16xi1>, vector<16xf32>, vector<16xf32>)
    %min3A_842 = arith.minimumf %sort3A_807, %rev3A_836 : vector<16xf32>
    %sort3A_843 = arith.constant dense<true> : vector<16xi1>
    %sort3A_844, %sort3A_845, %sort3A_846 = tpu.sort %min3A_842, %min3A_842 masked %sort3A_843 : (vector<16xf32>, vector<16xf32>, vector<16xi1>) -> (vector<16xi1>, vector<16xf32>, vector<16xf32>)
    %reduce_min3A_847 = arith.constant true
    %reduce_min3A_848 = vector.broadcast %reduce_min3A_847 : i1 to vector<16xi1>
    %reduce_min3A_849 = tpu.scan <min>, %sort3A_845 masked %reduce_min3A_848 : vector<16xf32>, vector<16xi1> -> vector<16xf32>
    %reduce_min3A_850 = vector.extract %reduce_min3A_849[15] : f32 from vector<16xf32>
    %get3A_851 = arith.constant 3 : i32
    %get3A_852 = arith.index_cast %get3A_851 : i32 to index
    %get3A_853 = arith.constant 0 : index
    %get3A_854 = tpu.vector_load %arg10[%get3A_852, %get3A_853] {strides = array<i32>} : memref<4x128xf32, #tpu.memory_space<vmem>>, vector<16xf32>,
    %sort3A_855 = arith.constant dense<true> : vector<16xi1>
    %sort3A_856, %sort3A_857, %sort3A_858 = tpu.sort %get3A_854, %get3A_854 masked %sort3A_855 : (vector<16xf32>, vector<16xf32>, vector<16xi1>) -> (vector<16xi1>, vector<16xf32>, vector<16xf32>)
    %rev3A_859 = arith.constant 15 : i32
    %rev3A_860 = vector.broadcast %rev3A_859 : i32 to vector<16xi32>
    %rev3A_861 = tpu.iota {dimensions = array<i32: 0>} : vector<16xi32>
    %rev3A_862 = arith.subi %rev3A_860, %rev3A_861 : vector<16xi32>
    %rev3A_863 = tpu.dynamic_gather %sort3A_857[%rev3A_862] in [0] : vector<16xf32>, vector<16xi32> -> vector<16xf32>
    %max3A_864 = arith.maximumf %broadcast_in_dim3A_4, %rev3A_863 : vector<16xf32>
    %sort3A_865 = arith.constant dense<true> : vector<16xi1>
    %sort3A_866, %sort3A_867, %sort3A_868 = tpu.sort %max3A_864, %max3A_864 masked %sort3A_865 : (vector<16xf32>, vector<16xf32>, vector<16xi1>) -> (vector<16xi1>, vector<16xf32>, vector<16xf32>)
    %rev3A_869 = arith.constant 15 : i32
    %rev3A_870 = vector.broadcast %rev3A_869 : i32 to vector<16xi32>
    %rev3A_871 = tpu.iota {dimensions = array<i32: 0>} : vector<16xi32>
    %rev3A_872 = arith.subi %rev3A_870, %rev3A_871 : vector<16xi32>
    %rev3A_873 = tpu.dynamic_gather %sort3A_867[%rev3A_872] in [0] : vector<16xf32>, vector<16xi32> -> vector<16xf32>
    %max3A_874 = arith.maximumf %broadcast_in_dim3A_4, %rev3A_873 : vector<16xf32>
    %sort3A_875 = arith.constant dense<true> : vector<16xi1>
    %sort3A_876, %sort3A_877, %sort3A_878 = tpu.sort %max3A_874, %max3A_874 masked %sort3A_875 : (vector<16xf32>, vector<16xf32>, vector<16xi1>) -> (vector<16xi1>, vector<16xf32>, vector<16xf32>)
    %min3A_879 = arith.minimumf %broadcast_in_dim3A_4, %rev3A_873 : vector<16xf32>
    %sort3A_880 = arith.constant dense<true> : vector<16xi1>
    %sort3A_881, %sort3A_882, %sort3A_883 = tpu.sort %min3A_879, %min3A_879 masked %sort3A_880 : (vector<16xf32>, vector<16xf32>, vector<16xi1>) -> (vector<16xi1>, vector<16xf32>, vector<16xf32>)
    %get3A_884 = arith.constant 3 : i32
    %get3A_885 = arith.index_cast %get3A_884 : i32 to index
    %get3A_886 = arith.constant 16 : index
    %get3A_887 = tpu.vector_load %arg10[%get3A_885, %get3A_886] {strides = array<i32>} : memref<4x128xf32, #tpu.memory_space<vmem>>, vector<16xf32>,
    %sort3A_888 = arith.constant dense<true> : vector<16xi1>
    %sort3A_889, %sort3A_890, %sort3A_891 = tpu.sort %get3A_887, %get3A_887 masked %sort3A_888 : (vector<16xf32>, vector<16xf32>, vector<16xi1>) -> (vector<16xi1>, vector<16xf32>, vector<16xf32>)
    %rev3A_892 = arith.constant 15 : i32
    %rev3A_893 = vector.broadcast %rev3A_892 : i32 to vector<16xi32>
    %rev3A_894 = tpu.iota {dimensions = array<i32: 0>} : vector<16xi32>
    %rev3A_895 = arith.subi %rev3A_893, %rev3A_894 : vector<16xi32>
    %rev3A_896 = tpu.dynamic_gather %sort3A_890[%rev3A_895] in [0] : vector<16xf32>, vector<16xi32> -> vector<16xf32>
    %max3A_897 = arith.maximumf %sort3A_882, %rev3A_896 : vector<16xf32>
    %sort3A_898 = arith.constant dense<true> : vector<16xi1>
    %sort3A_899, %sort3A_900, %sort3A_901 = tpu.sort %max3A_897, %max3A_897 masked %sort3A_898 : (vector<16xf32>, vector<16xf32>, vector<16xi1>) -> (vector<16xi1>, vector<16xf32>, vector<16xf32>)
    %rev3A_902 = arith.constant 15 : i32
    %rev3A_903 = vector.broadcast %rev3A_902 : i32 to vector<16xi32>
    %rev3A_904 = tpu.iota {dimensions = array<i32: 0>} : vector<16xi32>
    %rev3A_905 = arith.subi %rev3A_903, %rev3A_904 : vector<16xi32>
    %rev3A_906 = tpu.dynamic_gather %sort3A_900[%rev3A_905] in [0] : vector<16xf32>, vector<16xi32> -> vector<16xf32>
    %max3A_907 = arith.maximumf %sort3A_877, %rev3A_906 : vector<16xf32>
    %sort3A_908 = arith.constant dense<true> : vector<16xi1>
    %sort3A_909, %sort3A_910, %sort3A_911 = tpu.sort %max3A_907, %max3A_907 masked %sort3A_908 : (vector<16xf32>, vector<16xf32>, vector<16xi1>) -> (vector<16xi1>, vector<16xf32>, vector<16xf32>)
    %min3A_912 = arith.minimumf %sort3A_877, %rev3A_906 : vector<16xf32>
    %sort3A_913 = arith.constant dense<true> : vector<16xi1>
    %sort3A_914, %sort3A_915, %sort3A_916 = tpu.sort %min3A_912, %min3A_912 masked %sort3A_913 : (vector<16xf32>, vector<16xf32>, vector<16xi1>) -> (vector<16xi1>, vector<16xf32>, vector<16xf32>)
    %get3A_917 = arith.constant 3 : i32
    %get3A_918 = arith.index_cast %get3A_917 : i32 to index
    %get3A_919 = arith.constant 32 : index
    %get3A_920 = tpu.vector_load %arg10[%get3A_918, %get3A_919] {strides = array<i32>} : memref<4x128xf32, #tpu.memory_space<vmem>>, vector<16xf32>,
    %sort3A_921 = arith.constant dense<true> : vector<16xi1>
    %sort3A_922, %sort3A_923, %sort3A_924 = tpu.sort %get3A_920, %get3A_920 masked %sort3A_921 : (vector<16xf32>, vector<16xf32>, vector<16xi1>) -> (vector<16xi1>, vector<16xf32>, vector<16xf32>)
    %rev3A_925 = arith.constant 15 : i32
    %rev3A_926 = vector.broadcast %rev3A_925 : i32 to vector<16xi32>
    %rev3A_927 = tpu.iota {dimensions = array<i32: 0>} : vector<16xi32>
    %rev3A_928 = arith.subi %rev3A_926, %rev3A_927 : vector<16xi32>
    %rev3A_929 = tpu.dynamic_gather %sort3A_923[%rev3A_928] in [0] : vector<16xf32>, vector<16xi32> -> vector<16xf32>
    %max3A_930 = arith.maximumf %sort3A_915, %rev3A_929 : vector<16xf32>
    %sort3A_931 = arith.constant dense<true> : vector<16xi1>
    %sort3A_932, %sort3A_933, %sort3A_934 = tpu.sort %max3A_930, %max3A_930 masked %sort3A_931 : (vector<16xf32>, vector<16xf32>, vector<16xi1>) -> (vector<16xi1>, vector<16xf32>, vector<16xf32>)
    %rev3A_935 = arith.constant 15 : i32
    %rev3A_936 = vector.broadcast %rev3A_935 : i32 to vector<16xi32>
    %rev3A_937 = tpu.iota {dimensions = array<i32: 0>} : vector<16xi32>
    %rev3A_938 = arith.subi %rev3A_936, %rev3A_937 : vector<16xi32>
    %rev3A_939 = tpu.dynamic_gather %sort3A_933[%rev3A_938] in [0] : vector<16xf32>, vector<16xi32> -> vector<16xf32>
    %max3A_940 = arith.maximumf %sort3A_910, %rev3A_939 : vector<16xf32>
    %sort3A_941 = arith.constant dense<true> : vector<16xi1>
    %sort3A_942, %sort3A_943, %sort3A_944 = tpu.sort %max3A_940, %max3A_940 masked %sort3A_941 : (vector<16xf32>, vector<16xf32>, vector<16xi1>) -> (vector<16xi1>, vector<16xf32>, vector<16xf32>)
    %min3A_945 = arith.minimumf %sort3A_910, %rev3A_939 : vector<16xf32>
    %sort3A_946 = arith.constant dense<true> : vector<16xi1>
    %sort3A_947, %sort3A_948, %sort3A_949 = tpu.sort %min3A_945, %min3A_945 masked %sort3A_946 : (vector<16xf32>, vector<16xf32>, vector<16xi1>) -> (vector<16xi1>, vector<16xf32>, vector<16xf32>)
    %get3A_950 = arith.constant 3 : i32
    %get3A_951 = arith.index_cast %get3A_950 : i32 to index
    %get3A_952 = arith.constant 48 : index
    %get3A_953 = tpu.vector_load %arg10[%get3A_951, %get3A_952] {strides = array<i32>} : memref<4x128xf32, #tpu.memory_space<vmem>>, vector<16xf32>,
    %sort3A_954 = arith.constant dense<true> : vector<16xi1>
    %sort3A_955, %sort3A_956, %sort3A_957 = tpu.sort %get3A_953, %get3A_953 masked %sort3A_954 : (vector<16xf32>, vector<16xf32>, vector<16xi1>) -> (vector<16xi1>, vector<16xf32>, vector<16xf32>)
    %rev3A_958 = arith.constant 15 : i32
    %rev3A_959 = vector.broadcast %rev3A_958 : i32 to vector<16xi32>
    %rev3A_960 = tpu.iota {dimensions = array<i32: 0>} : vector<16xi32>
    %rev3A_961 = arith.subi %rev3A_959, %rev3A_960 : vector<16xi32>
    %rev3A_962 = tpu.dynamic_gather %sort3A_956[%rev3A_961] in [0] : vector<16xf32>, vector<16xi32> -> vector<16xf32>
    %max3A_963 = arith.maximumf %sort3A_948, %rev3A_962 : vector<16xf32>
    %sort3A_964 = arith.constant dense<true> : vector<16xi1>
    %sort3A_965, %sort3A_966, %sort3A_967 = tpu.sort %max3A_963, %max3A_963 masked %sort3A_964 : (vector<16xf32>, vector<16xf32>, vector<16xi1>) -> (vector<16xi1>, vector<16xf32>, vector<16xf32>)
    %rev3A_968 = arith.constant 15 : i32
    %rev3A_969 = vector.broadcast %rev3A_968 : i32 to vector<16xi32>
    %rev3A_970 = tpu.iota {dimensions = array<i32: 0>} : vector<16xi32>
    %rev3A_971 = arith.subi %rev3A_969, %rev3A_970 : vector<16xi32>
    %rev3A_972 = tpu.dynamic_gather %sort3A_966[%rev3A_971] in [0] : vector<16xf32>, vector<16xi32> -> vector<16xf32>
    %max3A_973 = arith.maximumf %sort3A_943, %rev3A_972 : vector<16xf32>
    %sort3A_974 = arith.constant dense<true> : vector<16xi1>
    %sort3A_975, %sort3A_976, %sort3A_977 = tpu.sort %max3A_973, %max3A_973 masked %sort3A_974 : (vector<16xf32>, vector<16xf32>, vector<16xi1>) -> (vector<16xi1>, vector<16xf32>, vector<16xf32>)
    %min3A_978 = arith.minimumf %sort3A_943, %rev3A_972 : vector<16xf32>
    %sort3A_979 = arith.constant dense<true> : vector<16xi1>
    %sort3A_980, %sort3A_981, %sort3A_982 = tpu.sort %min3A_978, %min3A_978 masked %sort3A_979 : (vector<16xf32>, vector<16xf32>, vector<16xi1>) -> (vector<16xi1>, vector<16xf32>, vector<16xf32>)
    %get3A_983 = arith.constant 3 : i32
    %get3A_984 = arith.index_cast %get3A_983 : i32 to index
    %get3A_985 = arith.constant 64 : index
    %get3A_986 = tpu.vector_load %arg10[%get3A_984, %get3A_985] {strides = array<i32>} : memref<4x128xf32, #tpu.memory_space<vmem>>, vector<16xf32>,
    %sort3A_987 = arith.constant dense<true> : vector<16xi1>
    %sort3A_988, %sort3A_989, %sort3A_990 = tpu.sort %get3A_986, %get3A_986 masked %sort3A_987 : (vector<16xf32>, vector<16xf32>, vector<16xi1>) -> (vector<16xi1>, vector<16xf32>, vector<16xf32>)
    %rev3A_991 = arith.constant 15 : i32
    %rev3A_992 = vector.broadcast %rev3A_991 : i32 to vector<16xi32>
    %rev3A_993 = tpu.iota {dimensions = array<i32: 0>} : vector<16xi32>
    %rev3A_994 = arith.subi %rev3A_992, %rev3A_993 : vector<16xi32>
    %rev3A_995 = tpu.dynamic_gather %sort3A_989[%rev3A_994] in [0] : vector<16xf32>, vector<16xi32> -> vector<16xf32>
    %max3A_996 = arith.maximumf %sort3A_981, %rev3A_995 : vector<16xf32>
    %sort3A_997 = arith.constant dense<true> : vector<16xi1>
    %sort3A_998, %sort3A_999, %sort3A_1000 = tpu.sort %max3A_996, %max3A_996 masked %sort3A_997 : (vector<16xf32>, vector<16xf32>, vector<16xi1>) -> (vector<16xi1>, vector<16xf32>, vector<16xf32>)
    %rev3A_1001 = arith.constant 15 : i32
    %rev3A_1002 = vector.broadcast %rev3A_1001 : i32 to vector<16xi32>
    %rev3A_1003 = tpu.iota {dimensions = array<i32: 0>} : vector<16xi32>
    %rev3A_1004 = arith.subi %rev3A_1002, %rev3A_1003 : vector<16xi32>
    %rev3A_1005 = tpu.dynamic_gather %sort3A_999[%rev3A_1004] in [0] : vector<16xf32>, vector<16xi32> -> vector<16xf32>
    %max3A_1006 = arith.maximumf %sort3A_976, %rev3A_1005 : vector<16xf32>
    %sort3A_1007 = arith.constant dense<true> : vector<16xi1>
    %sort3A_1008, %sort3A_1009, %sort3A_1010 = tpu.sort %max3A_1006, %max3A_1006 masked %sort3A_1007 : (vector<16xf32>, vector<16xf32>, vector<16xi1>) -> (vector<16xi1>, vector<16xf32>, vector<16xf32>)
    %min3A_1011 = arith.minimumf %sort3A_976, %rev3A_1005 : vector<16xf32>
    %sort3A_1012 = arith.constant dense<true> : vector<16xi1>
    %sort3A_1013, %sort3A_1014, %sort3A_1015 = tpu.sort %min3A_1011, %min3A_1011 masked %sort3A_1012 : (vector<16xf32>, vector<16xf32>, vector<16xi1>) -> (vector<16xi1>, vector<16xf32>, vector<16xf32>)
    %get3A_1016 = arith.constant 3 : i32
    %get3A_1017 = arith.index_cast %get3A_1016 : i32 to index
    %get3A_1018 = arith.constant 80 : index
    %get3A_1019 = tpu.vector_load %arg10[%get3A_1017, %get3A_1018] {strides = array<i32>} : memref<4x128xf32, #tpu.memory_space<vmem>>, vector<16xf32>,
    %sort3A_1020 = arith.constant dense<true> : vector<16xi1>
    %sort3A_1021, %sort3A_1022, %sort3A_1023 = tpu.sort %get3A_1019, %get3A_1019 masked %sort3A_1020 : (vector<16xf32>, vector<16xf32>, vector<16xi1>) -> (vector<16xi1>, vector<16xf32>, vector<16xf32>)
    %rev3A_1024 = arith.constant 15 : i32
    %rev3A_1025 = vector.broadcast %rev3A_1024 : i32 to vector<16xi32>
    %rev3A_1026 = tpu.iota {dimensions = array<i32: 0>} : vector<16xi32>
    %rev3A_1027 = arith.subi %rev3A_1025, %rev3A_1026 : vector<16xi32>
    %rev3A_1028 = tpu.dynamic_gather %sort3A_1022[%rev3A_1027] in [0] : vector<16xf32>, vector<16xi32> -> vector<16xf32>
    %max3A_1029 = arith.maximumf %sort3A_1014, %rev3A_1028 : vector<16xf32>
    %sort3A_1030 = arith.constant dense<true> : vector<16xi1>
    %sort3A_1031, %sort3A_1032, %sort3A_1033 = tpu.sort %max3A_1029, %max3A_1029 masked %sort3A_1030 : (vector<16xf32>, vector<16xf32>, vector<16xi1>) -> (vector<16xi1>, vector<16xf32>, vector<16xf32>)
    %rev3A_1034 = arith.constant 15 : i32
    %rev3A_1035 = vector.broadcast %rev3A_1034 : i32 to vector<16xi32>
    %rev3A_1036 = tpu.iota {dimensions = array<i32: 0>} : vector<16xi32>
    %rev3A_1037 = arith.subi %rev3A_1035, %rev3A_1036 : vector<16xi32>
    %rev3A_1038 = tpu.dynamic_gather %sort3A_1032[%rev3A_1037] in [0] : vector<16xf32>, vector<16xi32> -> vector<16xf32>
    %max3A_1039 = arith.maximumf %sort3A_1009, %rev3A_1038 : vector<16xf32>
    %sort3A_1040 = arith.constant dense<true> : vector<16xi1>
    %sort3A_1041, %sort3A_1042, %sort3A_1043 = tpu.sort %max3A_1039, %max3A_1039 masked %sort3A_1040 : (vector<16xf32>, vector<16xf32>, vector<16xi1>) -> (vector<16xi1>, vector<16xf32>, vector<16xf32>)
    %min3A_1044 = arith.minimumf %sort3A_1009, %rev3A_1038 : vector<16xf32>
    %sort3A_1045 = arith.constant dense<true> : vector<16xi1>
    %sort3A_1046, %sort3A_1047, %sort3A_1048 = tpu.sort %min3A_1044, %min3A_1044 masked %sort3A_1045 : (vector<16xf32>, vector<16xf32>, vector<16xi1>) -> (vector<16xi1>, vector<16xf32>, vector<16xf32>)
    %get3A_1049 = arith.constant 3 : i32
    %get3A_1050 = arith.index_cast %get3A_1049 : i32 to index
    %get3A_1051 = arith.constant 96 : index
    %get3A_1052 = tpu.vector_load %arg10[%get3A_1050, %get3A_1051] {strides = array<i32>} : memref<4x128xf32, #tpu.memory_space<vmem>>, vector<16xf32>,
    %sort3A_1053 = arith.constant dense<true> : vector<16xi1>
    %sort3A_1054, %sort3A_1055, %sort3A_1056 = tpu.sort %get3A_1052, %get3A_1052 masked %sort3A_1053 : (vector<16xf32>, vector<16xf32>, vector<16xi1>) -> (vector<16xi1>, vector<16xf32>, vector<16xf32>)
    %rev3A_1057 = arith.constant 15 : i32
    %rev3A_1058 = vector.broadcast %rev3A_1057 : i32 to vector<16xi32>
    %rev3A_1059 = tpu.iota {dimensions = array<i32: 0>} : vector<16xi32>
    %rev3A_1060 = arith.subi %rev3A_1058, %rev3A_1059 : vector<16xi32>
    %rev3A_1061 = tpu.dynamic_gather %sort3A_1055[%rev3A_1060] in [0] : vector<16xf32>, vector<16xi32> -> vector<16xf32>
    %max3A_1062 = arith.maximumf %sort3A_1047, %rev3A_1061 : vector<16xf32>
    %sort3A_1063 = arith.constant dense<true> : vector<16xi1>
    %sort3A_1064, %sort3A_1065, %sort3A_1066 = tpu.sort %max3A_1062, %max3A_1062 masked %sort3A_1063 : (vector<16xf32>, vector<16xf32>, vector<16xi1>) -> (vector<16xi1>, vector<16xf32>, vector<16xf32>)
    %rev3A_1067 = arith.constant 15 : i32
    %rev3A_1068 = vector.broadcast %rev3A_1067 : i32 to vector<16xi32>
    %rev3A_1069 = tpu.iota {dimensions = array<i32: 0>} : vector<16xi32>
    %rev3A_1070 = arith.subi %rev3A_1068, %rev3A_1069 : vector<16xi32>
    %rev3A_1071 = tpu.dynamic_gather %sort3A_1065[%rev3A_1070] in [0] : vector<16xf32>, vector<16xi32> -> vector<16xf32>
    %max3A_1072 = arith.maximumf %sort3A_1042, %rev3A_1071 : vector<16xf32>
    %sort3A_1073 = arith.constant dense<true> : vector<16xi1>
    %sort3A_1074, %sort3A_1075, %sort3A_1076 = tpu.sort %max3A_1072, %max3A_1072 masked %sort3A_1073 : (vector<16xf32>, vector<16xf32>, vector<16xi1>) -> (vector<16xi1>, vector<16xf32>, vector<16xf32>)
    %min3A_1077 = arith.minimumf %sort3A_1042, %rev3A_1071 : vector<16xf32>
    %sort3A_1078 = arith.constant dense<true> : vector<16xi1>
    %sort3A_1079, %sort3A_1080, %sort3A_1081 = tpu.sort %min3A_1077, %min3A_1077 masked %sort3A_1078 : (vector<16xf32>, vector<16xf32>, vector<16xi1>) -> (vector<16xi1>, vector<16xf32>, vector<16xf32>)
    %get3A_1082 = arith.constant 3 : i32
    %get3A_1083 = arith.index_cast %get3A_1082 : i32 to index
    %get3A_1084 = arith.constant 112 : index
    %get3A_1085 = tpu.vector_load %arg10[%get3A_1083, %get3A_1084] {strides = array<i32>} : memref<4x128xf32, #tpu.memory_space<vmem>>, vector<16xf32>,
    %sort3A_1086 = arith.constant dense<true> : vector<16xi1>
    %sort3A_1087, %sort3A_1088, %sort3A_1089 = tpu.sort %get3A_1085, %get3A_1085 masked %sort3A_1086 : (vector<16xf32>, vector<16xf32>, vector<16xi1>) -> (vector<16xi1>, vector<16xf32>, vector<16xf32>)
    %rev3A_1090 = arith.constant 15 : i32
    %rev3A_1091 = vector.broadcast %rev3A_1090 : i32 to vector<16xi32>
    %rev3A_1092 = tpu.iota {dimensions = array<i32: 0>} : vector<16xi32>
    %rev3A_1093 = arith.subi %rev3A_1091, %rev3A_1092 : vector<16xi32>
    %rev3A_1094 = tpu.dynamic_gather %sort3A_1088[%rev3A_1093] in [0] : vector<16xf32>, vector<16xi32> -> vector<16xf32>
    %max3A_1095 = arith.maximumf %sort3A_1080, %rev3A_1094 : vector<16xf32>
    %sort3A_1096 = arith.constant dense<true> : vector<16xi1>
    %sort3A_1097, %sort3A_1098, %sort3A_1099 = tpu.sort %max3A_1095, %max3A_1095 masked %sort3A_1096 : (vector<16xf32>, vector<16xf32>, vector<16xi1>) -> (vector<16xi1>, vector<16xf32>, vector<16xf32>)
    %rev3A_1100 = arith.constant 15 : i32
    %rev3A_1101 = vector.broadcast %rev3A_1100 : i32 to vector<16xi32>
    %rev3A_1102 = tpu.iota {dimensions = array<i32: 0>} : vector<16xi32>
    %rev3A_1103 = arith.subi %rev3A_1101, %rev3A_1102 : vector<16xi32>
    %rev3A_1104 = tpu.dynamic_gather %sort3A_1098[%rev3A_1103] in [0] : vector<16xf32>, vector<16xi32> -> vector<16xf32>
    %max3A_1105 = arith.maximumf %sort3A_1075, %rev3A_1104 : vector<16xf32>
    %sort3A_1106 = arith.constant dense<true> : vector<16xi1>
    %sort3A_1107, %sort3A_1108, %sort3A_1109 = tpu.sort %max3A_1105, %max3A_1105 masked %sort3A_1106 : (vector<16xf32>, vector<16xf32>, vector<16xi1>) -> (vector<16xi1>, vector<16xf32>, vector<16xf32>)
    %min3A_1110 = arith.minimumf %sort3A_1075, %rev3A_1104 : vector<16xf32>
    %sort3A_1111 = arith.constant dense<true> : vector<16xi1>
    %sort3A_1112, %sort3A_1113, %sort3A_1114 = tpu.sort %min3A_1110, %min3A_1110 masked %sort3A_1111 : (vector<16xf32>, vector<16xf32>, vector<16xi1>) -> (vector<16xi1>, vector<16xf32>, vector<16xf32>)
    %reduce_min3A_1115 = arith.constant true
    %reduce_min3A_1116 = vector.broadcast %reduce_min3A_1115 : i1 to vector<16xi1>
    %reduce_min3A_1117 = tpu.scan <min>, %sort3A_1113 masked %reduce_min3A_1116 : vector<16xf32>, vector<16xi1> -> vector<16xf32>
    %reduce_min3A_1118 = vector.extract %reduce_min3A_1117[15] : f32 from vector<16xf32>
    %dma_wait3A_1119 = arith.constant 0 : i32
    %dma_wait3A_1120 = tpu.memref_slice %arg2[%add3A_13, %dma_wait3A_1119] : memref<128x16384xf32, #tpu.memory_space<hbm>> -> memref<1x16384xf32, #tpu.memory_space<hbm>>
    %dma_wait3A_1121 = tpu.memref_squeeze %dma_wait3A_1120 : memref<1x16384xf32, #tpu.memory_space<hbm>> -> memref<16384xf32, #tpu.memory_space<hbm>>
    %dma_wait3A_1122 = arith.constant 0 : i32
    %dma_wait3A_1123 = tpu.memref_slice %arg2[%add3A_13, %dma_wait3A_1122] : memref<128x16384xf32, #tpu.memory_space<hbm>> -> memref<1x16384xf32, #tpu.memory_space<hbm>>
    %dma_wait3A_1124 = tpu.memref_squeeze %dma_wait3A_1123 : memref<1x16384xf32, #tpu.memory_space<hbm>> -> memref<16384xf32, #tpu.memory_space<hbm>>
    tpu.wait_dma2 semaphore(%arg12 : memref<!tpu.dma_semaphore, #tpu.memory_space<semaphore_mem>>) src(%dma_wait3A_1124 : memref<16384xf32, #tpu.memory_space<hbm>>) dst(%arg5 : memref<16384xf32, #tpu.memory_space<vmem>>)
    %parallel_loop3A = arith.constant 0 : i32
    %parallel_loop3A_1125 = arith.constant 1024 : i32
    %parallel_loop3A_1126 = arith.constant 1 : i32
    %parallel_loop3A_1127 = scf.for %parallel_loop3A_1272 = %parallel_loop3A to %parallel_loop3A_1125 step %parallel_loop3A_1126 iter_args(%parallel_loop3A_1273 = %mul3A_3) -> (vector<16xi32>)  : i32 {
      %parallel_loop3A_1274 = arith.constant 16 : i32
      %parallel_loop3A_1275 = arith.muli %parallel_loop3A_1272, %parallel_loop3A_1274 : i32
      %parallel_loop3A_1276 = arith.index_cast %parallel_loop3A_1275 : i32 to index
      %parallel_loop3A_1277 = tpu.vector_load %arg5[%parallel_loop3A_1276] {strides = array<i32>} : memref<16384xf32, #tpu.memory_space<vmem>>, vector<16xf32>,
      %parallel_loop3A_1278 = vector.broadcast %reduce_min3A_314 : f32 to vector<16xf32>
      %parallel_loop3A_1279 = arith.cmpf oge, %parallel_loop3A_1277, %parallel_loop3A_1278 : vector<16xf32>
      tpu.vector_store_idx %arg9[%parallel_loop3A_1273], %parallel_loop3A_1277 masked %parallel_loop3A_1279 : memref<16384xf32, #tpu.memory_space<vmem>>[vector<16xi32>], vector<16xf32>, vector<16xi1>
      %parallel_loop3A_1280 = arith.extui %parallel_loop3A_1279 : vector<16xi1> to vector<16xi32>
      %parallel_loop3A_1281 = arith.addi %parallel_loop3A_1273, %parallel_loop3A_1280 : vector<16xi32>
      scf.yield %parallel_loop3A_1281 : vector<16xi32>
    } {sc.loop_unroll_factor = 16 : i64, sc.parallel_access}
    %sub3A = arith.subi %parallel_loop3A_1127, %mul3A_3 : vector<16xi32>
    %reduce_max3A = arith.constant true
    %reduce_max3A_1128 = vector.broadcast %reduce_max3A : i1 to vector<16xi1>
    %reduce_max3A_1129 = arith.constant -2147483648 : i32
    %reduce_max3A_1130 = vector.broadcast %reduce_max3A_1129 : i32 to vector<16xi32>
    %reduce_max3A_1131 = arith.xori %sub3A, %reduce_max3A_1130 : vector<16xi32>
    %reduce_max3A_1132 = tpu.scan <max>, %reduce_max3A_1131 masked %reduce_max3A_1128 : vector<16xi32>, vector<16xi1> -> vector<16xi32>
    %reduce_max3A_1133 = arith.xori %reduce_max3A_1132, %reduce_max3A_1130 : vector<16xi32>
    %reduce_max3A_1134 = vector.extract %reduce_max3A_1133[15] : i32 from vector<16xi32>
    %while3A = arith.constant 0 : i32
    %while3A_1135 = arith.subi %reduce_max3A_1134, %while3A : i32
    %while3A_1136 = arith.addi %while3A, %while3A_1135 : i32
    %while3A_1137 = arith.constant 1 : i32
    %while3A_1138 = arith.divsi %while3A_1135, %while3A_1137 : i32
    %while3A_1139 = arith.muli %while3A_1138, %while3A_1137 : i32
    %while3A_1140 = arith.addi %while3A, %while3A_1139 : i32
    %while3A_1141 = arith.constant 1 : i32
    %while3A_1142:2 = scf.for %while3A_1272 = %while3A to %while3A_1140 step %while3A_1141 iter_args(%while3A_1273 = %broadcast_in_dim3A_4, %while3A_1274 = %broadcast_in_dim3A_4) -> (vector<16xf32>, vector<16xf32>)  : i32 {
      %add3A_1275 = vector.broadcast %while3A_1272 : i32 to vector<16xi32>
      %add3A_1276 = arith.addi %mul3A_3, %add3A_1275 : vector<16xi32>
      %gather3A = tpu.vector_load_idx %arg9[%add3A_1276] : memref<16384xf32, #tpu.memory_space<vmem>>[vector<16xi32>], vector<16xf32>,
      %lt3A = vector.broadcast %while3A_1272 : i32 to vector<16xi32>
      %lt3A_1277 = arith.cmpi slt, %lt3A, %sub3A : vector<16xi32>
      %jit3A = arith.constant -3.400000e+38 : f32
      %broadcast_in_dim3A_1278 = vector.broadcast %jit3A : f32 to vector<16xf32>
      %select_n3A = arith.select %lt3A_1277, %gather3A, %broadcast_in_dim3A_1278 : vector<16xi1>, vector<16xf32>
      %sort3A_1279 = arith.constant dense<true> : vector<16xi1>
      %sort3A_1280, %sort3A_1281, %sort3A_1282 = tpu.sort %select_n3A, %select_n3A masked %sort3A_1279 : (vector<16xf32>, vector<16xf32>, vector<16xi1>) -> (vector<16xi1>, vector<16xf32>, vector<16xf32>)
      %rev3A_1283 = arith.constant 15 : i32
      %rev3A_1284 = vector.broadcast %rev3A_1283 : i32 to vector<16xi32>
      %rev3A_1285 = tpu.iota {dimensions = array<i32: 0>} : vector<16xi32>
      %rev3A_1286 = arith.subi %rev3A_1284, %rev3A_1285 : vector<16xi32>
      %rev3A_1287 = tpu.dynamic_gather %sort3A_1281[%rev3A_1286] in [0] : vector<16xf32>, vector<16xi32> -> vector<16xf32>
      %max3A_1288 = arith.maximumf %while3A_1274, %rev3A_1287 : vector<16xf32>
      %sort3A_1289 = arith.constant dense<true> : vector<16xi1>
      %sort3A_1290, %sort3A_1291, %sort3A_1292 = tpu.sort %max3A_1288, %max3A_1288 masked %sort3A_1289 : (vector<16xf32>, vector<16xf32>, vector<16xi1>) -> (vector<16xi1>, vector<16xf32>, vector<16xf32>)
      %rev3A_1293 = arith.constant 15 : i32
      %rev3A_1294 = vector.broadcast %rev3A_1293 : i32 to vector<16xi32>
      %rev3A_1295 = tpu.iota {dimensions = array<i32: 0>} : vector<16xi32>
      %rev3A_1296 = arith.subi %rev3A_1294, %rev3A_1295 : vector<16xi32>
      %rev3A_1297 = tpu.dynamic_gather %sort3A_1291[%rev3A_1296] in [0] : vector<16xf32>, vector<16xi32> -> vector<16xf32>
      %max3A_1298 = arith.maximumf %while3A_1273, %rev3A_1297 : vector<16xf32>
      %sort3A_1299 = arith.constant dense<true> : vector<16xi1>
      %sort3A_1300, %sort3A_1301, %sort3A_1302 = tpu.sort %max3A_1298, %max3A_1298 masked %sort3A_1299 : (vector<16xf32>, vector<16xf32>, vector<16xi1>) -> (vector<16xi1>, vector<16xf32>, vector<16xf32>)
      %min3A_1303 = arith.minimumf %while3A_1273, %rev3A_1297 : vector<16xf32>
      %sort3A_1304 = arith.constant dense<true> : vector<16xi1>
      %sort3A_1305, %sort3A_1306, %sort3A_1307 = tpu.sort %min3A_1303, %min3A_1303 masked %sort3A_1304 : (vector<16xf32>, vector<16xf32>, vector<16xi1>) -> (vector<16xi1>, vector<16xf32>, vector<16xf32>)
      scf.yield %sort3A_1301, %sort3A_1306 : vector<16xf32>, vector<16xf32>
    }
    %while3A_1143 = arith.constant 1 : i32
    %while3A_1144:2 = scf.for %while3A_1272 = %while3A_1140 to %while3A_1136 step %while3A_1143 iter_args(%while3A_1273 = %while3A_1142#0, %while3A_1274 = %while3A_1142#1) -> (vector<16xf32>, vector<16xf32>)  : i32 {
      %add3A_1275 = vector.broadcast %while3A_1272 : i32 to vector<16xi32>
      %add3A_1276 = arith.addi %mul3A_3, %add3A_1275 : vector<16xi32>
      %gather3A = tpu.vector_load_idx %arg9[%add3A_1276] : memref<16384xf32, #tpu.memory_space<vmem>>[vector<16xi32>], vector<16xf32>,
      %lt3A = vector.broadcast %while3A_1272 : i32 to vector<16xi32>
      %lt3A_1277 = arith.cmpi slt, %lt3A, %sub3A : vector<16xi32>
      %jit3A = arith.constant -3.400000e+38 : f32
      %broadcast_in_dim3A_1278 = vector.broadcast %jit3A : f32 to vector<16xf32>
      %select_n3A = arith.select %lt3A_1277, %gather3A, %broadcast_in_dim3A_1278 : vector<16xi1>, vector<16xf32>
      %sort3A_1279 = arith.constant dense<true> : vector<16xi1>
      %sort3A_1280, %sort3A_1281, %sort3A_1282 = tpu.sort %select_n3A, %select_n3A masked %sort3A_1279 : (vector<16xf32>, vector<16xf32>, vector<16xi1>) -> (vector<16xi1>, vector<16xf32>, vector<16xf32>)
      %rev3A_1283 = arith.constant 15 : i32
      %rev3A_1284 = vector.broadcast %rev3A_1283 : i32 to vector<16xi32>
      %rev3A_1285 = tpu.iota {dimensions = array<i32: 0>} : vector<16xi32>
      %rev3A_1286 = arith.subi %rev3A_1284, %rev3A_1285 : vector<16xi32>
      %rev3A_1287 = tpu.dynamic_gather %sort3A_1281[%rev3A_1286] in [0] : vector<16xf32>, vector<16xi32> -> vector<16xf32>
      %max3A_1288 = arith.maximumf %while3A_1274, %rev3A_1287 : vector<16xf32>
      %sort3A_1289 = arith.constant dense<true> : vector<16xi1>
      %sort3A_1290, %sort3A_1291, %sort3A_1292 = tpu.sort %max3A_1288, %max3A_1288 masked %sort3A_1289 : (vector<16xf32>, vector<16xf32>, vector<16xi1>) -> (vector<16xi1>, vector<16xf32>, vector<16xf32>)
      %rev3A_1293 = arith.constant 15 : i32
      %rev3A_1294 = vector.broadcast %rev3A_1293 : i32 to vector<16xi32>
      %rev3A_1295 = tpu.iota {dimensions = array<i32: 0>} : vector<16xi32>
      %rev3A_1296 = arith.subi %rev3A_1294, %rev3A_1295 : vector<16xi32>
      %rev3A_1297 = tpu.dynamic_gather %sort3A_1291[%rev3A_1296] in [0] : vector<16xf32>, vector<16xi32> -> vector<16xf32>
      %max3A_1298 = arith.maximumf %while3A_1273, %rev3A_1297 : vector<16xf32>
      %sort3A_1299 = arith.constant dense<true> : vector<16xi1>
      %sort3A_1300, %sort3A_1301, %sort3A_1302 = tpu.sort %max3A_1298, %max3A_1298 masked %sort3A_1299 : (vector<16xf32>, vector<16xf32>, vector<16xi1>) -> (vector<16xi1>, vector<16xf32>, vector<16xf32>)
      %min3A_1303 = arith.minimumf %while3A_1273, %rev3A_1297 : vector<16xf32>
      %sort3A_1304 = arith.constant dense<true> : vector<16xi1>
      %sort3A_1305, %sort3A_1306, %sort3A_1307 = tpu.sort %min3A_1303, %min3A_1303 masked %sort3A_1304 : (vector<16xf32>, vector<16xf32>, vector<16xi1>) -> (vector<16xi1>, vector<16xf32>, vector<16xf32>)
      scf.yield %sort3A_1301, %sort3A_1306 : vector<16xf32>, vector<16xf32>
    }
    %reduce_min3A_1145 = arith.constant true
    %reduce_min3A_1146 = vector.broadcast %reduce_min3A_1145 : i1 to vector<16xi1>
    %reduce_min3A_1147 = tpu.scan <min>, %while3A_1144#1 masked %reduce_min3A_1146 : vector<16xf32>, vector<16xi1> -> vector<16xf32>
    %reduce_min3A_1148 = vector.extract %reduce_min3A_1147[15] : f32 from vector<16xf32>
    %broadcast_in_dim3A_1149 = vector.broadcast %reduce_min3A_1148 : f32 to vector<16xf32>
    %swap3A = arith.constant 0 : i32
    %swap3A_1150 = arith.index_cast %swap3A : i32 to index
    %swap3A_1151 = arith.constant 0 : index
    %swap3A_1152 = tpu.vector_load %arg11[%swap3A_1150, %swap3A_1151] {strides = array<i32>} : memref<4x16xf32, #tpu.memory_space<vmem>>, vector<16xf32>,
    tpu.vector_store %arg11[%swap3A_1150, %swap3A_1151], %broadcast_in_dim3A_1149 {strides = array<i32>} : memref<4x16xf32, #tpu.memory_space<vmem>>, vector<16xf32>,
    %dma_wait3A_1153 = arith.constant 0 : i32
    %dma_wait3A_1154 = tpu.memref_slice %arg2[%add3A_23, %dma_wait3A_1153] : memref<128x16384xf32, #tpu.memory_space<hbm>> -> memref<1x16384xf32, #tpu.memory_space<hbm>>
    %dma_wait3A_1155 = tpu.memref_squeeze %dma_wait3A_1154 : memref<1x16384xf32, #tpu.memory_space<hbm>> -> memref<16384xf32, #tpu.memory_space<hbm>>
    %dma_wait3A_1156 = arith.constant 0 : i32
    %dma_wait3A_1157 = tpu.memref_slice %arg2[%add3A_23, %dma_wait3A_1156] : memref<128x16384xf32, #tpu.memory_space<hbm>> -> memref<1x16384xf32, #tpu.memory_space<hbm>>
    %dma_wait3A_1158 = tpu.memref_squeeze %dma_wait3A_1157 : memref<1x16384xf32, #tpu.memory_space<hbm>> -> memref<16384xf32, #tpu.memory_space<hbm>>
    tpu.wait_dma2 semaphore(%arg13 : memref<!tpu.dma_semaphore, #tpu.memory_space<semaphore_mem>>) src(%dma_wait3A_1158 : memref<16384xf32, #tpu.memory_space<hbm>>) dst(%arg6 : memref<16384xf32, #tpu.memory_space<vmem>>)
    %parallel_loop3A_1159 = arith.constant 0 : i32
    %parallel_loop3A_1160 = arith.constant 1024 : i32
    %parallel_loop3A_1161 = arith.constant 1 : i32
    %parallel_loop3A_1162 = scf.for %parallel_loop3A_1272 = %parallel_loop3A_1159 to %parallel_loop3A_1160 step %parallel_loop3A_1161 iter_args(%parallel_loop3A_1273 = %mul3A_3) -> (vector<16xi32>)  : i32 {
      %parallel_loop3A_1274 = arith.constant 16 : i32
      %parallel_loop3A_1275 = arith.muli %parallel_loop3A_1272, %parallel_loop3A_1274 : i32
      %parallel_loop3A_1276 = arith.index_cast %parallel_loop3A_1275 : i32 to index
      %parallel_loop3A_1277 = tpu.vector_load %arg6[%parallel_loop3A_1276] {strides = array<i32>} : memref<16384xf32, #tpu.memory_space<vmem>>, vector<16xf32>,
      %parallel_loop3A_1278 = vector.broadcast %reduce_min3A_582 : f32 to vector<16xf32>
      %parallel_loop3A_1279 = arith.cmpf oge, %parallel_loop3A_1277, %parallel_loop3A_1278 : vector<16xf32>
      tpu.vector_store_idx %arg9[%parallel_loop3A_1273], %parallel_loop3A_1277 masked %parallel_loop3A_1279 : memref<16384xf32, #tpu.memory_space<vmem>>[vector<16xi32>], vector<16xf32>, vector<16xi1>
      %parallel_loop3A_1280 = arith.extui %parallel_loop3A_1279 : vector<16xi1> to vector<16xi32>
      %parallel_loop3A_1281 = arith.addi %parallel_loop3A_1273, %parallel_loop3A_1280 : vector<16xi32>
      scf.yield %parallel_loop3A_1281 : vector<16xi32>
    } {sc.loop_unroll_factor = 16 : i64, sc.parallel_access}
    %sub3A_1163 = arith.subi %parallel_loop3A_1162, %mul3A_3 : vector<16xi32>
    %reduce_max3A_1164 = arith.constant true
    %reduce_max3A_1165 = vector.broadcast %reduce_max3A_1164 : i1 to vector<16xi1>
    %reduce_max3A_1166 = arith.constant -2147483648 : i32
    %reduce_max3A_1167 = vector.broadcast %reduce_max3A_1166 : i32 to vector<16xi32>
    %reduce_max3A_1168 = arith.xori %sub3A_1163, %reduce_max3A_1167 : vector<16xi32>
    %reduce_max3A_1169 = tpu.scan <max>, %reduce_max3A_1168 masked %reduce_max3A_1165 : vector<16xi32>, vector<16xi1> -> vector<16xi32>
    %reduce_max3A_1170 = arith.xori %reduce_max3A_1169, %reduce_max3A_1167 : vector<16xi32>
    %reduce_max3A_1171 = vector.extract %reduce_max3A_1170[15] : i32 from vector<16xi32>
    %while3A_1172 = arith.constant 0 : i32
    %while3A_1173 = arith.subi %reduce_max3A_1171, %while3A_1172 : i32
    %while3A_1174 = arith.addi %while3A_1172, %while3A_1173 : i32
    %while3A_1175 = arith.constant 1 : i32
    %while3A_1176 = arith.divsi %while3A_1173, %while3A_1175 : i32
    %while3A_1177 = arith.muli %while3A_1176, %while3A_1175 : i32
    %while3A_1178 = arith.addi %while3A_1172, %while3A_1177 : i32
    %while3A_1179 = arith.constant 1 : i32
    %while3A_1180:2 = scf.for %while3A_1272 = %while3A_1172 to %while3A_1178 step %while3A_1179 iter_args(%while3A_1273 = %broadcast_in_dim3A_4, %while3A_1274 = %broadcast_in_dim3A_4) -> (vector<16xf32>, vector<16xf32>)  : i32 {
      %add3A_1275 = vector.broadcast %while3A_1272 : i32 to vector<16xi32>
      %add3A_1276 = arith.addi %mul3A_3, %add3A_1275 : vector<16xi32>
      %gather3A = tpu.vector_load_idx %arg9[%add3A_1276] : memref<16384xf32, #tpu.memory_space<vmem>>[vector<16xi32>], vector<16xf32>,
      %lt3A = vector.broadcast %while3A_1272 : i32 to vector<16xi32>
      %lt3A_1277 = arith.cmpi slt, %lt3A, %sub3A_1163 : vector<16xi32>
      %jit3A = arith.constant -3.400000e+38 : f32
      %broadcast_in_dim3A_1278 = vector.broadcast %jit3A : f32 to vector<16xf32>
      %select_n3A = arith.select %lt3A_1277, %gather3A, %broadcast_in_dim3A_1278 : vector<16xi1>, vector<16xf32>
      %sort3A_1279 = arith.constant dense<true> : vector<16xi1>
      %sort3A_1280, %sort3A_1281, %sort3A_1282 = tpu.sort %select_n3A, %select_n3A masked %sort3A_1279 : (vector<16xf32>, vector<16xf32>, vector<16xi1>) -> (vector<16xi1>, vector<16xf32>, vector<16xf32>)
      %rev3A_1283 = arith.constant 15 : i32
      %rev3A_1284 = vector.broadcast %rev3A_1283 : i32 to vector<16xi32>
      %rev3A_1285 = tpu.iota {dimensions = array<i32: 0>} : vector<16xi32>
      %rev3A_1286 = arith.subi %rev3A_1284, %rev3A_1285 : vector<16xi32>
      %rev3A_1287 = tpu.dynamic_gather %sort3A_1281[%rev3A_1286] in [0] : vector<16xf32>, vector<16xi32> -> vector<16xf32>
      %max3A_1288 = arith.maximumf %while3A_1274, %rev3A_1287 : vector<16xf32>
      %sort3A_1289 = arith.constant dense<true> : vector<16xi1>
      %sort3A_1290, %sort3A_1291, %sort3A_1292 = tpu.sort %max3A_1288, %max3A_1288 masked %sort3A_1289 : (vector<16xf32>, vector<16xf32>, vector<16xi1>) -> (vector<16xi1>, vector<16xf32>, vector<16xf32>)
      %rev3A_1293 = arith.constant 15 : i32
      %rev3A_1294 = vector.broadcast %rev3A_1293 : i32 to vector<16xi32>
      %rev3A_1295 = tpu.iota {dimensions = array<i32: 0>} : vector<16xi32>
      %rev3A_1296 = arith.subi %rev3A_1294, %rev3A_1295 : vector<16xi32>
      %rev3A_1297 = tpu.dynamic_gather %sort3A_1291[%rev3A_1296] in [0] : vector<16xf32>, vector<16xi32> -> vector<16xf32>
      %max3A_1298 = arith.maximumf %while3A_1273, %rev3A_1297 : vector<16xf32>
      %sort3A_1299 = arith.constant dense<true> : vector<16xi1>
      %sort3A_1300, %sort3A_1301, %sort3A_1302 = tpu.sort %max3A_1298, %max3A_1298 masked %sort3A_1299 : (vector<16xf32>, vector<16xf32>, vector<16xi1>) -> (vector<16xi1>, vector<16xf32>, vector<16xf32>)
      %min3A_1303 = arith.minimumf %while3A_1273, %rev3A_1297 : vector<16xf32>
      %sort3A_1304 = arith.constant dense<true> : vector<16xi1>
      %sort3A_1305, %sort3A_1306, %sort3A_1307 = tpu.sort %min3A_1303, %min3A_1303 masked %sort3A_1304 : (vector<16xf32>, vector<16xf32>, vector<16xi1>) -> (vector<16xi1>, vector<16xf32>, vector<16xf32>)
      scf.yield %sort3A_1301, %sort3A_1306 : vector<16xf32>, vector<16xf32>
    }
    %while3A_1181 = arith.constant 1 : i32
    %while3A_1182:2 = scf.for %while3A_1272 = %while3A_1178 to %while3A_1174 step %while3A_1181 iter_args(%while3A_1273 = %while3A_1180#0, %while3A_1274 = %while3A_1180#1) -> (vector<16xf32>, vector<16xf32>)  : i32 {
      %add3A_1275 = vector.broadcast %while3A_1272 : i32 to vector<16xi32>
      %add3A_1276 = arith.addi %mul3A_3, %add3A_1275 : vector<16xi32>
      %gather3A = tpu.vector_load_idx %arg9[%add3A_1276] : memref<16384xf32, #tpu.memory_space<vmem>>[vector<16xi32>], vector<16xf32>,
      %lt3A = vector.broadcast %while3A_1272 : i32 to vector<16xi32>
      %lt3A_1277 = arith.cmpi slt, %lt3A, %sub3A_1163 : vector<16xi32>
      %jit3A = arith.constant -3.400000e+38 : f32
      %broadcast_in_dim3A_1278 = vector.broadcast %jit3A : f32 to vector<16xf32>
      %select_n3A = arith.select %lt3A_1277, %gather3A, %broadcast_in_dim3A_1278 : vector<16xi1>, vector<16xf32>
      %sort3A_1279 = arith.constant dense<true> : vector<16xi1>
      %sort3A_1280, %sort3A_1281, %sort3A_1282 = tpu.sort %select_n3A, %select_n3A masked %sort3A_1279 : (vector<16xf32>, vector<16xf32>, vector<16xi1>) -> (vector<16xi1>, vector<16xf32>, vector<16xf32>)
      %rev3A_1283 = arith.constant 15 : i32
      %rev3A_1284 = vector.broadcast %rev3A_1283 : i32 to vector<16xi32>
      %rev3A_1285 = tpu.iota {dimensions = array<i32: 0>} : vector<16xi32>
      %rev3A_1286 = arith.subi %rev3A_1284, %rev3A_1285 : vector<16xi32>
      %rev3A_1287 = tpu.dynamic_gather %sort3A_1281[%rev3A_1286] in [0] : vector<16xf32>, vector<16xi32> -> vector<16xf32>
      %max3A_1288 = arith.maximumf %while3A_1274, %rev3A_1287 : vector<16xf32>
      %sort3A_1289 = arith.constant dense<true> : vector<16xi1>
      %sort3A_1290, %sort3A_1291, %sort3A_1292 = tpu.sort %max3A_1288, %max3A_1288 masked %sort3A_1289 : (vector<16xf32>, vector<16xf32>, vector<16xi1>) -> (vector<16xi1>, vector<16xf32>, vector<16xf32>)
      %rev3A_1293 = arith.constant 15 : i32
      %rev3A_1294 = vector.broadcast %rev3A_1293 : i32 to vector<16xi32>
      %rev3A_1295 = tpu.iota {dimensions = array<i32: 0>} : vector<16xi32>
      %rev3A_1296 = arith.subi %rev3A_1294, %rev3A_1295 : vector<16xi32>
      %rev3A_1297 = tpu.dynamic_gather %sort3A_1291[%rev3A_1296] in [0] : vector<16xf32>, vector<16xi32> -> vector<16xf32>
      %max3A_1298 = arith.maximumf %while3A_1273, %rev3A_1297 : vector<16xf32>
      %sort3A_1299 = arith.constant dense<true> : vector<16xi1>
      %sort3A_1300, %sort3A_1301, %sort3A_1302 = tpu.sort %max3A_1298, %max3A_1298 masked %sort3A_1299 : (vector<16xf32>, vector<16xf32>, vector<16xi1>) -> (vector<16xi1>, vector<16xf32>, vector<16xf32>)
      %min3A_1303 = arith.minimumf %while3A_1273, %rev3A_1297 : vector<16xf32>
      %sort3A_1304 = arith.constant dense<true> : vector<16xi1>
      %sort3A_1305, %sort3A_1306, %sort3A_1307 = tpu.sort %min3A_1303, %min3A_1303 masked %sort3A_1304 : (vector<16xf32>, vector<16xf32>, vector<16xi1>) -> (vector<16xi1>, vector<16xf32>, vector<16xf32>)
      scf.yield %sort3A_1301, %sort3A_1306 : vector<16xf32>, vector<16xf32>
    }
    %reduce_min3A_1183 = arith.constant true
    %reduce_min3A_1184 = vector.broadcast %reduce_min3A_1183 : i1 to vector<16xi1>
    %reduce_min3A_1185 = tpu.scan <min>, %while3A_1182#1 masked %reduce_min3A_1184 : vector<16xf32>, vector<16xi1> -> vector<16xf32>
    %reduce_min3A_1186 = vector.extract %reduce_min3A_1185[15] : f32 from vector<16xf32>
    %broadcast_in_dim3A_1187 = vector.broadcast %reduce_min3A_1186 : f32 to vector<16xf32>
    %swap3A_1188 = arith.constant 1 : i32
    %swap3A_1189 = arith.index_cast %swap3A_1188 : i32 to index
    %swap3A_1190 = arith.constant 0 : index
    %swap3A_1191 = tpu.vector_load %arg11[%swap3A_1189, %swap3A_1190] {strides = array<i32>} : memref<4x16xf32, #tpu.memory_space<vmem>>, vector<16xf32>,
    tpu.vector_store %arg11[%swap3A_1189, %swap3A_1190], %broadcast_in_dim3A_1187 {strides = array<i32>} : memref<4x16xf32, #tpu.memory_space<vmem>>, vector<16xf32>,
    %dma_wait3A_1192 = arith.constant 0 : i32
    %dma_wait3A_1193 = tpu.memref_slice %arg2[%add3A_33, %dma_wait3A_1192] : memref<128x16384xf32, #tpu.memory_space<hbm>> -> memref<1x16384xf32, #tpu.memory_space<hbm>>
    %dma_wait3A_1194 = tpu.memref_squeeze %dma_wait3A_1193 : memref<1x16384xf32, #tpu.memory_space<hbm>> -> memref<16384xf32, #tpu.memory_space<hbm>>
    %dma_wait3A_1195 = arith.constant 0 : i32
    %dma_wait3A_1196 = tpu.memref_slice %arg2[%add3A_33, %dma_wait3A_1195] : memref<128x16384xf32, #tpu.memory_space<hbm>> -> memref<1x16384xf32, #tpu.memory_space<hbm>>
    %dma_wait3A_1197 = tpu.memref_squeeze %dma_wait3A_1196 : memref<1x16384xf32, #tpu.memory_space<hbm>> -> memref<16384xf32, #tpu.memory_space<hbm>>
    tpu.wait_dma2 semaphore(%arg14 : memref<!tpu.dma_semaphore, #tpu.memory_space<semaphore_mem>>) src(%dma_wait3A_1197 : memref<16384xf32, #tpu.memory_space<hbm>>) dst(%arg7 : memref<16384xf32, #tpu.memory_space<vmem>>)
    %parallel_loop3A_1198 = arith.constant 0 : i32
    %parallel_loop3A_1199 = arith.constant 1024 : i32
    %parallel_loop3A_1200 = arith.constant 1 : i32
    %parallel_loop3A_1201 = scf.for %parallel_loop3A_1272 = %parallel_loop3A_1198 to %parallel_loop3A_1199 step %parallel_loop3A_1200 iter_args(%parallel_loop3A_1273 = %mul3A_3) -> (vector<16xi32>)  : i32 {
      %parallel_loop3A_1274 = arith.constant 16 : i32
      %parallel_loop3A_1275 = arith.muli %parallel_loop3A_1272, %parallel_loop3A_1274 : i32
      %parallel_loop3A_1276 = arith.index_cast %parallel_loop3A_1275 : i32 to index
      %parallel_loop3A_1277 = tpu.vector_load %arg7[%parallel_loop3A_1276] {strides = array<i32>} : memref<16384xf32, #tpu.memory_space<vmem>>, vector<16xf32>,
      %parallel_loop3A_1278 = vector.broadcast %reduce_min3A_850 : f32 to vector<16xf32>
      %parallel_loop3A_1279 = arith.cmpf oge, %parallel_loop3A_1277, %parallel_loop3A_1278 : vector<16xf32>
      tpu.vector_store_idx %arg9[%parallel_loop3A_1273], %parallel_loop3A_1277 masked %parallel_loop3A_1279 : memref<16384xf32, #tpu.memory_space<vmem>>[vector<16xi32>], vector<16xf32>, vector<16xi1>
      %parallel_loop3A_1280 = arith.extui %parallel_loop3A_1279 : vector<16xi1> to vector<16xi32>
      %parallel_loop3A_1281 = arith.addi %parallel_loop3A_1273, %parallel_loop3A_1280 : vector<16xi32>
      scf.yield %parallel_loop3A_1281 : vector<16xi32>
    } {sc.loop_unroll_factor = 16 : i64, sc.parallel_access}
    %sub3A_1202 = arith.subi %parallel_loop3A_1201, %mul3A_3 : vector<16xi32>
    %reduce_max3A_1203 = arith.constant true
    %reduce_max3A_1204 = vector.broadcast %reduce_max3A_1203 : i1 to vector<16xi1>
    %reduce_max3A_1205 = arith.constant -2147483648 : i32
    %reduce_max3A_1206 = vector.broadcast %reduce_max3A_1205 : i32 to vector<16xi32>
    %reduce_max3A_1207 = arith.xori %sub3A_1202, %reduce_max3A_1206 : vector<16xi32>
    %reduce_max3A_1208 = tpu.scan <max>, %reduce_max3A_1207 masked %reduce_max3A_1204 : vector<16xi32>, vector<16xi1> -> vector<16xi32>
    %reduce_max3A_1209 = arith.xori %reduce_max3A_1208, %reduce_max3A_1206 : vector<16xi32>
    %reduce_max3A_1210 = vector.extract %reduce_max3A_1209[15] : i32 from vector<16xi32>
    %while3A_1211 = arith.constant 0 : i32
    %while3A_1212 = arith.subi %reduce_max3A_1210, %while3A_1211 : i32
    %while3A_1213 = arith.addi %while3A_1211, %while3A_1212 : i32
    %while3A_1214 = arith.constant 1 : i32
    %while3A_1215 = arith.divsi %while3A_1212, %while3A_1214 : i32
    %while3A_1216 = arith.muli %while3A_1215, %while3A_1214 : i32
    %while3A_1217 = arith.addi %while3A_1211, %while3A_1216 : i32
    %while3A_1218 = arith.constant 1 : i32
    %while3A_1219:2 = scf.for %while3A_1272 = %while3A_1211 to %while3A_1217 step %while3A_1218 iter_args(%while3A_1273 = %broadcast_in_dim3A_4, %while3A_1274 = %broadcast_in_dim3A_4) -> (vector<16xf32>, vector<16xf32>)  : i32 {
      %add3A_1275 = vector.broadcast %while3A_1272 : i32 to vector<16xi32>
      %add3A_1276 = arith.addi %mul3A_3, %add3A_1275 : vector<16xi32>
      %gather3A = tpu.vector_load_idx %arg9[%add3A_1276] : memref<16384xf32, #tpu.memory_space<vmem>>[vector<16xi32>], vector<16xf32>,
      %lt3A = vector.broadcast %while3A_1272 : i32 to vector<16xi32>
      %lt3A_1277 = arith.cmpi slt, %lt3A, %sub3A_1202 : vector<16xi32>
      %jit3A = arith.constant -3.400000e+38 : f32
      %broadcast_in_dim3A_1278 = vector.broadcast %jit3A : f32 to vector<16xf32>
      %select_n3A = arith.select %lt3A_1277, %gather3A, %broadcast_in_dim3A_1278 : vector<16xi1>, vector<16xf32>
      %sort3A_1279 = arith.constant dense<true> : vector<16xi1>
      %sort3A_1280, %sort3A_1281, %sort3A_1282 = tpu.sort %select_n3A, %select_n3A masked %sort3A_1279 : (vector<16xf32>, vector<16xf32>, vector<16xi1>) -> (vector<16xi1>, vector<16xf32>, vector<16xf32>)
      %rev3A_1283 = arith.constant 15 : i32
      %rev3A_1284 = vector.broadcast %rev3A_1283 : i32 to vector<16xi32>
      %rev3A_1285 = tpu.iota {dimensions = array<i32: 0>} : vector<16xi32>
      %rev3A_1286 = arith.subi %rev3A_1284, %rev3A_1285 : vector<16xi32>
      %rev3A_1287 = tpu.dynamic_gather %sort3A_1281[%rev3A_1286] in [0] : vector<16xf32>, vector<16xi32> -> vector<16xf32>
      %max3A_1288 = arith.maximumf %while3A_1274, %rev3A_1287 : vector<16xf32>
      %sort3A_1289 = arith.constant dense<true> : vector<16xi1>
      %sort3A_1290, %sort3A_1291, %sort3A_1292 = tpu.sort %max3A_1288, %max3A_1288 masked %sort3A_1289 : (vector<16xf32>, vector<16xf32>, vector<16xi1>) -> (vector<16xi1>, vector<16xf32>, vector<16xf32>)
      %rev3A_1293 = arith.constant 15 : i32
      %rev3A_1294 = vector.broadcast %rev3A_1293 : i32 to vector<16xi32>
      %rev3A_1295 = tpu.iota {dimensions = array<i32: 0>} : vector<16xi32>
      %rev3A_1296 = arith.subi %rev3A_1294, %rev3A_1295 : vector<16xi32>
      %rev3A_1297 = tpu.dynamic_gather %sort3A_1291[%rev3A_1296] in [0] : vector<16xf32>, vector<16xi32> -> vector<16xf32>
      %max3A_1298 = arith.maximumf %while3A_1273, %rev3A_1297 : vector<16xf32>
      %sort3A_1299 = arith.constant dense<true> : vector<16xi1>
      %sort3A_1300, %sort3A_1301, %sort3A_1302 = tpu.sort %max3A_1298, %max3A_1298 masked %sort3A_1299 : (vector<16xf32>, vector<16xf32>, vector<16xi1>) -> (vector<16xi1>, vector<16xf32>, vector<16xf32>)
      %min3A_1303 = arith.minimumf %while3A_1273, %rev3A_1297 : vector<16xf32>
      %sort3A_1304 = arith.constant dense<true> : vector<16xi1>
      %sort3A_1305, %sort3A_1306, %sort3A_1307 = tpu.sort %min3A_1303, %min3A_1303 masked %sort3A_1304 : (vector<16xf32>, vector<16xf32>, vector<16xi1>) -> (vector<16xi1>, vector<16xf32>, vector<16xf32>)
      scf.yield %sort3A_1301, %sort3A_1306 : vector<16xf32>, vector<16xf32>
    }
    %while3A_1220 = arith.constant 1 : i32
    %while3A_1221:2 = scf.for %while3A_1272 = %while3A_1217 to %while3A_1213 step %while3A_1220 iter_args(%while3A_1273 = %while3A_1219#0, %while3A_1274 = %while3A_1219#1) -> (vector<16xf32>, vector<16xf32>)  : i32 {
      %add3A_1275 = vector.broadcast %while3A_1272 : i32 to vector<16xi32>
      %add3A_1276 = arith.addi %mul3A_3, %add3A_1275 : vector<16xi32>
      %gather3A = tpu.vector_load_idx %arg9[%add3A_1276] : memref<16384xf32, #tpu.memory_space<vmem>>[vector<16xi32>], vector<16xf32>,
      %lt3A = vector.broadcast %while3A_1272 : i32 to vector<16xi32>
      %lt3A_1277 = arith.cmpi slt, %lt3A, %sub3A_1202 : vector<16xi32>
      %jit3A = arith.constant -3.400000e+38 : f32
      %broadcast_in_dim3A_1278 = vector.broadcast %jit3A : f32 to vector<16xf32>
      %select_n3A = arith.select %lt3A_1277, %gather3A, %broadcast_in_dim3A_1278 : vector<16xi1>, vector<16xf32>
      %sort3A_1279 = arith.constant dense<true> : vector<16xi1>
      %sort3A_1280, %sort3A_1281, %sort3A_1282 = tpu.sort %select_n3A, %select_n3A masked %sort3A_1279 : (vector<16xf32>, vector<16xf32>, vector<16xi1>) -> (vector<16xi1>, vector<16xf32>, vector<16xf32>)
      %rev3A_1283 = arith.constant 15 : i32
      %rev3A_1284 = vector.broadcast %rev3A_1283 : i32 to vector<16xi32>
      %rev3A_1285 = tpu.iota {dimensions = array<i32: 0>} : vector<16xi32>
      %rev3A_1286 = arith.subi %rev3A_1284, %rev3A_1285 : vector<16xi32>
      %rev3A_1287 = tpu.dynamic_gather %sort3A_1281[%rev3A_1286] in [0] : vector<16xf32>, vector<16xi32> -> vector<16xf32>
      %max3A_1288 = arith.maximumf %while3A_1274, %rev3A_1287 : vector<16xf32>
      %sort3A_1289 = arith.constant dense<true> : vector<16xi1>
      %sort3A_1290, %sort3A_1291, %sort3A_1292 = tpu.sort %max3A_1288, %max3A_1288 masked %sort3A_1289 : (vector<16xf32>, vector<16xf32>, vector<16xi1>) -> (vector<16xi1>, vector<16xf32>, vector<16xf32>)
      %rev3A_1293 = arith.constant 15 : i32
      %rev3A_1294 = vector.broadcast %rev3A_1293 : i32 to vector<16xi32>
      %rev3A_1295 = tpu.iota {dimensions = array<i32: 0>} : vector<16xi32>
      %rev3A_1296 = arith.subi %rev3A_1294, %rev3A_1295 : vector<16xi32>
      %rev3A_1297 = tpu.dynamic_gather %sort3A_1291[%rev3A_1296] in [0] : vector<16xf32>, vector<16xi32> -> vector<16xf32>
      %max3A_1298 = arith.maximumf %while3A_1273, %rev3A_1297 : vector<16xf32>
      %sort3A_1299 = arith.constant dense<true> : vector<16xi1>
      %sort3A_1300, %sort3A_1301, %sort3A_1302 = tpu.sort %max3A_1298, %max3A_1298 masked %sort3A_1299 : (vector<16xf32>, vector<16xf32>, vector<16xi1>) -> (vector<16xi1>, vector<16xf32>, vector<16xf32>)
      %min3A_1303 = arith.minimumf %while3A_1273, %rev3A_1297 : vector<16xf32>
      %sort3A_1304 = arith.constant dense<true> : vector<16xi1>
      %sort3A_1305, %sort3A_1306, %sort3A_1307 = tpu.sort %min3A_1303, %min3A_1303 masked %sort3A_1304 : (vector<16xf32>, vector<16xf32>, vector<16xi1>) -> (vector<16xi1>, vector<16xf32>, vector<16xf32>)
      scf.yield %sort3A_1301, %sort3A_1306 : vector<16xf32>, vector<16xf32>
    }
    %reduce_min3A_1222 = arith.constant true
    %reduce_min3A_1223 = vector.broadcast %reduce_min3A_1222 : i1 to vector<16xi1>
    %reduce_min3A_1224 = tpu.scan <min>, %while3A_1221#1 masked %reduce_min3A_1223 : vector<16xf32>, vector<16xi1> -> vector<16xf32>
    %reduce_min3A_1225 = vector.extract %reduce_min3A_1224[15] : f32 from vector<16xf32>
    %broadcast_in_dim3A_1226 = vector.broadcast %reduce_min3A_1225 : f32 to vector<16xf32>
    %swap3A_1227 = arith.constant 2 : i32
    %swap3A_1228 = arith.index_cast %swap3A_1227 : i32 to index
    %swap3A_1229 = arith.constant 0 : index
    %swap3A_1230 = tpu.vector_load %arg11[%swap3A_1228, %swap3A_1229] {strides = array<i32>} : memref<4x16xf32, #tpu.memory_space<vmem>>, vector<16xf32>,
    tpu.vector_store %arg11[%swap3A_1228, %swap3A_1229], %broadcast_in_dim3A_1226 {strides = array<i32>} : memref<4x16xf32, #tpu.memory_space<vmem>>, vector<16xf32>,
    %dma_wait3A_1231 = arith.constant 0 : i32
    %dma_wait3A_1232 = tpu.memref_slice %arg2[%add3A_43, %dma_wait3A_1231] : memref<128x16384xf32, #tpu.memory_space<hbm>> -> memref<1x16384xf32, #tpu.memory_space<hbm>>
    %dma_wait3A_1233 = tpu.memref_squeeze %dma_wait3A_1232 : memref<1x16384xf32, #tpu.memory_space<hbm>> -> memref<16384xf32, #tpu.memory_space<hbm>>
    %dma_wait3A_1234 = arith.constant 0 : i32
    %dma_wait3A_1235 = tpu.memref_slice %arg2[%add3A_43, %dma_wait3A_1234] : memref<128x16384xf32, #tpu.memory_space<hbm>> -> memref<1x16384xf32, #tpu.memory_space<hbm>>
    %dma_wait3A_1236 = tpu.memref_squeeze %dma_wait3A_1235 : memref<1x16384xf32, #tpu.memory_space<hbm>> -> memref<16384xf32, #tpu.memory_space<hbm>>
    tpu.wait_dma2 semaphore(%arg15 : memref<!tpu.dma_semaphore, #tpu.memory_space<semaphore_mem>>) src(%dma_wait3A_1236 : memref<16384xf32, #tpu.memory_space<hbm>>) dst(%arg8 : memref<16384xf32, #tpu.memory_space<vmem>>)
    %parallel_loop3A_1237 = arith.constant 0 : i32
    %parallel_loop3A_1238 = arith.constant 1024 : i32
    %parallel_loop3A_1239 = arith.constant 1 : i32
    %parallel_loop3A_1240 = scf.for %parallel_loop3A_1272 = %parallel_loop3A_1237 to %parallel_loop3A_1238 step %parallel_loop3A_1239 iter_args(%parallel_loop3A_1273 = %mul3A_3) -> (vector<16xi32>)  : i32 {
      %parallel_loop3A_1274 = arith.constant 16 : i32
      %parallel_loop3A_1275 = arith.muli %parallel_loop3A_1272, %parallel_loop3A_1274 : i32
      %parallel_loop3A_1276 = arith.index_cast %parallel_loop3A_1275 : i32 to index
      %parallel_loop3A_1277 = tpu.vector_load %arg8[%parallel_loop3A_1276] {strides = array<i32>} : memref<16384xf32, #tpu.memory_space<vmem>>, vector<16xf32>,
      %parallel_loop3A_1278 = vector.broadcast %reduce_min3A_1118 : f32 to vector<16xf32>
      %parallel_loop3A_1279 = arith.cmpf oge, %parallel_loop3A_1277, %parallel_loop3A_1278 : vector<16xf32>
      tpu.vector_store_idx %arg9[%parallel_loop3A_1273], %parallel_loop3A_1277 masked %parallel_loop3A_1279 : memref<16384xf32, #tpu.memory_space<vmem>>[vector<16xi32>], vector<16xf32>, vector<16xi1>
      %parallel_loop3A_1280 = arith.extui %parallel_loop3A_1279 : vector<16xi1> to vector<16xi32>
      %parallel_loop3A_1281 = arith.addi %parallel_loop3A_1273, %parallel_loop3A_1280 : vector<16xi32>
      scf.yield %parallel_loop3A_1281 : vector<16xi32>
    } {sc.loop_unroll_factor = 16 : i64, sc.parallel_access}
    %sub3A_1241 = arith.subi %parallel_loop3A_1240, %mul3A_3 : vector<16xi32>
    %reduce_max3A_1242 = arith.constant true
    %reduce_max3A_1243 = vector.broadcast %reduce_max3A_1242 : i1 to vector<16xi1>
    %reduce_max3A_1244 = arith.constant -2147483648 : i32
    %reduce_max3A_1245 = vector.broadcast %reduce_max3A_1244 : i32 to vector<16xi32>
    %reduce_max3A_1246 = arith.xori %sub3A_1241, %reduce_max3A_1245 : vector<16xi32>
    %reduce_max3A_1247 = tpu.scan <max>, %reduce_max3A_1246 masked %reduce_max3A_1243 : vector<16xi32>, vector<16xi1> -> vector<16xi32>
    %reduce_max3A_1248 = arith.xori %reduce_max3A_1247, %reduce_max3A_1245 : vector<16xi32>
    %reduce_max3A_1249 = vector.extract %reduce_max3A_1248[15] : i32 from vector<16xi32>
    %while3A_1250 = arith.constant 0 : i32
    %while3A_1251 = arith.subi %reduce_max3A_1249, %while3A_1250 : i32
    %while3A_1252 = arith.addi %while3A_1250, %while3A_1251 : i32
    %while3A_1253 = arith.constant 1 : i32
    %while3A_1254 = arith.divsi %while3A_1251, %while3A_1253 : i32
    %while3A_1255 = arith.muli %while3A_1254, %while3A_1253 : i32
    %while3A_1256 = arith.addi %while3A_1250, %while3A_1255 : i32
    %while3A_1257 = arith.constant 1 : i32
    %while3A_1258:2 = scf.for %while3A_1272 = %while3A_1250 to %while3A_1256 step %while3A_1257 iter_args(%while3A_1273 = %broadcast_in_dim3A_4, %while3A_1274 = %broadcast_in_dim3A_4) -> (vector<16xf32>, vector<16xf32>)  : i32 {
      %add3A_1275 = vector.broadcast %while3A_1272 : i32 to vector<16xi32>
      %add3A_1276 = arith.addi %mul3A_3, %add3A_1275 : vector<16xi32>
      %gather3A = tpu.vector_load_idx %arg9[%add3A_1276] : memref<16384xf32, #tpu.memory_space<vmem>>[vector<16xi32>], vector<16xf32>,
      %lt3A = vector.broadcast %while3A_1272 : i32 to vector<16xi32>
      %lt3A_1277 = arith.cmpi slt, %lt3A, %sub3A_1241 : vector<16xi32>
      %jit3A = arith.constant -3.400000e+38 : f32
      %broadcast_in_dim3A_1278 = vector.broadcast %jit3A : f32 to vector<16xf32>
      %select_n3A = arith.select %lt3A_1277, %gather3A, %broadcast_in_dim3A_1278 : vector<16xi1>, vector<16xf32>
      %sort3A_1279 = arith.constant dense<true> : vector<16xi1>
      %sort3A_1280, %sort3A_1281, %sort3A_1282 = tpu.sort %select_n3A, %select_n3A masked %sort3A_1279 : (vector<16xf32>, vector<16xf32>, vector<16xi1>) -> (vector<16xi1>, vector<16xf32>, vector<16xf32>)
      %rev3A_1283 = arith.constant 15 : i32
      %rev3A_1284 = vector.broadcast %rev3A_1283 : i32 to vector<16xi32>
      %rev3A_1285 = tpu.iota {dimensions = array<i32: 0>} : vector<16xi32>
      %rev3A_1286 = arith.subi %rev3A_1284, %rev3A_1285 : vector<16xi32>
      %rev3A_1287 = tpu.dynamic_gather %sort3A_1281[%rev3A_1286] in [0] : vector<16xf32>, vector<16xi32> -> vector<16xf32>
      %max3A_1288 = arith.maximumf %while3A_1274, %rev3A_1287 : vector<16xf32>
      %sort3A_1289 = arith.constant dense<true> : vector<16xi1>
      %sort3A_1290, %sort3A_1291, %sort3A_1292 = tpu.sort %max3A_1288, %max3A_1288 masked %sort3A_1289 : (vector<16xf32>, vector<16xf32>, vector<16xi1>) -> (vector<16xi1>, vector<16xf32>, vector<16xf32>)
      %rev3A_1293 = arith.constant 15 : i32
      %rev3A_1294 = vector.broadcast %rev3A_1293 : i32 to vector<16xi32>
      %rev3A_1295 = tpu.iota {dimensions = array<i32: 0>} : vector<16xi32>
      %rev3A_1296 = arith.subi %rev3A_1294, %rev3A_1295 : vector<16xi32>
      %rev3A_1297 = tpu.dynamic_gather %sort3A_1291[%rev3A_1296] in [0] : vector<16xf32>, vector<16xi32> -> vector<16xf32>
      %max3A_1298 = arith.maximumf %while3A_1273, %rev3A_1297 : vector<16xf32>
      %sort3A_1299 = arith.constant dense<true> : vector<16xi1>
      %sort3A_1300, %sort3A_1301, %sort3A_1302 = tpu.sort %max3A_1298, %max3A_1298 masked %sort3A_1299 : (vector<16xf32>, vector<16xf32>, vector<16xi1>) -> (vector<16xi1>, vector<16xf32>, vector<16xf32>)
      %min3A_1303 = arith.minimumf %while3A_1273, %rev3A_1297 : vector<16xf32>
      %sort3A_1304 = arith.constant dense<true> : vector<16xi1>
      %sort3A_1305, %sort3A_1306, %sort3A_1307 = tpu.sort %min3A_1303, %min3A_1303 masked %sort3A_1304 : (vector<16xf32>, vector<16xf32>, vector<16xi1>) -> (vector<16xi1>, vector<16xf32>, vector<16xf32>)
      scf.yield %sort3A_1301, %sort3A_1306 : vector<16xf32>, vector<16xf32>
    }
    %while3A_1259 = arith.constant 1 : i32
    %while3A_1260:2 = scf.for %while3A_1272 = %while3A_1256 to %while3A_1252 step %while3A_1259 iter_args(%while3A_1273 = %while3A_1258#0, %while3A_1274 = %while3A_1258#1) -> (vector<16xf32>, vector<16xf32>)  : i32 {
      %add3A_1275 = vector.broadcast %while3A_1272 : i32 to vector<16xi32>
      %add3A_1276 = arith.addi %mul3A_3, %add3A_1275 : vector<16xi32>
      %gather3A = tpu.vector_load_idx %arg9[%add3A_1276] : memref<16384xf32, #tpu.memory_space<vmem>>[vector<16xi32>], vector<16xf32>,
      %lt3A = vector.broadcast %while3A_1272 : i32 to vector<16xi32>
      %lt3A_1277 = arith.cmpi slt, %lt3A, %sub3A_1241 : vector<16xi32>
      %jit3A = arith.constant -3.400000e+38 : f32
      %broadcast_in_dim3A_1278 = vector.broadcast %jit3A : f32 to vector<16xf32>
      %select_n3A = arith.select %lt3A_1277, %gather3A, %broadcast_in_dim3A_1278 : vector<16xi1>, vector<16xf32>
      %sort3A_1279 = arith.constant dense<true> : vector<16xi1>
      %sort3A_1280, %sort3A_1281, %sort3A_1282 = tpu.sort %select_n3A, %select_n3A masked %sort3A_1279 : (vector<16xf32>, vector<16xf32>, vector<16xi1>) -> (vector<16xi1>, vector<16xf32>, vector<16xf32>)
      %rev3A_1283 = arith.constant 15 : i32
      %rev3A_1284 = vector.broadcast %rev3A_1283 : i32 to vector<16xi32>
      %rev3A_1285 = tpu.iota {dimensions = array<i32: 0>} : vector<16xi32>
      %rev3A_1286 = arith.subi %rev3A_1284, %rev3A_1285 : vector<16xi32>
      %rev3A_1287 = tpu.dynamic_gather %sort3A_1281[%rev3A_1286] in [0] : vector<16xf32>, vector<16xi32> -> vector<16xf32>
      %max3A_1288 = arith.maximumf %while3A_1274, %rev3A_1287 : vector<16xf32>
      %sort3A_1289 = arith.constant dense<true> : vector<16xi1>
      %sort3A_1290, %sort3A_1291, %sort3A_1292 = tpu.sort %max3A_1288, %max3A_1288 masked %sort3A_1289 : (vector<16xf32>, vector<16xf32>, vector<16xi1>) -> (vector<16xi1>, vector<16xf32>, vector<16xf32>)
      %rev3A_1293 = arith.constant 15 : i32
      %rev3A_1294 = vector.broadcast %rev3A_1293 : i32 to vector<16xi32>
      %rev3A_1295 = tpu.iota {dimensions = array<i32: 0>} : vector<16xi32>
      %rev3A_1296 = arith.subi %rev3A_1294, %rev3A_1295 : vector<16xi32>
      %rev3A_1297 = tpu.dynamic_gather %sort3A_1291[%rev3A_1296] in [0] : vector<16xf32>, vector<16xi32> -> vector<16xf32>
      %max3A_1298 = arith.maximumf %while3A_1273, %rev3A_1297 : vector<16xf32>
      %sort3A_1299 = arith.constant dense<true> : vector<16xi1>
      %sort3A_1300, %sort3A_1301, %sort3A_1302 = tpu.sort %max3A_1298, %max3A_1298 masked %sort3A_1299 : (vector<16xf32>, vector<16xf32>, vector<16xi1>) -> (vector<16xi1>, vector<16xf32>, vector<16xf32>)
      %min3A_1303 = arith.minimumf %while3A_1273, %rev3A_1297 : vector<16xf32>
      %sort3A_1304 = arith.constant dense<true> : vector<16xi1>
      %sort3A_1305, %sort3A_1306, %sort3A_1307 = tpu.sort %min3A_1303, %min3A_1303 masked %sort3A_1304 : (vector<16xf32>, vector<16xf32>, vector<16xi1>) -> (vector<16xi1>, vector<16xf32>, vector<16xf32>)
      scf.yield %sort3A_1301, %sort3A_1306 : vector<16xf32>, vector<16xf32>
    }
    %reduce_min3A_1261 = arith.constant true
    %reduce_min3A_1262 = vector.broadcast %reduce_min3A_1261 : i1 to vector<16xi1>
    %reduce_min3A_1263 = tpu.scan <min>, %while3A_1260#1 masked %reduce_min3A_1262 : vector<16xf32>, vector<16xi1> -> vector<16xf32>
    %reduce_min3A_1264 = vector.extract %reduce_min3A_1263[15] : f32 from vector<16xf32>
    %broadcast_in_dim3A_1265 = vector.broadcast %reduce_min3A_1264 : f32 to vector<16xf32>
    %swap3A_1266 = arith.constant 3 : i32
    %swap3A_1267 = arith.index_cast %swap3A_1266 : i32 to index
    %swap3A_1268 = arith.constant 0 : index
    %swap3A_1269 = tpu.vector_load %arg11[%swap3A_1267, %swap3A_1268] {strides = array<i32>} : memref<4x16xf32, #tpu.memory_space<vmem>>, vector<16xf32>,
    tpu.vector_store %arg11[%swap3A_1267, %swap3A_1268], %broadcast_in_dim3A_1265 {strides = array<i32>} : memref<4x16xf32, #tpu.memory_space<vmem>>, vector<16xf32>,
    %mul3A_1270 = arith.constant 4 : i32
    %mul3A_1271 = arith.muli %mul3A_1270, %add3A : i32
    "tpu.region"() ({
      %run_scoped3A = tpu.sem_alloc : memref<!tpu.dma_semaphore, #tpu.memory_space<semaphore_mem>>
      %dma_start3A_1272 = arith.constant 0 : i32
      %dma_start3A_1273 = tpu.memref_slice %arg4[%mul3A_1271, %dma_start3A_1272] : memref<128x16xf32, #tpu.memory_space<hbm>> -> memref<4x16xf32, #tpu.memory_space<hbm>>
      %dma_start3A_1274 = arith.constant 0 : i32
      %dma_start3A_1275 = tpu.memref_slice %arg4[%mul3A_1271, %dma_start3A_1274] : memref<128x16xf32, #tpu.memory_space<hbm>> -> memref<4x16xf32, #tpu.memory_space<hbm>>
      tpu.enqueue_dma source(%arg11 : memref<4x16xf32, #tpu.memory_space<vmem>>) target(%dma_start3A_1275 : memref<4x16xf32, #tpu.memory_space<hbm>>) target_semaphore(%run_scoped3A : memref<!tpu.dma_semaphore, #tpu.memory_space<semaphore_mem>>)
      %dma_wait3A_1276 = arith.constant 0 : i32
      %dma_wait3A_1277 = tpu.memref_slice %arg4[%mul3A_1271, %dma_wait3A_1276] : memref<128x16xf32, #tpu.memory_space<hbm>> -> memref<4x16xf32, #tpu.memory_space<hbm>>
      %dma_wait3A_1278 = arith.constant 0 : i32
      %dma_wait3A_1279 = tpu.memref_slice %arg4[%mul3A_1271, %dma_wait3A_1278] : memref<128x16xf32, #tpu.memory_space<hbm>> -> memref<4x16xf32, #tpu.memory_space<hbm>>
      tpu.wait_dma2 semaphore(%run_scoped3A : memref<!tpu.dma_semaphore, #tpu.memory_space<semaphore_mem>>) src(%arg11 : memref<4x16xf32, #tpu.memory_space<vmem>>) dst(%dma_wait3A_1279 : memref<4x16xf32, #tpu.memory_space<hbm>>)
      tpu.yield
    }) : () -> ()
    return
  }
}

module attributes {stable_mosaic.version = 14 : i64} {
  func.func @_enc_body(%arg0: i32, %arg1: memref<128x768xf32, #tpu.memory_space<vmem>>, %arg2: memref<2048x768xf32, #tpu.memory_space<vmem>>, %arg3: memref<1x2048xf32, #tpu.memory_space<vmem>>, %arg4: memref<1x768xf32, #tpu.memory_space<vmem>>, %arg5: memref<128x2048xf32, #tpu.memory_space<vmem>>, %arg6: memref<128x128xf32, #tpu.memory_space<vmem>>, %arg7: memref<128x128xf32, #tpu.memory_space<vmem>>) attributes {dimension_semantics = [#tpu.dimension_semantics<arbitrary>], iteration_bounds = array<i64: 8>, scalar_prefetch = 0 : i64, scratch_operands = 1 : i64, tpu.core_type = #tpu.core_type<tc>, window_params = [{pipeline_mode = #tpu.pipeline_mode<synchronous>, transform_indices = @transform_0, window_bounds = array<i64: 128, 768>}, {transform_indices = @transform_1, window_bounds = array<i64: 2048, 768>}, {transform_indices = @transform_2, window_bounds = array<i64: 1, 2048>}, {pipeline_mode = #tpu.pipeline_mode<synchronous>, transform_indices = @transform_3, window_bounds = array<i64: 1, 768>}, {transform_indices = @transform_4, window_bounds = array<i64: 128, 2048>}, {pipeline_mode = #tpu.pipeline_mode<synchronous>, transform_indices = @transform_5, window_bounds = array<i64: 128, 128>}]} {
    %get3A = arith.constant 0 : index
    %get3A_0 = arith.constant 0 : index
    %get3A_1 = vector.load %arg1[%get3A, %get3A_0] : memref<128x768xf32, #tpu.memory_space<vmem>>, vector<128x768xf32>
    %get3A_2 = arith.constant 0 : index
    %get3A_3 = arith.constant 0 : index
    %get3A_4 = vector.load %arg4[%get3A_2, %get3A_3] : memref<1x768xf32, #tpu.memory_space<vmem>>, vector<1x768xf32>
    %sub3A = vector.broadcast %get3A_4 : vector<1x768xf32> to vector<128x768xf32>
    %sub3A_5 = arith.subf %get3A_1, %sub3A : vector<128x768xf32>
    %get3A_6 = arith.constant 0 : index
    %get3A_7 = arith.constant 0 : index
    %get3A_8 = vector.load %arg2[%get3A_6, %get3A_7] : memref<2048x768xf32, #tpu.memory_space<vmem>>, vector<2048x768xf32>
    %dot_general3A = arith.constant dense<0.000000e+00> : vector<128x2048xf32>
    %dot_general3A_9 = tpu.matmul %sub3A_5, %get3A_8, %dot_general3A {dimension_numbers = #tpu.dot_dimension_numbers<[1], [1], [0], [0], [0, 0, 1, 0], [], []>, transpose_lhs_hint = false} : vector<128x768xf32>, vector<2048x768xf32>, vector<128x2048xf32> -> vector<128x2048xf32>
    %get3A_10 = arith.constant 0 : index
    %get3A_11 = arith.constant 0 : index
    %get3A_12 = vector.load %arg3[%get3A_10, %get3A_11] : memref<1x2048xf32, #tpu.memory_space<vmem>>, vector<1x2048xf32>
    %add3A = vector.broadcast %get3A_12 : vector<1x2048xf32> to vector<128x2048xf32>
    %add3A_13 = arith.addf %dot_general3A_9, %add3A : vector<128x2048xf32>
    %swap3A = arith.constant 0 : index
    %swap3A_14 = arith.constant 0 : index
    %swap3A_15 = vector.load %arg5[%swap3A, %swap3A_14] : memref<128x2048xf32, #tpu.memory_space<vmem>>, vector<128x2048xf32>
    tpu.vector_store %arg5[%swap3A, %swap3A_14], %add3A_13 {strides = array<i32>} : memref<128x2048xf32, #tpu.memory_space<vmem>>, vector<128x2048xf32>,
    %eq3A = arith.constant 0 : i32
    %eq3A_16 = arith.cmpi eq, %arg0, %eq3A : i32
    %convert_element_type3A = arith.extui %eq3A_16 : i1 to i32
    %cond3A = arith.constant 0 : i32
    %cond3A_17 = arith.cmpi ne, %convert_element_type3A, %cond3A : i32
    scf.if %cond3A_17 {
      %broadcast_in_dim3A = arith.constant -3.400000e+38 : f32
      %broadcast_in_dim3A_59 = vector.broadcast %broadcast_in_dim3A : f32 to vector<128x128xf32>
      %swap3A_60 = arith.constant 0 : index
      %swap3A_61 = arith.constant 0 : index
      %swap3A_62 = vector.load %arg7[%swap3A_60, %swap3A_61] : memref<128x128xf32, #tpu.memory_space<vmem>>, vector<128x128xf32>
      tpu.vector_store %arg7[%swap3A_60, %swap3A_61], %broadcast_in_dim3A_59 {strides = array<i32>} : memref<128x128xf32, #tpu.memory_space<vmem>>, vector<128x128xf32>,
    } else {
    }
    %get3A_18 = arith.constant 0 : index
    %get3A_19 = arith.constant 0 : index
    %get3A_20 = vector.load %arg7[%get3A_18, %get3A_19] : memref<128x128xf32, #tpu.memory_space<vmem>>, vector<128x128xf32>
    %slice3A = vector.extract_strided_slice %add3A_13 {offsets = [0, 0], sizes = [128, 128], strides = [1, 1]} : vector<128x2048xf32> to vector<128x128xf32>
    %max3A = arith.maximumf %get3A_20, %slice3A : vector<128x128xf32>
    %slice3A_21 = vector.extract_strided_slice %add3A_13 {offsets = [0, 128], sizes = [128, 128], strides = [1, 1]} : vector<128x2048xf32> to vector<128x128xf32>
    %max3A_22 = arith.maximumf %max3A, %slice3A_21 : vector<128x128xf32>
    %slice3A_23 = vector.extract_strided_slice %add3A_13 {offsets = [0, 256], sizes = [128, 128], strides = [1, 1]} : vector<128x2048xf32> to vector<128x128xf32>
    %max3A_24 = arith.maximumf %max3A_22, %slice3A_23 : vector<128x128xf32>
    %slice3A_25 = vector.extract_strided_slice %add3A_13 {offsets = [0, 384], sizes = [128, 128], strides = [1, 1]} : vector<128x2048xf32> to vector<128x128xf32>
    %max3A_26 = arith.maximumf %max3A_24, %slice3A_25 : vector<128x128xf32>
    %slice3A_27 = vector.extract_strided_slice %add3A_13 {offsets = [0, 512], sizes = [128, 128], strides = [1, 1]} : vector<128x2048xf32> to vector<128x128xf32>
    %max3A_28 = arith.maximumf %max3A_26, %slice3A_27 : vector<128x128xf32>
    %slice3A_29 = vector.extract_strided_slice %add3A_13 {offsets = [0, 640], sizes = [128, 128], strides = [1, 1]} : vector<128x2048xf32> to vector<128x128xf32>
    %max3A_30 = arith.maximumf %max3A_28, %slice3A_29 : vector<128x128xf32>
    %slice3A_31 = vector.extract_strided_slice %add3A_13 {offsets = [0, 768], sizes = [128, 128], strides = [1, 1]} : vector<128x2048xf32> to vector<128x128xf32>
    %max3A_32 = arith.maximumf %max3A_30, %slice3A_31 : vector<128x128xf32>
    %slice3A_33 = vector.extract_strided_slice %add3A_13 {offsets = [0, 896], sizes = [128, 128], strides = [1, 1]} : vector<128x2048xf32> to vector<128x128xf32>
    %max3A_34 = arith.maximumf %max3A_32, %slice3A_33 : vector<128x128xf32>
    %slice3A_35 = vector.extract_strided_slice %add3A_13 {offsets = [0, 1024], sizes = [128, 128], strides = [1, 1]} : vector<128x2048xf32> to vector<128x128xf32>
    %max3A_36 = arith.maximumf %max3A_34, %slice3A_35 : vector<128x128xf32>
    %slice3A_37 = vector.extract_strided_slice %add3A_13 {offsets = [0, 1152], sizes = [128, 128], strides = [1, 1]} : vector<128x2048xf32> to vector<128x128xf32>
    %max3A_38 = arith.maximumf %max3A_36, %slice3A_37 : vector<128x128xf32>
    %slice3A_39 = vector.extract_strided_slice %add3A_13 {offsets = [0, 1280], sizes = [128, 128], strides = [1, 1]} : vector<128x2048xf32> to vector<128x128xf32>
    %max3A_40 = arith.maximumf %max3A_38, %slice3A_39 : vector<128x128xf32>
    %slice3A_41 = vector.extract_strided_slice %add3A_13 {offsets = [0, 1408], sizes = [128, 128], strides = [1, 1]} : vector<128x2048xf32> to vector<128x128xf32>
    %max3A_42 = arith.maximumf %max3A_40, %slice3A_41 : vector<128x128xf32>
    %slice3A_43 = vector.extract_strided_slice %add3A_13 {offsets = [0, 1536], sizes = [128, 128], strides = [1, 1]} : vector<128x2048xf32> to vector<128x128xf32>
    %max3A_44 = arith.maximumf %max3A_42, %slice3A_43 : vector<128x128xf32>
    %slice3A_45 = vector.extract_strided_slice %add3A_13 {offsets = [0, 1664], sizes = [128, 128], strides = [1, 1]} : vector<128x2048xf32> to vector<128x128xf32>
    %max3A_46 = arith.maximumf %max3A_44, %slice3A_45 : vector<128x128xf32>
    %slice3A_47 = vector.extract_strided_slice %add3A_13 {offsets = [0, 1792], sizes = [128, 128], strides = [1, 1]} : vector<128x2048xf32> to vector<128x128xf32>
    %max3A_48 = arith.maximumf %max3A_46, %slice3A_47 : vector<128x128xf32>
    %slice3A_49 = vector.extract_strided_slice %add3A_13 {offsets = [0, 1920], sizes = [128, 128], strides = [1, 1]} : vector<128x2048xf32> to vector<128x128xf32>
    %max3A_50 = arith.maximumf %max3A_48, %slice3A_49 : vector<128x128xf32>
    %swap3A_51 = arith.constant 0 : index
    %swap3A_52 = arith.constant 0 : index
    %swap3A_53 = vector.load %arg7[%swap3A_51, %swap3A_52] : memref<128x128xf32, #tpu.memory_space<vmem>>, vector<128x128xf32>
    tpu.vector_store %arg7[%swap3A_51, %swap3A_52], %max3A_50 {strides = array<i32>} : memref<128x128xf32, #tpu.memory_space<vmem>>, vector<128x128xf32>,
    %eq3A_54 = arith.constant 7 : i32
    %eq3A_55 = arith.cmpi eq, %arg0, %eq3A_54 : i32
    %convert_element_type3A_56 = arith.extui %eq3A_55 : i1 to i32
    %cond3A_57 = arith.constant 0 : i32
    %cond3A_58 = arith.cmpi ne, %convert_element_type3A_56, %cond3A_57 : i32
    scf.if %cond3A_58 {
      %swap3A_59 = arith.constant 0 : index
      %swap3A_60 = arith.constant 0 : index
      %swap3A_61 = vector.load %arg6[%swap3A_59, %swap3A_60] : memref<128x128xf32, #tpu.memory_space<vmem>>, vector<128x128xf32>
      tpu.vector_store %arg6[%swap3A_59, %swap3A_60], %max3A_50 {strides = array<i32>} : memref<128x128xf32, #tpu.memory_space<vmem>>, vector<128x128xf32>,
    } else {
    }
    return
  }
  func.func @transform_0(%arg0: i32) -> (i32, i32) {
    %c0_i32 = arith.constant 0 : i32
    %c0_i32_0 = arith.constant 0 : i32
    %c0_i32_1 = arith.constant 0 : i32
    return %c0_i32, %c0_i32_0 : i32, i32
  }
  func.func @transform_1(%arg0: i32) -> (i32, i32) {
    %c0_i32 = arith.constant 0 : i32
    %c0_i32_0 = arith.constant 0 : i32
    return %arg0, %c0_i32 : i32, i32
  }
  func.func @transform_2(%arg0: i32) -> (i32, i32) {
    %c0_i32 = arith.constant 0 : i32
    %c0_i32_0 = arith.constant 0 : i32
    return %c0_i32, %arg0 : i32, i32
  }
  func.func @transform_3(%arg0: i32) -> (i32, i32) {
    %c0_i32 = arith.constant 0 : i32
    %c0_i32_0 = arith.constant 0 : i32
    %c0_i32_1 = arith.constant 0 : i32
    return %c0_i32, %c0_i32_0 : i32, i32
  }
  func.func @transform_4(%arg0: i32) -> (i32, i32) {
    %c0_i32 = arith.constant 0 : i32
    %c0_i32_0 = arith.constant 0 : i32
    return %c0_i32, %arg0 : i32, i32
  }
  func.func @transform_5(%arg0: i32) -> (i32, i32) {
    %c0_i32 = arith.constant 0 : i32
    %c0_i32_0 = arith.constant 0 : i32
    %c0_i32_1 = arith.constant 0 : i32
    return %c0_i32, %c0_i32_0 : i32, i32
  }
}

module attributes {stable_mosaic.version = 14 : i64} {
  func.func @_dec_body(%arg0: i32, %arg1: memref<128x2048xf32, #tpu.memory_space<vmem>>, %arg2: memref<128x16xf32, #tpu.memory_space<vmem>>, %arg3: memref<768x2048xf32, #tpu.memory_space<vmem>>, %arg4: memref<1x768xf32, #tpu.memory_space<vmem>>, %arg5: memref<128x2048xf32, #tpu.memory_space<vmem>>, %arg6: memref<128x768xf32, #tpu.memory_space<vmem>>, %arg7: memref<128x768xf32, #tpu.memory_space<vmem>>) attributes {dimension_semantics = [#tpu.dimension_semantics<arbitrary>], iteration_bounds = array<i64: 8>, scalar_prefetch = 0 : i64, scratch_operands = 1 : i64, tpu.core_type = #tpu.core_type<tc>, window_params = [{transform_indices = @transform_0, window_bounds = array<i64: 128, 2048>}, {pipeline_mode = #tpu.pipeline_mode<synchronous>, transform_indices = @transform_1, window_bounds = array<i64: 128, 16>}, {transform_indices = @transform_2, window_bounds = array<i64: 768, 2048>}, {pipeline_mode = #tpu.pipeline_mode<synchronous>, transform_indices = @transform_3, window_bounds = array<i64: 1, 768>}, {transform_indices = @transform_4, window_bounds = array<i64: 128, 2048>}, {pipeline_mode = #tpu.pipeline_mode<synchronous>, transform_indices = @transform_5, window_bounds = array<i64: 128, 768>}]} {
    %eq3A = arith.constant 0 : i32
    %eq3A_0 = arith.cmpi eq, %arg0, %eq3A : i32
    %convert_element_type3A = arith.extui %eq3A_0 : i1 to i32
    %cond3A = arith.constant 0 : i32
    %cond3A_1 = arith.cmpi ne, %convert_element_type3A, %cond3A : i32
    scf.if %cond3A_1 {
      %broadcast_in_dim3A_27 = arith.constant 0.000000e+00 : f32
      %broadcast_in_dim3A_28 = vector.broadcast %broadcast_in_dim3A_27 : f32 to vector<128x768xf32>
      %swap3A_29 = arith.constant 0 : index
      %swap3A_30 = arith.constant 0 : index
      %swap3A_31 = vector.load %arg7[%swap3A_29, %swap3A_30] : memref<128x768xf32, #tpu.memory_space<vmem>>, vector<128x768xf32>
      tpu.vector_store %arg7[%swap3A_29, %swap3A_30], %broadcast_in_dim3A_28 {strides = array<i32>} : memref<128x768xf32, #tpu.memory_space<vmem>>, vector<128x768xf32>,
    } else {
    }
    %get3A = arith.constant 0 : index
    %get3A_2 = arith.constant 0 : index
    %get3A_3 = vector.load %arg1[%get3A, %get3A_2] : memref<128x2048xf32, #tpu.memory_space<vmem>>, vector<128x2048xf32>
    %get3A_4 = arith.constant 0 : index
    %get3A_5 = arith.constant 0 : index
    %get3A_6 = vector.load %arg2[%get3A_4, %get3A_5] : memref<128x16xf32, #tpu.memory_space<vmem>>, vector<128x16xf32>
    %slice3A = vector.extract_strided_slice %get3A_6 {offsets = [0, 0], sizes = [128, 1], strides = [1, 1]} : vector<128x16xf32> to vector<128x1xf32>
    %ge3A = vector.broadcast %slice3A : vector<128x1xf32> to vector<128x2048xf32>
    %ge3A_7 = arith.cmpf oge, %get3A_3, %ge3A : vector<128x2048xf32>
    %gt3A = arith.constant 0.000000e+00 : f32
    %gt3A_8 = vector.broadcast %gt3A : f32 to vector<128x2048xf32>
    %gt3A_9 = arith.cmpf ogt, %get3A_3, %gt3A_8 : vector<128x2048xf32>
    %and3A = arith.andi %ge3A_7, %gt3A_9 : vector<128x2048xi1>
    %jit3A = arith.constant 0.000000e+00 : f32
    %broadcast_in_dim3A = vector.broadcast %jit3A : f32 to vector<128x2048xf32>
    %select_n3A = arith.select %and3A, %get3A_3, %broadcast_in_dim3A : vector<128x2048xi1>, vector<128x2048xf32>
    %swap3A = arith.constant 0 : index
    %swap3A_10 = arith.constant 0 : index
    %swap3A_11 = vector.load %arg5[%swap3A, %swap3A_10] : memref<128x2048xf32, #tpu.memory_space<vmem>>, vector<128x2048xf32>
    tpu.vector_store %arg5[%swap3A, %swap3A_10], %select_n3A {strides = array<i32>} : memref<128x2048xf32, #tpu.memory_space<vmem>>, vector<128x2048xf32>,
    %get3A_12 = arith.constant 0 : index
    %get3A_13 = arith.constant 0 : index
    %get3A_14 = vector.load %arg7[%get3A_12, %get3A_13] : memref<128x768xf32, #tpu.memory_space<vmem>>, vector<128x768xf32>
    %get3A_15 = arith.constant 0 : index
    %get3A_16 = arith.constant 0 : index
    %get3A_17 = vector.load %arg3[%get3A_15, %get3A_16] : memref<768x2048xf32, #tpu.memory_space<vmem>>, vector<768x2048xf32>
    %dot_general3A = arith.constant dense<0.000000e+00> : vector<128x768xf32>
    %dot_general3A_18 = tpu.matmul %select_n3A, %get3A_17, %dot_general3A {dimension_numbers = #tpu.dot_dimension_numbers<[1], [1], [0], [0], [0, 0, 1, 0], [], []>, transpose_lhs_hint = false} : vector<128x2048xf32>, vector<768x2048xf32>, vector<128x768xf32> -> vector<128x768xf32>
    %add3A = arith.addf %get3A_14, %dot_general3A_18 : vector<128x768xf32>
    %swap3A_19 = arith.constant 0 : index
    %swap3A_20 = arith.constant 0 : index
    %swap3A_21 = vector.load %arg7[%swap3A_19, %swap3A_20] : memref<128x768xf32, #tpu.memory_space<vmem>>, vector<128x768xf32>
    tpu.vector_store %arg7[%swap3A_19, %swap3A_20], %add3A {strides = array<i32>} : memref<128x768xf32, #tpu.memory_space<vmem>>, vector<128x768xf32>,
    %eq3A_22 = arith.constant 7 : i32
    %eq3A_23 = arith.cmpi eq, %arg0, %eq3A_22 : i32
    %convert_element_type3A_24 = arith.extui %eq3A_23 : i1 to i32
    %cond3A_25 = arith.constant 0 : i32
    %cond3A_26 = arith.cmpi ne, %convert_element_type3A_24, %cond3A_25 : i32
    scf.if %cond3A_26 {
      %get3A_27 = arith.constant 0 : index
      %get3A_28 = arith.constant 0 : index
      %get3A_29 = vector.load %arg7[%get3A_27, %get3A_28] : memref<128x768xf32, #tpu.memory_space<vmem>>, vector<128x768xf32>
      %get3A_30 = arith.constant 0 : index
      %get3A_31 = arith.constant 0 : index
      %get3A_32 = vector.load %arg4[%get3A_30, %get3A_31] : memref<1x768xf32, #tpu.memory_space<vmem>>, vector<1x768xf32>
      %add3A_33 = vector.broadcast %get3A_32 : vector<1x768xf32> to vector<128x768xf32>
      %add3A_34 = arith.addf %get3A_29, %add3A_33 : vector<128x768xf32>
      %swap3A_35 = arith.constant 0 : index
      %swap3A_36 = arith.constant 0 : index
      %swap3A_37 = vector.load %arg6[%swap3A_35, %swap3A_36] : memref<128x768xf32, #tpu.memory_space<vmem>>, vector<128x768xf32>
      tpu.vector_store %arg6[%swap3A_35, %swap3A_36], %add3A_34 {strides = array<i32>} : memref<128x768xf32, #tpu.memory_space<vmem>>, vector<128x768xf32>,
    } else {
    }
    return
  }
  func.func @transform_0(%arg0: i32) -> (i32, i32) {
    %c0_i32 = arith.constant 0 : i32
    %c0_i32_0 = arith.constant 0 : i32
    return %c0_i32, %arg0 : i32, i32
  }
  func.func @transform_1(%arg0: i32) -> (i32, i32) {
    %c0_i32 = arith.constant 0 : i32
    %c0_i32_0 = arith.constant 0 : i32
    %c0_i32_1 = arith.constant 0 : i32
    return %c0_i32, %c0_i32_0 : i32, i32
  }
  func.func @transform_2(%arg0: i32) -> (i32, i32) {
    %c0_i32 = arith.constant 0 : i32
    %c0_i32_0 = arith.constant 0 : i32
    return %c0_i32, %arg0 : i32, i32
  }
  func.func @transform_3(%arg0: i32) -> (i32, i32) {
    %c0_i32 = arith.constant 0 : i32
    %c0_i32_0 = arith.constant 0 : i32
    %c0_i32_1 = arith.constant 0 : i32
    return %c0_i32, %c0_i32_0 : i32, i32
  }
  func.func @transform_4(%arg0: i32) -> (i32, i32) {
    %c0_i32 = arith.constant 0 : i32
    %c0_i32_0 = arith.constant 0 : i32
    return %c0_i32, %arg0 : i32, i32
  }
  func.func @transform_5(%arg0: i32) -> (i32, i32) {
    %c0_i32 = arith.constant 0 : i32
    %c0_i32_0 = arith.constant 0 : i32
    %c0_i32_1 = arith.constant 0 : i32
    return %c0_i32, %c0_i32_0 : i32, i32
  }
}

</mosaic_0001>

<sc_bundles>
// kernel: kernel.5.cloned.1.call-start
scs
__scs_entry_jumppad:
0x0: {  	(pc) =	sbr.rel $0x88, $3  }
0x1: {  	(tag) =	ssettag $0x0;
	lr =	simm.s32 $0x1  }
0x2: {  	[smem:$0x3F9C] =	sst lr;
	_ =	strace $0xD0000000  }
0x3: {  	_ = 	snop  }
0x4: {  	_ = 	snop  }
0x5: {  	_ = 	snop  }
0x6: {  	_ = 	snop  }
0x7: {  	_ = 	snop  }
__scs_overlays_trampoline_lowered:
0x8: {  	[smem:$0x3FAB] =	sst s0  }
0x9: {  	[smem:$0x3FAC] =	sst s1  }
0xa: {  	[smem:$0x3FAD] =	sst s2  }
0xb: {  	[smem:$0x3FAE] =	sst s3  }
0xc: {  	[smem:$0x3FAF] =	sst s4  }
0xd: {  	[smem:$0x3FB0] =	sst s5  }
0xe: {  	[smem:$0x3FB1] =	sst s6  }
0xf: {  	[smem:$0x3FB2] =	sst s7  }
0x10: {  	[smem:$0x3FB3] =	sst s8  }
0x11: {  	[smem:$0x3FB4] =	sst s9;
	s0 =	simm.s32 @!p0 $0x0  }
0x12: {  	s1 =	sld [smem:$0x3F9A];
	s0 =	simm.s32 @p0 $0x1  }
0x13: {  	[smem:$0x3FB5] =	sst s0;
	s0 =	simm.s32 @!p1 $0x0  }
0x14: {  	s2 =	sld [smem:$0x3F99];
	s0 =	simm.s32 @p1 $0x1  }
0x15: {  	[smem:$0x3FB6] =	sst s0;
	s0 =	simm.s32 @!p2 $0x0  }
0x16: {  	s3 =	sld [smem:$0x3FDB];
	s0 =	simm.s32 @p2 $0x1  }
0x17: {  	s4 =	simm.s32 $0x1BF5;
	[smem:$0x3FB8] =	sst s0  }
0x18: {  	s0 =	sld [smem:$0x3F9B];
	_ =	swait.ge [sflag:s4], $0x0  }
0x19: {  	s7 =	sld [smem:$0x3F9C]  }
0x1a: {  	s8 =	sadd.s32 $0xFFFFE003, lr  }
0x1b: {  	s9 =	sadd.s32 $0xFFFFFEF7, lr;
	s5 =	simm.s32 $0xFFFFFFFF;
	p2 =	slt.u32 s8, $0xFFFFF086  }
0x1c: {  	p1 =	slt.u32 s9, $0xF7A;
	s5 =	simm.s32 @!p2 $0x0  }
0x1d: {  	s5 =	simm.s32 @p1 $0x1;
	p0 =	seq.s32 s7, s2  }
0x1e: {  	s7 =	smul.u32 @!p0 $0xF7A, s2;
	p2 =	seq.s32 @!p0 s5, $0x0  }
0x1f: {  	s9 =	smul.u32 $0xF7A, s1;
	s8 =	simm.s32 @!p0 $0x1BF5;
	p2 =	por !p2, p0  }
0x20: {  	[sflag:s8] =	ssyncset.s32 @!p0 $0xFFFFF086;
	s6 =	sadd.s32 @!p0 s3, s7;
	s7 =	simm.s32 @!p0 $0x108  }
0x21: {  	s3 =	sadd.s32 s3, s9;
	s6 =	sadd.s32 @!p0 $0x88, s6;
	s7 =	simm.s32 @p2 $0x1082  }
0x22: {  	[simem:s7], [sflag:s8] =	dma.local @!p0 [hbm:s6], $0xF7A  }
0x23: {  	s9 =	sor.u32 $0xD0000000, s2;
	s6 =	simm.s32 $0x108;
	_ =	swait.ge @!p0 [sflag:s8], $0x0  }
0x24: {  	s3 =	sadd.s32 $0x88, s3;
	s6 =	simm.s32 @!p1 $0x1082;
	[sflag:s4] =	ssyncset.s32 $0xFFFFF086  }
0x25: {  	[simem:s6], [sflag:s4] =	dma.local [hbm:s3], $0xF7A  }
0x26: {  	[smem:$0x3F9C] =	sst s1;
	(tag) =	ssettag s2;
	_ =	strace s9  }
0x27: {  	s1 =	sld [smem:$0x3FAC]  }
0x28: {  	s2 =	sld [smem:$0x3FAD]  }
0x29: {  	s4 =	sld [smem:$0x3FAF]  }
0x2a: {  	p0 =	seq.s32 s5, $0x0;
	s5 =	sld [smem:$0x3FB0]  }
0x2b: {  	s6 =	sld [smem:$0x3FB1]  }
0x2c: {  	s7 =	sld [smem:$0x3FB2]  }
0x2d: {  	s3 =	simm.s32 $0x108;
	s8 =	sld [smem:$0x3FB3]  }
0x2e: {  	s3 =	simm.s32 @!p0 $0x1082;
	s9 =	sld [smem:$0x3FB4]  }
0x2f: {  	lr =	sadd.s32 s0, s3;
	s0 =	sld [smem:$0x3FAB]  }
0x30: {  	s3 =	sld [smem:$0x3FAE]  }
0x31: {  	[smem:$0x3FB7] =	sst s10  }
0x32: {  	s10 =	sld [smem:$0x3FB5];
	_ =	sdelay $0x3  }
0x33: {  	p0 =	seq.s32 s10, $0x1;
	s10 =	sld [smem:$0x3FB7];
	_ =	sdelay $0x3  }
0x34: {  	[smem:$0x3FB7] =	sst s10  }
0x35: {  	s10 =	sld [smem:$0x3FB6];
	_ =	sdelay $0x3  }
0x36: {  	p1 =	seq.s32 s10, $0x1;
	s10 =	sld [smem:$0x3FB7];
	_ =	sdelay $0x3  }
0x37: {  	[smem:$0x3FB7] =	sst s10  }
0x38: {  	s10 =	sld [smem:$0x3FB8]  }
0x39: {  	_ = 	snop;
	(pc) =	sbr.ind lr, $3  }
0x3a: {  	_ = 	snop  }
0x3b: {  	_ = 	snop  }
0x3c: {  	p2 =	seq.s32 s10, $0x1;
	s10 =	sld [smem:$0x3FB7]  }
0x3d: {  	_ =	shalt  }
0x3e: {  	_ =	shalt  }
0x3f: {  	_ =	shalt  }
0x40: {  	_ =	shalt  }
0x41: {  	_ =	shalt  }
0x42: {  	_ =	shalt  }
0x43: {  	_ =	shalt  }
0x44: {  	_ =	shalt  }
0x45: {  	_ =	shalt  }
0x46: {  	_ =	shalt  }
0x47: {  	_ =	shalt  }
0x48: {  	_ =	shalt  }
0x49: {  	_ =	shalt  }
0x4a: {  	_ =	shalt  }
0x4b: {  	_ =	shalt  }
0x4c: {  	_ =	shalt  }
0x4d: {  	_ =	shalt  }
0x4e: {  	_ =	shalt  }
0x4f: {  	_ =	shalt  }
0x50: {  	_ =	shalt  }
0x51: {  	_ =	shalt  }
0x52: {  	_ =	shalt  }
0x53: {  	_ =	shalt  }
0x54: {  	_ =	shalt  }
0x55: {  	_ =	shalt  }
0x56: {  	_ =	shalt  }
0x57: {  	_ =	shalt  }
0x58: {  	_ =	shalt  }
0x59: {  	_ =	shalt  }
0x5a: {  	_ =	shalt  }
0x5b: {  	_ =	shalt  }
0x5c: {  	_ =	shalt  }
0x5d: {  	_ =	shalt  }
0x5e: {  	_ =	shalt  }
0x5f: {  	_ =	shalt  }
0x60: {  	_ =	shalt  }
0x61: {  	_ =	shalt  }
0x62: {  	_ =	shalt  }
0x63: {  	_ =	shalt  }
0x64: {  	_ =	shalt  }
0x65: {  	_ =	shalt  }
0x66: {  	_ =	shalt  }
0x67: {  	_ =	shalt  }
0x68: {  	_ =	shalt  }
0x69: {  	_ =	shalt  }
0x6a: {  	_ =	shalt  }
0x6b: {  	_ =	shalt  }
0x6c: {  	_ =	shalt  }
0x6d: {  	_ =	shalt  }
0x6e: {  	_ =	shalt  }
0x6f: {  	_ =	shalt  }
0x70: {  	_ =	shalt  }
0x71: {  	_ =	shalt  }
0x72: {  	_ =	shalt  }
0x73: {  	_ =	shalt  }
0x74: {  	_ =	shalt  }
0x75: {  	_ =	shalt  }
0x76: {  	_ =	shalt  }
0x77: {  	_ =	shalt  }
0x78: {  	_ =	shalt  }
0x79: {  	_ =	shalt  }
0x7a: {  	_ =	shalt  }
0x7b: {  	_ =	shalt  }
0x7c: {  	_ =	shalt  }
0x7d: {  	_ =	shalt  }
0x7e: {  	_ =	shalt  }
0x7f: {  	_ =	shalt  }
0x80: {  	_ =	shalt  }
0x81: {  	_ =	shalt  }
0x82: {  	_ =	shalt  }
0x83: {  	_ =	shalt  }
0x84: {  	_ =	shalt  }
0x85: {  	_ =	shalt  }
0x86: {  	_ =	shalt  }
0x87: {  	_ =	shalt  }
.Lfunc_end0:
.L_simem_size_0:
called_computation_lowered:
.L_overlay_start_0:
0x88: {  	s2 =	sld [smem:$0x3FD9]  }
0x89: {  	s3 =	sld [smem:$0x3FFE];
	_ =	sdelay $0x1  }
0x8a: {  	s1 =	srdreg.scid  }
0x8b: {  	s0 =	sand.u32 $0x1, s1  }
0x8c: {  	s14 =	sshll.u32 s0, $0xA;
	s2 =	sadd.s32 s3, s2  }
0x8d: {  	s2 =	sadd.s32 s2, s14  }
0x8e: {  	[smem:$0x3FC3] =	sst s2  }
0x8f: {  	_ = 	snop  }
0x90: {  	s2 =	sld [smem:$0x3FD0];
	_ =	sdelay $0x2  }
0x91: {  	s15 =	simm.s32 $0xA;
	s4 =	simm.s32 $0x10  }
0x92: {  	[smem:s4], [sflag:s15] =	dma.local [hbm:s2], $0x1  }
0x93: {  	_ =	swait.eq [sflag:s15], $0x1  }
0x94: {  	[sflag:s15] =	ssyncset.done $0x0  }
0x95: {  	s16 =	sld [smem:$0x10];
	[sflag:s15] =	ssyncadd.s32 $0xFFFFFFFF  }
0x96: {  	s17 =	sld [smem:$0x11];
	(tm) =	ssettm $0x1  }
0x97: {  	s18 =	sld [smem:$0x3FFB];
	_ =	sdelay $0x3  }
0x98: {  	_ =	strace s18  }
0x99: {  	s4 =	sld [smem:$0x3FFC];
	_ =	sdelay $0x3  }
0x9a: {  	_ =	strace s4  }
0x9b: {  	s4 =	sld [smem:$0x3FFD];
	_ =	sdelay $0x3  }
0x9c: {  	_ =	strace s4  }
0x9d: {  	_ =	strace $0x8FFFFFFF  }
0x9e: {  	s19 =	sld [smem:$0x3FDB];
	_ =	sdelay $0x1  }
0x9f: {  	s5 =	simm.s32 $_scs_section_size  }
0xa0: {  	s6 =	simm.s32 $_size__tile_overlayer_lowered;
	s7 =	simm.s32 $_tile_overlayer_lowered  }
0xa1: {  	s22 =	simm.s32 $0x1BFF;
	s21 =	sshll.u32 s7, $0x1;
	s4 =	sadd.s32 s5, s19  }
0xa2: {  	s8 =	simm.s32 $0x0;
	s20 =	sshll.u32 s6, $0x1;
	s6 =	sadd.s32 s21, s4  }
0xa3: {  	[timem:s8], [sflag:s22] =	dma.local [hbm:s6], s20  }
0xa4: {  	_ =	swait.ge [sflag:s22], s20  }
0xa5: {  	s5 =	ssub.s32 $0x0, s20;
	[sflag:s22] =	ssyncset.done $0x0  }
0xa6: {  	[sflag:s22] =	ssyncadd.s32 s5;
	_ =	sdelay $0x1  }
0xa7: {  	s23 =	simm.s32 $0x1B8B  }
0xa8: {  	_ =	swait.ge [sflag:s23], $0x1  }
0xa9: {  	[sflag:s23] =	ssyncset.done $0x0  }
0xaa: {  	s25 =	simm.s32 $0x1B8E;
	s24 =	sld [smem:$0x3FFE];
	[sflag:s23] =	ssyncadd.s32 $0xFFFFFFFF  }
0xab: {  	s26 =	simm.s32 $execute0_lowered;
	[smem:$0x3FD2] =	sst s25  }
0xac: {  	s6 =	sshll.u32 s26, $0x1;
	_ =	strace $0x80000046;
	[dreg:$0x1] =	wrdreg $0xFFFFFFFF  }
0xad: {  	s28 =	simm.s32 $_size_execute0_lowered;
	s4 =	sadd.s32 s4, s6;
	[dreg:$0x0] =	wrdreg $0x0  }
0xae: {  	s6 =	sshll.u32 s28, $0x1;
	[dreg:$0x2] =	wrdreg s4  }
0xaf: {  	[dreg:$0x3] =	wrdreg s6  }
0xb0: {  	[dreg:$0x4] =	wrdreg $0xC0  }
0xb1: {  	_ =	task [dreg:s8], $0x5FFFF  }
0xb2: {  	[dreg:$0x1] =	wrdreg $0xFFFFFFFF  }
0xb3: {  	[dreg:$0x0] =	wrdreg $0x60  }
0xb4: {  	[dreg:$0x2] =	wrdreg s16  }
0xb5: {  	[dreg:$0x3] =	wrdreg s17  }
0xb6: {  	[dreg:$0x4] =	wrdreg s24  }
0xb7: {  	[dreg:$0x5] =	wrdreg $0x9  }
0xb8: {  	_ =	task.clear_ibuf [dreg:s8], $0x6FFFF;
	_ =	strace $0x90000046  }
0xb9: {  	s29 =	simm.s32 $0x9;
	_ =	strace $0x80000048  }
0xba: {  	_ =	swait.ge [sflag:s29], $0x1  }
0xbb: {  	[sflag:s29] =	ssyncadd.s32 $0xFFFFFFFF  }
0xbc: {  	_ =	strace $0x90000048  }
0xbd: {  	_ =	sfence  }
0xbe: {  	s30 =	sld [smem:$0x0];
	_ =	sdelay $0x2  }
0xbf: {  	s31 =	sshll.u32 s1, $0xD;
	s1 =	sshrl.u32 s1, $0x2  }
0xc0: {  	s3 =	sand.u32 $0x4000, s31;
	s1 =	sadd.s32 s1, s30  }
0xc1: {  	s0 =	sor.u32 s3, s0;
	s1 =	sshll.u32 s1, $0x11  }
0xc2: {  	s0 =	sor.u32 s1, s0  }
0xc3: {  	s0 =	sadd.s32 $0x8F2B, s0  }
0xc4: {  	[sflag:s0] =	ssyncadd.remote.s32 $0x1  }
0xc5: {  	_ =	sfence.sel $0xFFFF  }
0xc6: {  	[dreg:$0x0] =	wrdreg $0xFFFFFFFF;
	(pc) =	sbr.abs _section_cstart, $3  }
0xc7: {  	[dreg:$0x1] =	wrdreg $0xFFFFFFFF  }
0xc8: {  	_ =	task.clear_ibuf [dreg:s8], $0x2FFFF;
	_ =	strace $0x9FFFFFFF  }
0xc9: {  	(tm) =	ssettm $0x7FFFFFFF  }
tec
execute0_lowered:
.L_overlay_start_1:
0x0: {  	(tag) =	ssettag $0x1  }
0x1: {  	s3 =	rddreg [dreg:$0x0]  }
0x2: {  	s4 =	rddreg [dreg:$0x1]  }
0x3: {  	s5 =	rddreg [dreg:$0x2]  }
0x4: {  	s0 =	rddreg [dreg:$0x3]  }
0x5: {  	s2 =	simm.s32 $0x0;
	s6 =	srdreg.scid;
	s1 =	stileid.u32  }
0x6: {  	s11 =	simm.s32 $0x400;
	s12 =	simm.s32 $0x4000;
	s13 =	simm.s32 $0x8000  }
0x7: {  	s14 =	simm.s32 $0xC000;
	s15 =	simm.s32 $0x5;
	s16 =	simm.s32 $0x1  }
0x8: {  	s17 =	simm.s32 $0x10000;
	s18 =	simm.s32 $0x2;
	s19 =	simm.s32 $0x3  }
0x9: {  	s20 =	simm.s32 $0x4;
	s21 =	simm.s32 $0x14200;
	s22 =	simm.s32 $0x6  }
0xa: {  	s23 =	simm.s32 $0x0;
	[smem:$0x7FF] =	sst s2;
	s6 =	sand.u32 $0x1, s6  }
0xb: {  	s7 =	sshll.u32 s1, $0xA;
	s9 =	sshll.u32 s1, $0x11;
	s8 =	sshll.u32 s6, $0x9  }
0xc: {  	_ =	strace $0x80000047;
	s6 =	ssub.s32 $0x2, s6;
	s7 =	sor.u32 s8, s7  }
.Ltmp0:
0xd: {  	s8 =	sor.u32 s8, s9;
	s31 =	sshrl.u32 s6, $0x1;
	(pc) =	sbr.rel .LBB2_1-.Ltmp0, $4  }
0xe: {  	v0 =	vlaneseq.u32;
	s7 =	sshrl.u32 s7, $0x3;
	s8 =	sshrl.u32 s8, $0x3;
	s10 =	ssub.s32 s6, s31  }
0xf: {  	v1 =	vmul.u32 $0xFFFFFFFF, v0;
	s30 =	sadd.s32 s7, s5;
	s3 =	sadd.s32 s3, s8;
	s4 =	sadd.s32 s4, s7  }
0x10: {  	s9 =	smax.u32 s10, $0x1;
	s10 =	simm.s32 $0x14000;
	s5 =	sadd.s32 $0x10, s3  }
0x11: {  	v3 =	vimm.s32 $0x0;
	v2 =	vmul.u32 $0x400, v0;
	v1 =	vadd.s32 $0xF, v1;
	s6 =	sadd.s32 $0x20, s3;
	s7 =	sadd.s32 $0x30, s3;
	s8 =	sadd.s32 $0x1200, s30  }
.LBB2_29:
0x12: {  	_ = 	snop  }
.LBB2_32:
0x13: {  	(xrf1) =	vsort.ascd.msk.f32 @p0 $0xffff, v6, v6;
	_ =	sdelay $0xc  }
0x14: {  	v4, _, _ =	vpop (xrf1)  }
0x15: {  	v4 =	vperm.xlane v4, v1;
	v6, _, _ =	vpop @p0 (xrf1)  }
0x16: {  	v5 =	vpsel p0, v6, v5  }
0x17: {  	v6 =	vmin.f32 v5, v4  }
0x18: {  	v4 =	vmax.f32 v5, v4;
	(xrf1) =	vsort.ascd.msk.f32 $0xffff, v6, v6  }
0x19: {  	(xrf1) =	vsort.ascd.msk.f32 $0xffff, v4, v4;
	_ =	sdelay $0xc  }
0x1a: {  	v5, _, _ =	vpop (xrf1)  }
0x1b: {  	v4, _, _ =	vpop (xrf1)  }
.LBB2_33:
0x1c: {  	(xrf0) =	vmin.scan.msk.f32 $0xffff, v5;
	_ =	sdelay $0x5  }
0x1d: {  	v4, _, _ =	vpop (xrf0)  }
0x1e: {  	s23 =	sadd.s32 $0x1, s23;
	v4 =	vbroadcast v4, $0xF  }
0x1f: {  	p0 =	sne.s32 s23, s9  }
.Ltmp1:
0x20: {  	[tilespmem:$0x14380] =	vst v4;
	(pc) =	sbr.rel @!p0 .LBB2_34-.Ltmp1, $4  }
0x21: {  	[hbm4b:s8+s2] =	stream.linear.scatter [tilespmem:s21], [sflag:$0x6], $0x200, $0x38;
	[tilespmem:$0x14400] =	vst v63  }
0x22: {  	_ =	swait.ge [sflag:s22], $0x200  }
0x23: {  	[sflag:s22] =	ssyncset.done $0x0  }
0x24: {  	[sflag:s22] =	ssyncadd.s32 $0xFFFFFE00  }
.LBB2_1:
0x25: {  	[tilespmem:s10], [sflag:$0x5] =	stream.linear.gather [hbm4b:s4+s2], $0x200, $0x38;
	[tilespmem:$0x14400] =	vst v63  }
0x26: {  	s24 =	simm.s32 $0x80  }
0x27: {  	[tilespmem:s2], [sflag:$0x1] =	stream.strided.gather [hbm4b:s3+s24], $0x4000, s11, s24, $0x38;
	[tilespmem:$0x14400] =	vst v63  }
0x28: {  	_ = 	snop  }
0x29: {  	[tilespmem:s12], [sflag:$0x2] =	stream.strided.gather [hbm4b:s5+s24], $0x4000, s11, s24, $0x38;
	[tilespmem:$0x14400] =	vst v63  }
0x2a: {  	_ = 	snop  }
0x2b: {  	[tilespmem:s13], [sflag:$0x3] =	stream.strided.gather [hbm4b:s6+s24], $0x4000, s11, s24, $0x38;
	[tilespmem:$0x14400] =	vst v63  }
0x2c: {  	_ = 	snop  }
0x2d: {  	[tilespmem:s14], [sflag:$0x4] =	stream.strided.gather [hbm4b:s7+s24], $0x4000, s11, s24, $0x38;
	[tilespmem:$0x14400] =	vst v63  }
0x2e: {  	_ =	swait.ge [sflag:s15], $0x200  }
0x2f: {  	[sflag:s15] =	ssyncset.done $0x0  }
0x30: {  	[sflag:s15] =	ssyncadd.s32 $0xFFFFFE00  }
0x31: {  	v4 =	vld [tilespmem:$0x14000];
	_ =	sdelay $0x4  }
0x32: {  	(xrf1) =	vsort.ascd.msk.f32 $0xffff, v4, v4;
	_ =	sdelay $0xd  }
0x33: {  	v4, _, _ =	vpop (xrf1)  }
0x34: {  	v4 =	vperm.xlane v4, v1;
	_ =	sdelay $0x1  }
0x35: {  	v4 =	vmax.f32 v4, $-3.399999950e+38  }
0x36: {  	(xrf1) =	vsort.ascd.msk.f32 $0xffff, v4, v4;
	_ =	sdelay $0xd  }
0x37: {  	v4, _, _ =	vpop (xrf1)  }
0x38: {  	v5 =	vld [tilespmem:$0x14010];
	v4 =	vperm.xlane v4, v1;
	_ =	sdelay $0x1  }
0x39: {  	v6 =	vmax.f32 v4, $-3.399999950e+38  }
0x3a: {  	v4 =	vmin.f32 v4, $-3.399999950e+38;
	(xrf1) =	vsort.ascd.msk.f32 $0xffff, v6, v6  }
0x3b: {  	(xrf1) =	vsort.ascd.msk.f32 $0xffff, v4, v4  }
0x3c: {  	(xrf1) =	vsort.ascd.msk.f32 $0xffff, v5, v5;
	_ =	sdelay $0xb  }
0x3d: {  	v4, _, _ =	vpop (xrf1)  }
0x3e: {  	v5, _, _ =	vpop (xrf1)  }
0x3f: {  	v6, _, _ =	vpop (xrf1)  }
0x40: {  	v6 =	vperm.xlane v6, v1;
	_ =	sdelay $0x1  }
0x41: {  	v5 =	vmax.f32 v5, v6  }
0x42: {  	(xrf1) =	vsort.ascd.msk.f32 $0xffff, v5, v5;
	_ =	sdelay $0xd  }
0x43: {  	v5, _, _ =	vpop (xrf1)  }
0x44: {  	v6 =	vld [tilespmem:$0x14020];
	v5 =	vperm.xlane v5, v1;
	_ =	sdelay $0x1  }
0x45: {  	v7 =	vmax.f32 v4, v5  }
0x46: {  	v4 =	vmin.f32 v4, v5;
	(xrf1) =	vsort.ascd.msk.f32 $0xffff, v7, v7  }
0x47: {  	(xrf1) =	vsort.ascd.msk.f32 $0xffff, v4, v4  }
0x48: {  	(xrf1) =	vsort.ascd.msk.f32 $0xffff, v6, v6;
	_ =	sdelay $0xb  }
0x49: {  	v4, _, _ =	vpop (xrf1)  }
0x4a: {  	v5, _, _ =	vpop (xrf1)  }
0x4b: {  	v6, _, _ =	vpop (xrf1)  }
0x4c: {  	v6 =	vperm.xlane v6, v1;
	_ =	sdelay $0x1  }
0x4d: {  	v5 =	vmax.f32 v5, v6  }
0x4e: {  	(xrf1) =	vsort.ascd.msk.f32 $0xffff, v5, v5;
	_ =	sdelay $0xd  }
0x4f: {  	v5, _, _ =	vpop (xrf1)  }
0x50: {  	v6 =	vld [tilespmem:$0x14030];
	v5 =	vperm.xlane v5, v1;
	_ =	sdelay $0x1  }
0x51: {  	v7 =	vmax.f32 v4, v5  }
0x52: {  	v4 =	vmin.f32 v4, v5;
	(xrf1) =	vsort.ascd.msk.f32 $0xffff, v7, v7  }
0x53: {  	(xrf1) =	vsort.ascd.msk.f32 $0xffff, v4, v4  }
0x54: {  	(xrf1) =	vsort.ascd.msk.f32 $0xffff, v6, v6;
	_ =	sdelay $0xb  }
0x55: {  	v4, _, _ =	vpop (xrf1)  }
0x56: {  	v5, _, _ =	vpop (xrf1)  }
0x57: {  	v6, _, _ =	vpop (xrf1)  }
0x58: {  	v6 =	vperm.xlane v6, v1;
	_ =	sdelay $0x1  }
0x59: {  	v5 =	vmax.f32 v5, v6  }
0x5a: {  	(xrf1) =	vsort.ascd.msk.f32 $0xffff, v5, v5;
	_ =	sdelay $0xd  }
0x5b: {  	v5, _, _ =	vpop (xrf1)  }
0x5c: {  	v6 =	vld [tilespmem:$0x14040];
	v5 =	vperm.xlane v5, v1;
	_ =	sdelay $0x1  }
0x5d: {  	v7 =	vmax.f32 v4, v5  }
0x5e: {  	v4 =	vmin.f32 v4, v5;
	(xrf1) =	vsort.ascd.msk.f32 $0xffff, v7, v7  }
0x5f: {  	(xrf1) =	vsort.ascd.msk.f32 $0xffff, v4, v4  }
0x60: {  	(xrf1) =	vsort.ascd.msk.f32 $0xffff, v6, v6;
	_ =	sdelay $0xb  }
0x61: {  	v4, _, _ =	vpop (xrf1)  }
0x62: {  	v5, _, _ =	vpop (xrf1)  }
0x63: {  	v6, _, _ =	vpop (xrf1)  }
0x64: {  	v6 =	vperm.xlane v6, v1;
	_ =	sdelay $0x1  }
0x65: {  	v5 =	vmax.f32 v5, v6  }
0x66: {  	(xrf1) =	vsort.ascd.msk.f32 $0xffff, v5, v5;
	_ =	sdelay $0xd  }
0x67: {  	v5, _, _ =	vpop (xrf1)  }
0x68: {  	v6 =	vld [tilespmem:$0x14050];
	v5 =	vperm.xlane v5, v1;
	_ =	sdelay $0x1  }
0x69: {  	v7 =	vmax.f32 v4, v5  }
0x6a: {  	v4 =	vmin.f32 v4, v5;
	(xrf1) =	vsort.ascd.msk.f32 $0xffff, v7, v7  }
0x6b: {  	(xrf1) =	vsort.ascd.msk.f32 $0xffff, v4, v4  }
0x6c: {  	(xrf1) =	vsort.ascd.msk.f32 $0xffff, v6, v6;
	_ =	sdelay $0xb  }
0x6d: {  	v4, _, _ =	vpop (xrf1)  }
0x6e: {  	v5, _, _ =	vpop (xrf1)  }
0x6f: {  	v6, _, _ =	vpop (xrf1)  }
0x70: {  	v6 =	vperm.xlane v6, v1;
	_ =	sdelay $0x1  }
0x71: {  	v5 =	vmax.f32 v5, v6  }
0x72: {  	(xrf1) =	vsort.ascd.msk.f32 $0xffff, v5, v5;
	_ =	sdelay $0xd  }
0x73: {  	v5, _, _ =	vpop (xrf1)  }
0x74: {  	v6 =	vld [tilespmem:$0x14060];
	v5 =	vperm.xlane v5, v1;
	_ =	sdelay $0x1  }
0x75: {  	v7 =	vmax.f32 v4, v5  }
0x76: {  	v4 =	vmin.f32 v4, v5;
	(xrf1) =	vsort.ascd.msk.f32 $0xffff, v7, v7  }
0x77: {  	(xrf1) =	vsort.ascd.msk.f32 $0xffff, v4, v4  }
0x78: {  	(xrf1) =	vsort.ascd.msk.f32 $0xffff, v6, v6;
	_ =	sdelay $0xb  }
0x79: {  	v4, _, _ =	vpop (xrf1)  }
0x7a: {  	v5, _, _ =	vpop (xrf1)  }
0x7b: {  	v6, _, _ =	vpop (xrf1)  }
0x7c: {  	v6 =	vperm.xlane v6, v1;
	_ =	sdelay $0x1  }
0x7d: {  	v5 =	vmax.f32 v5, v6  }
0x7e: {  	(xrf1) =	vsort.ascd.msk.f32 $0xffff, v5, v5;
	_ =	sdelay $0xd  }
0x7f: {  	v5, _, _ =	vpop (xrf1)  }
0x80: {  	v6 =	vld [tilespmem:$0x14070];
	v5 =	vperm.xlane v5, v1;
	_ =	sdelay $0x1  }
0x81: {  	v7 =	vmax.f32 v4, v5  }
0x82: {  	v4 =	vmin.f32 v4, v5;
	(xrf1) =	vsort.ascd.msk.f32 $0xffff, v7, v7  }
0x83: {  	(xrf1) =	vsort.ascd.msk.f32 $0xffff, v4, v4  }
0x84: {  	(xrf1) =	vsort.ascd.msk.f32 $0xffff, v6, v6;
	_ =	sdelay $0xb  }
0x85: {  	v4, _, _ =	vpop (xrf1)  }
0x86: {  	v5, _, _ =	vpop (xrf1)  }
0x87: {  	v6, _, _ =	vpop (xrf1)  }
0x88: {  	v6 =	vperm.xlane v6, v1;
	_ =	sdelay $0x1  }
0x89: {  	v5 =	vmax.f32 v5, v6  }
0x8a: {  	(xrf1) =	vsort.ascd.msk.f32 $0xffff, v5, v5;
	_ =	sdelay $0xd  }
0x8b: {  	v6 =	vld [tilespmem:$0x14080];
	v5, _, _ =	vpop (xrf1)  }
0x8c: {  	v5 =	vperm.xlane v5, v1;
	_ =	sdelay $0x1  }
0x8d: {  	v4 =	vmin.f32 v4, v5  }
0x8e: {  	(xrf1) =	vsort.ascd.msk.f32 $0xffff, v4, v4  }
0x8f: {  	(xrf1) =	vsort.ascd.msk.f32 $0xffff, v6, v6;
	_ =	sdelay $0xc  }
0x90: {  	v6, _, _ =	vpop (xrf1)  }
0x91: {  	v4, _, _ =	vpop (xrf1)  }
0x92: {  	v4 =	vperm.xlane v4, v1;
	_ =	sdelay $0x1  }
0x93: {  	v4 =	vmax.f32 v4, $-3.399999950e+38  }
0x94: {  	(xrf1) =	vsort.ascd.msk.f32 $0xffff, v4, v4;
	_ =	sdelay $0xd  }
0x95: {  	v4, _, _ =	vpop (xrf1)  }
0x96: {  	v5 =	vld [tilespmem:$0x14090];
	v4 =	vperm.xlane v4, v1;
	_ =	sdelay $0x1  }
0x97: {  	v7 =	vmax.f32 v4, $-3.399999950e+38  }
0x98: {  	v4 =	vmin.f32 v4, $-3.399999950e+38;
	(xrf1) =	vsort.ascd.msk.f32 $0xffff, v7, v7  }
0x99: {  	(xrf1) =	vsort.ascd.msk.f32 $0xffff, v4, v4  }
0x9a: {  	(xrf1) =	vsort.ascd.msk.f32 $0xffff, v5, v5;
	_ =	sdelay $0xb  }
0x9b: {  	v4, _, _ =	vpop (xrf1)  }
0x9c: {  	v5, _, _ =	vpop (xrf1)  }
0x9d: {  	v7, _, _ =	vpop (xrf1)  }
0x9e: {  	v7 =	vperm.xlane v7, v1;
	_ =	sdelay $0x1  }
0x9f: {  	v5 =	vmax.f32 v5, v7  }
0xa0: {  	(xrf1) =	vsort.ascd.msk.f32 $0xffff, v5, v5;
	_ =	sdelay $0xd  }
0xa1: {  	v5, _, _ =	vpop (xrf1)  }
0xa2: {  	v7 =	vld [tilespmem:$0x140A0];
	v5 =	vperm.xlane v5, v1;
	_ =	sdelay $0x1  }
0xa3: {  	v8 =	vmax.f32 v4, v5  }
0xa4: {  	v4 =	vmin.f32 v4, v5;
	(xrf1) =	vsort.ascd.msk.f32 $0xffff, v8, v8  }
0xa5: {  	(xrf1) =	vsort.ascd.msk.f32 $0xffff, v4, v4  }
0xa6: {  	(xrf1) =	vsort.ascd.msk.f32 $0xffff, v7, v7;
	_ =	sdelay $0xb  }
0xa7: {  	v4, _, _ =	vpop (xrf1)  }
0xa8: {  	v5, _, _ =	vpop (xrf1)  }
0xa9: {  	v7, _, _ =	vpop (xrf1)  }
0xaa: {  	v7 =	vperm.xlane v7, v1;
	_ =	sdelay $0x1  }
0xab: {  	v5 =	vmax.f32 v5, v7  }
0xac: {  	(xrf1) =	vsort.ascd.msk.f32 $0xffff, v5, v5;
	_ =	sdelay $0xd  }
0xad: {  	v5, _, _ =	vpop (xrf1)  }
0xae: {  	v7 =	vld [tilespmem:$0x140B0];
	v5 =	vperm.xlane v5, v1;
	_ =	sdelay $0x1  }
0xaf: {  	v8 =	vmax.f32 v4, v5  }
0xb0: {  	v4 =	vmin.f32 v4, v5;
	(xrf1) =	vsort.ascd.msk.f32 $0xffff, v8, v8  }
0xb1: {  	(xrf1) =	vsort.ascd.msk.f32 $0xffff, v4, v4  }
0xb2: {  	(xrf1) =	vsort.ascd.msk.f32 $0xffff, v7, v7;
	_ =	sdelay $0xb  }
0xb3: {  	v4, _, _ =	vpop (xrf1)  }
0xb4: {  	v5, _, _ =	vpop (xrf1)  }
0xb5: {  	v7, _, _ =	vpop (xrf1)  }
0xb6: {  	v7 =	vperm.xlane v7, v1;
	_ =	sdelay $0x1  }
0xb7: {  	v5 =	vmax.f32 v5, v7  }
0xb8: {  	(xrf1) =	vsort.ascd.msk.f32 $0xffff, v5, v5;
	_ =	sdelay $0xd  }
0xb9: {  	v5, _, _ =	vpop (xrf1)  }
0xba: {  	v7 =	vld [tilespmem:$0x140C0];
	v5 =	vperm.xlane v5, v1;
	_ =	sdelay $0x1  }
0xbb: {  	v8 =	vmax.f32 v4, v5  }
0xbc: {  	v4 =	vmin.f32 v4, v5;
	(xrf1) =	vsort.ascd.msk.f32 $0xffff, v8, v8  }
0xbd: {  	(xrf1) =	vsort.ascd.msk.f32 $0xffff, v4, v4  }
0xbe: {  	(xrf1) =	vsort.ascd.msk.f32 $0xffff, v7, v7;
	_ =	sdelay $0xb  }
0xbf: {  	v4, _, _ =	vpop (xrf1)  }
0xc0: {  	v5, _, _ =	vpop (xrf1)  }
0xc1: {  	v7, _, _ =	vpop (xrf1)  }
0xc2: {  	v7 =	vperm.xlane v7, v1;
	_ =	sdelay $0x1  }
0xc3: {  	v5 =	vmax.f32 v5, v7  }
0xc4: {  	(xrf1) =	vsort.ascd.msk.f32 $0xffff, v5, v5;
	_ =	sdelay $0xd  }
0xc5: {  	v5, _, _ =	vpop (xrf1)  }
0xc6: {  	v7 =	vld [tilespmem:$0x140D0];
	v5 =	vperm.xlane v5, v1;
	_ =	sdelay $0x1  }
0xc7: {  	v8 =	vmax.f32 v4, v5  }
0xc8: {  	v4 =	vmin.f32 v4, v5;
	(xrf1) =	vsort.ascd.msk.f32 $0xffff, v8, v8  }
0xc9: {  	(xrf1) =	vsort.ascd.msk.f32 $0xffff, v4, v4  }
0xca: {  	(xrf1) =	vsort.ascd.msk.f32 $0xffff, v7, v7;
	_ =	sdelay $0xb  }
0xcb: {  	v4, _, _ =	vpop (xrf1)  }
0xcc: {  	v5, _, _ =	vpop (xrf1)  }
0xcd: {  	v7, _, _ =	vpop (xrf1)  }
0xce: {  	v7 =	vperm.xlane v7, v1;
	_ =	sdelay $0x1  }
0xcf: {  	v5 =	vmax.f32 v5, v7  }
0xd0: {  	(xrf1) =	vsort.ascd.msk.f32 $0xffff, v5, v5;
	_ =	sdelay $0xd  }
0xd1: {  	v5, _, _ =	vpop (xrf1)  }
0xd2: {  	v7 =	vld [tilespmem:$0x140E0];
	v5 =	vperm.xlane v5, v1;
	_ =	sdelay $0x1  }
0xd3: {  	v8 =	vmax.f32 v4, v5  }
0xd4: {  	v4 =	vmin.f32 v4, v5;
	(xrf1) =	vsort.ascd.msk.f32 $0xffff, v8, v8  }
0xd5: {  	(xrf1) =	vsort.ascd.msk.f32 $0xffff, v4, v4  }
0xd6: {  	(xrf1) =	vsort.ascd.msk.f32 $0xffff, v7, v7;
	_ =	sdelay $0xb  }
0xd7: {  	v4, _, _ =	vpop (xrf1)  }
0xd8: {  	v5, _, _ =	vpop (xrf1)  }
0xd9: {  	v7, _, _ =	vpop (xrf1)  }
0xda: {  	v7 =	vperm.xlane v7, v1;
	_ =	sdelay $0x1  }
0xdb: {  	v5 =	vmax.f32 v5, v7  }
0xdc: {  	(xrf1) =	vsort.ascd.msk.f32 $0xffff, v5, v5;
	_ =	sdelay $0xd  }
0xdd: {  	v7 =	vld [tilespmem:$0x140F0];
	v5, _, _ =	vpop (xrf1)  }
0xde: {  	v5 =	vperm.xlane v5, v1;
	_ =	sdelay $0x1  }
0xdf: {  	v8 =	vmin.f32 v4, v5  }
0xe0: {  	(xrf1) =	vsort.ascd.msk.f32 $0xffff, v8, v8  }
0xe1: {  	(xrf1) =	vsort.ascd.msk.f32 $0xffff, v7, v7;
	_ =	sdelay $0xc  }
0xe2: {  	v7, _, _ =	vpop (xrf1)  }
0xe3: {  	v9 =	vld [tilespmem:$0x14100];
	v8, _, _ =	vpop (xrf1)  }
0xe4: {  	v8 =	vperm.xlane v8, v1;
	_ =	sdelay $0x1  }
0xe5: {  	v7 =	vmax.f32 v7, v8  }
0xe6: {  	(xrf1) =	vsort.ascd.msk.f32 $0xffff, v7, v7  }
0xe7: {  	(xrf1) =	vsort.ascd.msk.f32 $0xffff, v9, v9;
	_ =	sdelay $0xc  }
0xe8: {  	v9, _, _ =	vpop (xrf1)  }
0xe9: {  	v7, _, _ =	vpop (xrf1)  }
0xea: {  	v7 =	vperm.xlane v7, v1;
	_ =	sdelay $0x1  }
0xeb: {  	v7 =	vmax.f32 v7, $-3.399999950e+38  }
0xec: {  	(xrf1) =	vsort.ascd.msk.f32 $0xffff, v7, v7;
	_ =	sdelay $0xd  }
0xed: {  	v7, _, _ =	vpop (xrf1)  }
0xee: {  	v8 =	vld [tilespmem:$0x14110];
	v7 =	vperm.xlane v7, v1;
	_ =	sdelay $0x1  }
0xef: {  	v10 =	vmax.f32 v7, $-3.399999950e+38  }
0xf0: {  	v7 =	vmin.f32 v7, $-3.399999950e+38;
	(xrf1) =	vsort.ascd.msk.f32 $0xffff, v10, v10  }
0xf1: {  	(xrf1) =	vsort.ascd.msk.f32 $0xffff, v7, v7  }
0xf2: {  	(xrf1) =	vsort.ascd.msk.f32 $0xffff, v8, v8;
	_ =	sdelay $0xb  }
0xf3: {  	v7, _, _ =	vpop (xrf1)  }
0xf4: {  	v8, _, _ =	vpop (xrf1)  }
0xf5: {  	v10, _, _ =	vpop (xrf1)  }
0xf6: {  	v10 =	vperm.xlane v10, v1;
	_ =	sdelay $0x1  }
0xf7: {  	v8 =	vmax.f32 v8, v10  }
0xf8: {  	(xrf1) =	vsort.ascd.msk.f32 $0xffff, v8, v8;
	_ =	sdelay $0xd  }
0xf9: {  	v8, _, _ =	vpop (xrf1)  }
0xfa: {  	v10 =	vld [tilespmem:$0x14120];
	v8 =	vperm.xlane v8, v1;
	_ =	sdelay $0x1  }
0xfb: {  	v11 =	vmax.f32 v7, v8  }
0xfc: {  	v7 =	vmin.f32 v7, v8;
	(xrf1) =	vsort.ascd.msk.f32 $0xffff, v11, v11  }
0xfd: {  	(xrf1) =	vsort.ascd.msk.f32 $0xffff, v7, v7  }
0xfe: {  	(xrf1) =	vsort.ascd.msk.f32 $0xffff, v10, v10;
	_ =	sdelay $0xb  }
0xff: {  	v7, _, _ =	vpop (xrf1)  }
0x100: {  	v8, _, _ =	vpop (xrf1)  }
0x101: {  	v10, _, _ =	vpop (xrf1)  }
0x102: {  	v10 =	vperm.xlane v10, v1;
	_ =	sdelay $0x1  }
0x103: {  	v8 =	vmax.f32 v8, v10  }
0x104: {  	(xrf1) =	vsort.ascd.msk.f32 $0xffff, v8, v8;
	_ =	sdelay $0xd  }
0x105: {  	v8, _, _ =	vpop (xrf1)  }
0x106: {  	v10 =	vld [tilespmem:$0x14130];
	v8 =	vperm.xlane v8, v1;
	_ =	sdelay $0x1  }
0x107: {  	v11 =	vmax.f32 v7, v8  }
0x108: {  	v7 =	vmin.f32 v7, v8;
	(xrf1) =	vsort.ascd.msk.f32 $0xffff, v11, v11  }
0x109: {  	(xrf1) =	vsort.ascd.msk.f32 $0xffff, v7, v7  }
0x10a: {  	(xrf1) =	vsort.ascd.msk.f32 $0xffff, v10, v10;
	_ =	sdelay $0xb  }
0x10b: {  	v7, _, _ =	vpop (xrf1)  }
0x10c: {  	v8, _, _ =	vpop (xrf1)  }
0x10d: {  	v10, _, _ =	vpop (xrf1)  }
0x10e: {  	v10 =	vperm.xlane v10, v1;
	_ =	sdelay $0x1  }
0x10f: {  	v8 =	vmax.f32 v8, v10  }
0x110: {  	(xrf1) =	vsort.ascd.msk.f32 $0xffff, v8, v8;
	_ =	sdelay $0xd  }
0x111: {  	v8, _, _ =	vpop (xrf1)  }
0x112: {  	v10 =	vld [tilespmem:$0x14140];
	v8 =	vperm.xlane v8, v1;
	_ =	sdelay $0x1  }
0x113: {  	v11 =	vmax.f32 v7, v8  }
0x114: {  	v7 =	vmin.f32 v7, v8;
	(xrf1) =	vsort.ascd.msk.f32 $0xffff, v11, v11  }
0x115: {  	(xrf1) =	vsort.ascd.msk.f32 $0xffff, v7, v7  }
0x116: {  	(xrf1) =	vsort.ascd.msk.f32 $0xffff, v10, v10;
	_ =	sdelay $0xb  }
0x117: {  	v7, _, _ =	vpop (xrf1)  }
0x118: {  	v8, _, _ =	vpop (xrf1)  }
0x119: {  	v10, _, _ =	vpop (xrf1)  }
0x11a: {  	v10 =	vperm.xlane v10, v1;
	_ =	sdelay $0x1  }
0x11b: {  	v8 =	vmax.f32 v8, v10  }
0x11c: {  	(xrf1) =	vsort.ascd.msk.f32 $0xffff, v8, v8;
	_ =	sdelay $0xd  }
0x11d: {  	v8, _, _ =	vpop (xrf1)  }
0x11e: {  	v10 =	vld [tilespmem:$0x14150];
	v8 =	vperm.xlane v8, v1;
	_ =	sdelay $0x1  }
0x11f: {  	v11 =	vmax.f32 v7, v8  }
0x120: {  	v7 =	vmin.f32 v7, v8;
	(xrf1) =	vsort.ascd.msk.f32 $0xffff, v11, v11  }
0x121: {  	(xrf1) =	vsort.ascd.msk.f32 $0xffff, v7, v7  }
0x122: {  	(xrf1) =	vsort.ascd.msk.f32 $0xffff, v10, v10;
	_ =	sdelay $0xb  }
0x123: {  	v7, _, _ =	vpop (xrf1)  }
0x124: {  	v8, _, _ =	vpop (xrf1)  }
0x125: {  	v10, _, _ =	vpop (xrf1)  }
0x126: {  	v10 =	vperm.xlane v10, v1;
	_ =	sdelay $0x1  }
0x127: {  	v8 =	vmax.f32 v8, v10  }
0x128: {  	(xrf1) =	vsort.ascd.msk.f32 $0xffff, v8, v8;
	_ =	sdelay $0xd  }
0x129: {  	v8, _, _ =	vpop (xrf1)  }
0x12a: {  	v10 =	vld [tilespmem:$0x14160];
	v8 =	vperm.xlane v8, v1;
	_ =	sdelay $0x1  }
0x12b: {  	v11 =	vmax.f32 v7, v8  }
0x12c: {  	v7 =	vmin.f32 v7, v8;
	(xrf1) =	vsort.ascd.msk.f32 $0xffff, v11, v11  }
0x12d: {  	(xrf1) =	vsort.ascd.msk.f32 $0xffff, v7, v7  }
0x12e: {  	(xrf1) =	vsort.ascd.msk.f32 $0xffff, v10, v10;
	_ =	sdelay $0xb  }
0x12f: {  	v7, _, _ =	vpop (xrf1)  }
0x130: {  	v8, _, _ =	vpop (xrf1)  }
0x131: {  	v10, _, _ =	vpop (xrf1)  }
0x132: {  	v10 =	vperm.xlane v10, v1;
	_ =	sdelay $0x1  }
0x133: {  	v8 =	vmax.f32 v8, v10  }
0x134: {  	(xrf1) =	vsort.ascd.msk.f32 $0xffff, v8, v8;
	_ =	sdelay $0xd  }
0x135: {  	v10 =	vld [tilespmem:$0x14170];
	v8, _, _ =	vpop (xrf1)  }
0x136: {  	v8 =	vperm.xlane v8, v1;
	_ =	sdelay $0x1  }
0x137: {  	v11 =	vmin.f32 v7, v8  }
0x138: {  	(xrf1) =	vsort.ascd.msk.f32 $0xffff, v11, v11  }
0x139: {  	(xrf1) =	vsort.ascd.msk.f32 $0xffff, v10, v10;
	_ =	sdelay $0xc  }
0x13a: {  	v10, _, _ =	vpop (xrf1)  }
0x13b: {  	v12 =	vld [tilespmem:$0x14180];
	v11, _, _ =	vpop (xrf1)  }
0x13c: {  	v11 =	vperm.xlane v11, v1;
	_ =	sdelay $0x1  }
0x13d: {  	v10 =	vmax.f32 v10, v11  }
0x13e: {  	(xrf1) =	vsort.ascd.msk.f32 $0xffff, v10, v10  }
0x13f: {  	(xrf1) =	vsort.ascd.msk.f32 $0xffff, v12, v12;
	_ =	sdelay $0xc  }
0x140: {  	v16, _, _ =	vpop (xrf1)  }
0x141: {  	v10, _, _ =	vpop (xrf1)  }
0x142: {  	v10 =	vperm.xlane v10, v1;
	_ =	sdelay $0x1  }
0x143: {  	v10 =	vmax.f32 v10, $-3.399999950e+38  }
0x144: {  	(xrf1) =	vsort.ascd.msk.f32 $0xffff, v10, v10;
	_ =	sdelay $0xd  }
0x145: {  	v10, _, _ =	vpop (xrf1)  }
0x146: {  	v11 =	vld [tilespmem:$0x14190];
	v10 =	vperm.xlane v10, v1;
	_ =	sdelay $0x1  }
0x147: {  	v12 =	vmax.f32 v10, $-3.399999950e+38  }
0x148: {  	v10 =	vmin.f32 v10, $-3.399999950e+38;
	(xrf1) =	vsort.ascd.msk.f32 $0xffff, v12, v12  }
0x149: {  	(xrf1) =	vsort.ascd.msk.f32 $0xffff, v10, v10  }
0x14a: {  	(xrf1) =	vsort.ascd.msk.f32 $0xffff, v11, v11;
	_ =	sdelay $0xb  }
0x14b: {  	v10, _, _ =	vpop (xrf1)  }
0x14c: {  	v11, _, _ =	vpop (xrf1)  }
0x14d: {  	v12, _, _ =	vpop (xrf1)  }
0x14e: {  	v12 =	vperm.xlane v12, v1;
	_ =	sdelay $0x1  }
0x14f: {  	v11 =	vmax.f32 v11, v12  }
0x150: {  	(xrf1) =	vsort.ascd.msk.f32 $0xffff, v11, v11;
	_ =	sdelay $0xd  }
0x151: {  	v11, _, _ =	vpop (xrf1)  }
0x152: {  	v12 =	vld [tilespmem:$0x141A0];
	v11 =	vperm.xlane v11, v1;
	_ =	sdelay $0x1  }
0x153: {  	v13 =	vmax.f32 v10, v11  }
0x154: {  	v10 =	vmin.f32 v10, v11;
	(xrf1) =	vsort.ascd.msk.f32 $0xffff, v13, v13  }
0x155: {  	(xrf1) =	vsort.ascd.msk.f32 $0xffff, v10, v10  }
0x156: {  	(xrf1) =	vsort.ascd.msk.f32 $0xffff, v12, v12;
	_ =	sdelay $0xb  }
0x157: {  	v10, _, _ =	vpop (xrf1)  }
0x158: {  	v11, _, _ =	vpop (xrf1)  }
0x159: {  	v12, _, _ =	vpop (xrf1)  }
0x15a: {  	v12 =	vperm.xlane v12, v1;
	_ =	sdelay $0x1  }
0x15b: {  	v11 =	vmax.f32 v11, v12  }
0x15c: {  	(xrf1) =	vsort.ascd.msk.f32 $0xffff, v11, v11;
	_ =	sdelay $0xd  }
0x15d: {  	v11, _, _ =	vpop (xrf1)  }
0x15e: {  	v12 =	vld [tilespmem:$0x141B0];
	v11 =	vperm.xlane v11, v1;
	_ =	sdelay $0x1  }
0x15f: {  	v13 =	vmax.f32 v10, v11  }
0x160: {  	v10 =	vmin.f32 v10, v11;
	(xrf1) =	vsort.ascd.msk.f32 $0xffff, v13, v13  }
0x161: {  	(xrf1) =	vsort.ascd.msk.f32 $0xffff, v10, v10  }
0x162: {  	(xrf1) =	vsort.ascd.msk.f32 $0xffff, v12, v12;
	_ =	sdelay $0xb  }
0x163: {  	v10, _, _ =	vpop (xrf1)  }
0x164: {  	v11, _, _ =	vpop (xrf1)  }
0x165: {  	v12, _, _ =	vpop (xrf1)  }
0x166: {  	v12 =	vperm.xlane v12, v1;
	_ =	sdelay $0x1  }
0x167: {  	v11 =	vmax.f32 v11, v12  }
0x168: {  	(xrf1) =	vsort.ascd.msk.f32 $0xffff, v11, v11;
	_ =	sdelay $0xd  }
0x169: {  	v11, _, _ =	vpop (xrf1)  }
0x16a: {  	v12 =	vld [tilespmem:$0x141C0];
	v11 =	vperm.xlane v11, v1;
	_ =	sdelay $0x1  }
0x16b: {  	v13 =	vmax.f32 v10, v11  }
0x16c: {  	v10 =	vmin.f32 v10, v11;
	(xrf1) =	vsort.ascd.msk.f32 $0xffff, v13, v13  }
0x16d: {  	(xrf1) =	vsort.ascd.msk.f32 $0xffff, v10, v10  }
0x16e: {  	(xrf1) =	vsort.ascd.msk.f32 $0xffff, v12, v12;
	_ =	sdelay $0xb  }
0x16f: {  	v10, _, _ =	vpop (xrf1)  }
0x170: {  	v11, _, _ =	vpop (xrf1)  }
0x171: {  	v12, _, _ =	vpop (xrf1)  }
0x172: {  	v12 =	vperm.xlane v12, v1;
	_ =	sdelay $0x1  }
0x173: {  	v11 =	vmax.f32 v11, v12  }
0x174: {  	(xrf1) =	vsort.ascd.msk.f32 $0xffff, v11, v11;
	_ =	sdelay $0xd  }
0x175: {  	v11, _, _ =	vpop (xrf1)  }
0x176: {  	v12 =	vld [tilespmem:$0x141D0];
	v11 =	vperm.xlane v11, v1;
	_ =	sdelay $0x1  }
0x177: {  	v13 =	vmax.f32 v10, v11  }
0x178: {  	v10 =	vmin.f32 v10, v11;
	(xrf1) =	vsort.ascd.msk.f32 $0xffff, v13, v13  }
0x179: {  	(xrf1) =	vsort.ascd.msk.f32 $0xffff, v10, v10  }
0x17a: {  	(xrf1) =	vsort.ascd.msk.f32 $0xffff, v12, v12;
	_ =	sdelay $0xb  }
0x17b: {  	v10, _, _ =	vpop (xrf1)  }
0x17c: {  	v11, _, _ =	vpop (xrf1)  }
0x17d: {  	v12, _, _ =	vpop (xrf1)  }
0x17e: {  	v12 =	vperm.xlane v12, v1;
	_ =	sdelay $0x1  }
0x17f: {  	v11 =	vmax.f32 v11, v12  }
0x180: {  	(xrf1) =	vsort.ascd.msk.f32 $0xffff, v11, v11;
	_ =	sdelay $0xd  }
0x181: {  	v11, _, _ =	vpop (xrf1)  }
0x182: {  	v12 =	vld [tilespmem:$0x141E0];
	v11 =	vperm.xlane v11, v1;
	_ =	sdelay $0x1  }
0x183: {  	v13 =	vmax.f32 v10, v11  }
0x184: {  	v10 =	vmin.f32 v10, v11;
	(xrf1) =	vsort.ascd.msk.f32 $0xffff, v13, v13  }
0x185: {  	(xrf1) =	vsort.ascd.msk.f32 $0xffff, v10, v10  }
0x186: {  	(xrf1) =	vsort.ascd.msk.f32 $0xffff, v12, v12;
	_ =	sdelay $0xb  }
0x187: {  	v10, _, _ =	vpop (xrf1)  }
0x188: {  	v11, _, _ =	vpop (xrf1)  }
0x189: {  	v12, _, _ =	vpop (xrf1)  }
0x18a: {  	v12 =	vperm.xlane v12, v1;
	_ =	sdelay $0x1  }
0x18b: {  	v11 =	vmax.f32 v11, v12  }
0x18c: {  	(xrf1) =	vsort.ascd.msk.f32 $0xffff, v11, v11;
	_ =	sdelay $0xd  }
0x18d: {  	v12 =	vld [tilespmem:$0x141F0];
	v11, _, _ =	vpop (xrf1)  }
0x18e: {  	v15 =	vperm.xlane v11, v1;
	_ =	sdelay $0x1  }
0x18f: {  	v11 =	vmin.f32 v10, v15  }
0x190: {  	(xrf1) =	vsort.ascd.msk.f32 $0xffff, v11, v11  }
0x191: {  	(xrf1) =	vsort.ascd.msk.f32 $0xffff, v12, v12;
	_ =	sdelay $0xc  }
0x192: {  	v11, _, _ =	vpop (xrf1)  }
0x193: {  	v12, _, _ =	vpop (xrf1)  }
0x194: {  	v12 =	vperm.xlane v12, v1;
	_ =	sdelay $0x1  }
0x195: {  	v11 =	vmax.f32 v11, v12  }
0x196: {  	(xrf1) =	vsort.ascd.msk.f32 $0xffff, v11, v11;
	_ =	sdelay $0x6  }
0x197: {  	(xrf0) =	vmin.scan.msk.f32 $0xffff, v6;
	_ =	sdelay $0x5  }
0x198: {  	v6, _, _ =	vpop (xrf0)  }
0x199: {  	v17, _, _ =	vpop (xrf1)  }
0x19a: {  	_ =	swait.ge [sflag:s16], $0x4000  }
0x19b: {  	[sflag:s16] =	ssyncset.done $0x0  }
0x19c: {  	[sflag:s16] =	ssyncadd.s32 $0xFFFFC000  }
0x19d: {  	v21 =	vld [tilespmem:s24+$0xFFFFFF80]  }
0x19e: {  	v12 =	vld [tilespmem:s24+$0xFFFFFF90]  }
0x19f: {  	v11 =	vld [tilespmem:s24+$0xFFFFFFA0]  }
0x1a0: {  	v6 =	vbroadcast v6, $0xF;
	v13 =	vld [tilespmem:s24+$0xFFFFFFB0]  }
0x1a1: {  	v14 =	vld [tilespmem:s24+$0xFFFFFFC0]  }
0x1a2: {  	v24 =	vperm.xlane v9, v1;
	v23 =	vperm.xlane v16, v1;
	v9 =	vld [tilespmem:s24+$0xFFFFFFD0];
	vm5 =	vge.f32 v21, v6  }
0x1a3: {  	v22 =	vperm.xlane v17, v1;
	v16 =	vld [tilespmem:s24+$0xFFFFFFE0];
	vm0 =	vge.f32 v12, v6;
	v17 =	vsel vm5, $0x1, v3  }
0x1a4: {  	vm1 =	vge.f32 v11, v6;
	v18 =	vsel vm0, $0x1, v3;
	v25 =	vadd.s32 v17, v2;
	v17 =	vld [tilespmem:s24+$0xFFFFFFF0]  }
0x1a5: {  	vm2 =	vge.f32 v13, v6;
	v19 =	vsel vm1, $0x1, v3;
	v26 =	vadd.s32 v18, v25;
	v18 =	vld [tilespmem:s24+$0x0]  }
0x1a6: {  	vm3 =	vge.f32 v14, v6;
	v20 =	vsel vm2, $0x1, v3;
	v27 =	vadd.s32 v19, v26;
	v19 =	vld [tilespmem:s24+$0x10]  }
0x1a7: {  	vm4 =	vge.f32 v9, v6;
	v29 =	vsel vm3, $0x1, v3;
	v28 =	vadd.s32 v20, v27;
	v20 =	vld [tilespmem:s24+$0x20]  }
0x1a8: {  	s25 =	simm.s32 $0x0;
	v30 =	vsel vm4, $0x1, v3;
	[tilespmem:v2+s17+$0x0] =	vst.idx.msk vm5, v21;
	v29 =	vadd.s32 v29, v28;
	vm5 =	vge.f32 v16, v6;
	v21 =	vld [tilespmem:s24+$0x30]  }
.LBB2_2:
0x1a9: {  	s25 =	sadd.s32 $0x10, s25;
	[tilespmem:v25+s17+$0x0] =	vst.idx.msk vm0, v12;
	v25 =	vadd.s32 v30, v29;
	v12 =	vsel vm5, $0x1, v3;
	vm0 =	vge.f32 v17, v6;
	v30 =	vld [tilespmem:s24+$0x40]  }
0x1aa: {  	p0 =	slt.u32 s25, $0x3F0;
	[tilespmem:v26+s17+$0x0] =	vst.idx.msk vm1, v11;
	v26 =	vadd.s32 v12, v25;
	v11 =	vsel vm0, $0x1, v3;
	vm6 =	vge.f32 v18, v6;
	v31 =	vld [tilespmem:s24+$0x50]  }
0x1ab: {  	[tilespmem:v27+s17+$0x0] =	vst.idx.msk vm2, v13;
	v27 =	vadd.s32 v11, v26;
	v11 =	vsel vm6, $0x1, v3;
	vm7 =	vge.f32 v19, v6;
	v32 =	vld [tilespmem:s24+$0x60]  }
0x1ac: {  	[tilespmem:v28+s17+$0x0] =	vst.idx.msk vm3, v14;
	v28 =	vadd.s32 v11, v27;
	v11 =	vsel vm7, $0x1, v3;
	vm1 =	vge.f32 v20, v6;
	v33 =	vld [tilespmem:s24+$0x70];
	s24 =	sadd.s32 $0x100, s24  }
0x1ad: {  	v34 =	vld [tilespmem:s24+$0xFFFFFF80];
	[tilespmem:v29+s17+$0x0] =	vst.idx.msk vm4, v9;
	v29 =	vadd.s32 v11, v28;
	v9 =	vsel vm1, $0x1, v3;
	vm8 =	vge.f32 v21, v6  }
0x1ae: {  	v12 =	vld [tilespmem:s24+$0xFFFFFF90];
	[tilespmem:v25+s17+$0x0] =	vst.idx.msk vm5, v16;
	v25 =	vadd.s32 v9, v29;
	v9 =	vsel vm8, $0x1, v3;
	vm2 =	vge.f32 v30, v6  }
0x1af: {  	v11 =	vld [tilespmem:s24+$0xFFFFFFA0];
	[tilespmem:v26+s17+$0x0] =	vst.idx.msk vm0, v17;
	v26 =	vadd.s32 v9, v25;
	v9 =	vsel vm2, $0x1, v3;
	vm3 =	vge.f32 v31, v6  }
0x1b0: {  	v13 =	vld [tilespmem:s24+$0xFFFFFFB0];
	[tilespmem:v27+s17+$0x0] =	vst.idx.msk vm6, v18;
	v27 =	vadd.s32 v9, v26;
	v9 =	vsel vm3, $0x1, v3;
	vm4 =	vge.f32 v32, v6  }
0x1b1: {  	v14 =	vld [tilespmem:s24+$0xFFFFFFC0];
	[tilespmem:v28+s17+$0x0] =	vst.idx.msk vm7, v19;
	v28 =	vadd.s32 v9, v27;
	v16 =	vsel vm4, $0x1, v3;
	vm6 =	vge.f32 v33, v6  }
0x1b2: {  	vm5 =	vge.f32 v34, v6;
	v9 =	vld [tilespmem:s24+$0xFFFFFFD0];
	[tilespmem:v29+s17+$0x0] =	vst.idx.msk vm1, v20;
	v29 =	vadd.s32 v16, v28;
	v17 =	vsel vm6, $0x1, v3  }
0x1b3: {  	v18 =	vsel vm5, $0x1, v3;
	vm0 =	vge.f32 v12, v6;
	v16 =	vld [tilespmem:s24+$0xFFFFFFE0];
	[tilespmem:v25+s17+$0x0] =	vst.idx.msk vm8, v21;
	v21 =	vadd.s32 v17, v29  }
.Ltmp2:
0x1b4: {  	v25 =	vadd.s32 v18, v21;
	v18 =	vsel vm0, $0x1, v3;
	vm1 =	vge.f32 v11, v6;
	v17 =	vld [tilespmem:s24+$0xFFFFFFF0];
	[tilespmem:v26+s17+$0x0] =	vst.idx.msk vm2, v30;
	(pc) =	sbr.rel @p0 .LBB2_2-.Ltmp2, $4  }
0x1b5: {  	v26 =	vadd.s32 v18, v25;
	v19 =	vsel vm1, $0x1, v3;
	vm2 =	vge.f32 v13, v6;
	v18 =	vld [tilespmem:s24+$0x0];
	[tilespmem:v27+s17+$0x0] =	vst.idx.msk vm3, v31  }
0x1b6: {  	v27 =	vadd.s32 v19, v26;
	v20 =	vsel vm2, $0x1, v3;
	vm3 =	vge.f32 v14, v6;
	v19 =	vld [tilespmem:s24+$0x10];
	[tilespmem:v28+s17+$0x0] =	vst.idx.msk vm4, v32  }
0x1b7: {  	v28 =	vadd.s32 v20, v27;
	v30 =	vsel vm3, $0x1, v3;
	vm4 =	vge.f32 v9, v6;
	v20 =	vld [tilespmem:s24+$0x20];
	[tilespmem:v29+s17+$0x0] =	vst.idx.msk vm6, v33  }
0x1b8: {  	[tilespmem:v21+s17+$0x0] =	vst.idx.msk vm5, v34;
	v29 =	vadd.s32 v30, v28;
	v30 =	vsel vm4, $0x1, v3;
	vm5 =	vge.f32 v16, v6;
	v21 =	vld [tilespmem:s24+$0x30]  }
0x1b9: {  	v4 =	vmax.f32 v4, v5  }
0x1ba: {  	(xrf1) =	vsort.ascd.msk.f32 $0xffff, v4, v4;
	_ =	sdelay $0xd  }
0x1bb: {  	v4, _, _ =	vpop (xrf1)  }
0x1bc: {  	v4 =	vmin.f32 v4, v24  }
0x1bd: {  	(xrf1) =	vsort.ascd.msk.f32 $0xffff, v4, v4;
	v4 =	vmax.f32 v7, v8  }
0x1be: {  	(xrf1) =	vsort.ascd.msk.f32 $0xffff, v4, v4;
	_ =	sdelay $0xc  }
0x1bf: {  	v5, _, _ =	vpop (xrf1)  }
0x1c0: {  	v4, _, _ =	vpop (xrf1)  }
0x1c1: {  	v4 =	vmin.f32 v4, v23  }
0x1c2: {  	(xrf1) =	vsort.ascd.msk.f32 $0xffff, v4, v4;
	v4 =	vmax.f32 v10, v15  }
0x1c3: {  	(xrf1) =	vsort.ascd.msk.f32 $0xffff, v4, v4;
	_ =	sdelay $0xc  }
0x1c4: {  	v7, _, _ =	vpop (xrf1)  }
0x1c5: {  	v4, _, _ =	vpop (xrf1)  }
0x1c6: {  	v4 =	vmin.f32 v4, v22  }
0x1c7: {  	(xrf1) =	vsort.ascd.msk.f32 $0xffff, v4, v4;
	_ =	sdelay $0x2  }
0x1c8: {  	vm6 =	vge.f32 v17, v6;
	v59 =	vld [tilespmem:s24+$0x40];
	v10 =	vadd.s32 v30, v29;
	v4 =	vsel vm5, $0x1, v3  }
0x1c9: {  	v61 =	vld [tilespmem:s24+$0x50];
	vm7 =	vge.f32 v18, v6;
	v60 =	vadd.s32 v4, v10;
	v4 =	vsel vm6, $0x1, v3  }
0x1ca: {  	v63 =	vld [tilespmem:s24+$0x60];
	vm8 =	vge.f32 v19, v6;
	v62 =	vadd.s32 v4, v60;
	v4 =	vsel vm7, $0x1, v3  }
0x1cb: {  	v32 =	vld [tilespmem:s24+$0x70];
	vm9 =	vge.f32 v20, v6;
	v31 =	vadd.s32 v4, v62;
	v4 =	vsel vm8, $0x1, v3  }
0x1cc: {  	vm10 =	vge.f32 v21, v6;
	v33 =	vadd.s32 v4, v31;
	v4 =	vsel vm9, $0x1, v3  }
0x1cd: {  	vm11 =	vge.f32 v59, v6;
	v34 =	vadd.s32 v4, v33;
	v4 =	vsel vm10, $0x1, v3  }
0x1ce: {  	vm12 =	vge.f32 v61, v6;
	v35 =	vadd.s32 v4, v34;
	v4 =	vsel vm11, $0x1, v3  }
0x1cf: {  	vm13 =	vge.f32 v63, v6;
	v36 =	vadd.s32 v4, v35;
	v4 =	vsel vm12, $0x1, v3  }
0x1d0: {  	vm14 =	vge.f32 v32, v6;
	v37 =	vadd.s32 v4, v36;
	v4 =	vsel vm13, $0x1, v3  }
0x1d1: {  	v6 =	vsel vm14, $0x1, v3;
	v38 =	vadd.s32 v4, v37;
	v4 =	vmul.u32 $0xFFFFFC00, v0  }
0x1d2: {  	(xrf0) =	vmin.scan.msk.f32 $0xffff, v5;
	v6 =	vadd.s32 v6, v38  }
0x1d3: {  	(xrf0) =	vmin.scan.msk.f32 $0xffff, v7;
	v8 =	vadd.s32 v4, v6;
	v5, _, _ =	vpop (xrf1)  }
0x1d4: {  	(xrf0) =	vmin.scan.msk.f32 $0xffff, v5;
	v5 =	vxor.u32 $0x80000000, v8  }
0x1d5: {  	(xrf0) =	vmax.scan.msk.u32 $0xffff, v5;
	_ =	sdelay $0x2  }
0x1d6: {  	v7, _, _ =	vpop (xrf0)  }
0x1d7: {  	v6, _, _ =	vpop (xrf0)  }
0x1d8: {  	v5, _, _ =	vpop (xrf0)  }
0x1d9: {  	v39, _, _ =	vpop (xrf0)  }
0x1da: {  	(v2sf) =	vpush v39, $0xF;
	_ =	sdelay $0x7  }
0x1db: {  	[tilespmem:v25+s17+$0x0] =	vst.idx.msk vm0, v12  }
0x1dc: {  	[tilespmem:v26+s17+$0x0] =	vst.idx.msk vm1, v11  }
0x1dd: {  	[tilespmem:v27+s17+$0x0] =	vst.idx.msk vm2, v13  }
0x1de: {  	[tilespmem:v28+s17+$0x0] =	vst.idx.msk vm3, v14  }
0x1df: {  	[tilespmem:v29+s17+$0x0] =	vst.idx.msk vm4, v9  }
0x1e0: {  	[tilespmem:v10+s17+$0x0] =	vst.idx.msk vm5, v16  }
0x1e1: {  	[tilespmem:v60+s17+$0x0] =	vst.idx.msk vm6, v17  }
0x1e2: {  	[tilespmem:v62+s17+$0x0] =	vst.idx.msk vm7, v18;
	s31 =	spop (v2sf)  }
0x1e3: {  	[tilespmem:v31+s17+$0x0] =	vst.idx.msk vm8, v19;
	s24 =	sxor.u32 $0x80000000, s31  }
0x1e4: {  	[tilespmem:v33+s17+$0x0] =	vst.idx.msk vm9, v20;
	p0 =	slt.s32 s24, $0x1  }
.Ltmp3:
0x1e5: {  	[tilespmem:v34+s17+$0x0] =	vst.idx.msk vm10, v21;
	(pc) =	sbr.rel @p0 .LBB2_9-.Ltmp3, $4  }
0x1e6: {  	[tilespmem:v35+s17+$0x0] =	vst.idx.msk vm11, v59  }
0x1e7: {  	[tilespmem:v36+s17+$0x0] =	vst.idx.msk vm12, v61  }
0x1e8: {  	[tilespmem:v37+s17+$0x0] =	vst.idx.msk vm13, v63  }
0x1e9: {  	s25 =	simm.s32 $0x0;
	v9 =	vimm.f32 $-3.399999950e+38;
	[tilespmem:v38+s17+$0x0] =	vst.idx.msk vm14, v32  }
0x1ea: {  	v10 =	vadd.s32 s25, v2;
	_ =	sdelay $0x4  }
0x1eb: {  	v10 =	vld.idx.msk [tilespmem:v10+s17+$0x0], $0xffff;
	_ =	sdelay $0x2  }
0x1ec: {  	v11 =	vmov s25  }
0x1ed: {  	vm0 =	vlt.s32 v11, v8  }
0x1ee: {  	v10 =	vnsel vm0, $0xFF7FC99E, v10  }
0x1ef: {  	(xrf1) =	vsort.ascd.msk.f32 $0xffff, v10, v10;
	_ =	sdelay $0xc  }
0x1f0: {  	p1 =	sne.s32 s24, $0x1  }
.Ltmp4:
0x1f1: {  	v10, _, _ =	vpop (xrf1);
	(pc) =	sbr.rel @!p1 .LBB2_5-.Ltmp4, $3  }
0x1f2: {  	v10 =	vperm.xlane v10, v1;
	_ =	sdelay $0x1  }
0x1f3: {  	v10 =	vmax.f32 v9, v10  }
0x1f4: {  	s25 =	simm.s32 $0x1;
	p0 =	por $0x0, $0x0;
	(xrf1) =	vsort.ascd.msk.f32 $0xffff, v10, v10  }
0x1f5: {  	_ =	sdelay $0x3  }
0x1f6: {  	v10 =	vadd.s32 s25, v2;
	_ =	sdelay $0x4  }
0x1f7: {  	v10 =	vld.idx.msk [tilespmem:v10+s17+$0x0], $0xffff  }
0x1f8: {  	v11 =	vmov s25;
	_ =	sdelay $0x2  }
0x1f9: {  	vm0 =	vlt.s32 v11, v8;
	v11, _, _ =	vpop (xrf1)  }
0x1fa: {  	v10 =	vnsel vm0, $0xFF7FC99E, v10;
	v11 =	vperm.xlane v11, v1  }
0x1fb: {  	(xrf1) =	vsort.ascd.msk.f32 $0xffff, v10, v10  }
0x1fc: {  	v10 =	vmin.f32 v9, v11  }
0x1fd: {  	(xrf1) =	vsort.ascd.msk.f32 $0xffff, v10, v10;
	_ =	sdelay $0xb  }
0x1fe: {  	p1 =	sne.s32 s24, $0x2;
	v10, _, _ =	vpop (xrf1)  }
.Ltmp5:
0x1ff: {  	v10 =	vperm.xlane v10, v1;
	(pc) =	sbr.rel @!p1 .LBB2_8-.Ltmp5, $4  }
0x200: {  	v12, _, _ =	vpop (xrf1)  }
0x201: {  	v10 =	vmax.f32 v12, v10  }
0x202: {  	(xrf1) =	vsort.ascd.msk.f32 $0xffff, v10, v10  }
0x203: {  	s25 =	simm.s32 $0x2;
	p0 =	por $0x1, $0x1;
	v10 =	vmax.f32 v9, v11  }
.LBB2_7:
0x204: {  	(xrf1) =	vsort.ascd.msk.f32 $0xffff, v10, v10;
	s26 =	smov.u32 s25;
	s25 =	sadd.s32 $0x1, s25  }
0x205: {  	p1 =	sne.s32 s24, s25  }
0x206: {  	v10 =	vadd.s32 s26, v2;
	_ =	sdelay $0x4  }
0x207: {  	v10 =	vld.idx.msk [tilespmem:v10+s17+$0x0], $0xffff;
	_ =	sdelay $0x3  }
0x208: {  	v12 =	vmov s26  }
0x209: {  	vm0 =	vlt.s32 v12, v8;
	v11, _, _ =	vpop (xrf1)  }
0x20a: {  	v12 =	vnsel vm0, $0xFF7FC99E, v10;
	v11 =	vperm.xlane v11, v1  }
0x20b: {  	(xrf1) =	vsort.ascd.msk.f32 $0xffff, v12, v12;
	v10, _, _ =	vpop (xrf1)  }
0x20c: {  	v12 =	vmin.f32 v10, v11  }
0x20d: {  	(xrf1) =	vsort.ascd.msk.f32 $0xffff, v12, v12;
	_ =	sdelay $0xb  }
0x20e: {  	v12, _, _ =	vpop (xrf1)  }
.Ltmp6:
0x20f: {  	v12 =	vperm.xlane v12, v1;
	(pc) =	sbr.rel @p1 .LBB2_7-.Ltmp6, $4  }
0x210: {  	v13, _, _ =	vpop (xrf1)  }
0x211: {  	v12 =	vmax.f32 v13, v12  }
0x212: {  	(xrf1) =	vsort.ascd.msk.f32 $0xffff, v12, v12  }
0x213: {  	v10 =	vmax.f32 v10, v11  }
.LBB2_8:
0x214: {  	(xrf1) =	vsort.ascd.msk.f32 @p0 $0xffff, v10, v10;
	_ =	sdelay $0xc  }
0x215: {  	v8, _, _ =	vpop (xrf1)  }
0x216: {  	v8 =	vperm.xlane v8, v1;
	v10, _, _ =	vpop @p0 (xrf1)  }
0x217: {  	v9 =	vpsel p0, v10, v9  }
0x218: {  	v10 =	vmin.f32 v9, v8  }
0x219: {  	v8 =	vmax.f32 v9, v8;
	(xrf1) =	vsort.ascd.msk.f32 $0xffff, v10, v10  }
0x21a: {  	(xrf1) =	vsort.ascd.msk.f32 $0xffff, v8, v8;
	_ =	sdelay $0xc  }
0x21b: {  	v9, _, _ =	vpop (xrf1)  }
0x21c: {  	v8, _, _ =	vpop (xrf1)  }
.LBB2_9:
0x21d: {  	(xrf0) =	vmin.scan.msk.f32 $0xffff, v9;
	_ =	sdelay $0x5  }
0x21e: {  	v8, _, _ =	vpop (xrf0)  }
0x21f: {  	v8 =	vbroadcast v8, $0xF;
	_ =	sdelay $0x1  }
0x220: {  	[tilespmem:$0x14200] =	vst v8  }
0x221: {  	_ =	swait.ge [sflag:s18], $0x4000  }
0x222: {  	[sflag:s18] =	ssyncset.done $0x0  }
0x223: {  	s24 =	simm.s32 $0x4080;
	[sflag:s18] =	ssyncadd.s32 $0xFFFFC000  }
0x224: {  	v18 =	vld [tilespmem:s24+$0xFFFFFF80]  }
0x225: {  	v9 =	vld [tilespmem:s24+$0xFFFFFF90]  }
0x226: {  	v8 =	vld [tilespmem:s24+$0xFFFFFFA0]  }
0x227: {  	v7 =	vbroadcast v7, $0xF;
	v10 =	vld [tilespmem:s24+$0xFFFFFFB0]  }
0x228: {  	v11 =	vld [tilespmem:s24+$0xFFFFFFC0]  }
0x229: {  	v12 =	vld [tilespmem:s24+$0xFFFFFFD0];
	vm5 =	vge.f32 v18, v7  }
0x22a: {  	v13 =	vld [tilespmem:s24+$0xFFFFFFE0];
	vm0 =	vge.f32 v9, v7;
	v14 =	vsel vm5, $0x1, v3  }
0x22b: {  	vm1 =	vge.f32 v8, v7;
	v15 =	vsel vm0, $0x1, v3;
	v19 =	vadd.s32 v14, v2;
	v14 =	vld [tilespmem:s24+$0xFFFFFFF0]  }
0x22c: {  	vm2 =	vge.f32 v10, v7;
	v16 =	vsel vm1, $0x1, v3;
	v20 =	vadd.s32 v15, v19;
	v15 =	vld [tilespmem:s24+$0x0]  }
0x22d: {  	vm3 =	vge.f32 v11, v7;
	v17 =	vsel vm2, $0x1, v3;
	v21 =	vadd.s32 v16, v20;
	v16 =	vld [tilespmem:s24+$0x10]  }
0x22e: {  	vm4 =	vge.f32 v12, v7;
	v23 =	vsel vm3, $0x1, v3;
	v22 =	vadd.s32 v17, v21;
	v17 =	vld [tilespmem:s24+$0x20]  }
0x22f: {  	s25 =	simm.s32 $0x0;
	v24 =	vsel vm4, $0x1, v3;
	[tilespmem:v2+s17+$0x0] =	vst.idx.msk vm5, v18;
	v23 =	vadd.s32 v23, v22;
	vm5 =	vge.f32 v13, v7;
	v18 =	vld [tilespmem:s24+$0x30]  }
.LBB2_10:
0x230: {  	s25 =	sadd.s32 $0x10, s25;
	[tilespmem:v19+s17+$0x0] =	vst.idx.msk vm0, v9;
	v19 =	vadd.s32 v24, v23;
	v9 =	vsel vm5, $0x1, v3;
	vm0 =	vge.f32 v14, v7;
	v24 =	vld [tilespmem:s24+$0x40]  }
0x231: {  	p0 =	slt.u32 s25, $0x3F0;
	[tilespmem:v20+s17+$0x0] =	vst.idx.msk vm1, v8;
	v20 =	vadd.s32 v9, v19;
	v8 =	vsel vm0, $0x1, v3;
	vm6 =	vge.f32 v15, v7;
	v25 =	vld [tilespmem:s24+$0x50]  }
0x232: {  	[tilespmem:v21+s17+$0x0] =	vst.idx.msk vm2, v10;
	v21 =	vadd.s32 v8, v20;
	v8 =	vsel vm6, $0x1, v3;
	vm7 =	vge.f32 v16, v7;
	v26 =	vld [tilespmem:s24+$0x60]  }
0x233: {  	[tilespmem:v22+s17+$0x0] =	vst.idx.msk vm3, v11;
	v22 =	vadd.s32 v8, v21;
	v8 =	vsel vm7, $0x1, v3;
	vm1 =	vge.f32 v17, v7;
	v27 =	vld [tilespmem:s24+$0x70];
	s24 =	sadd.s32 $0x100, s24  }
0x234: {  	v28 =	vld [tilespmem:s24+$0xFFFFFF80];
	[tilespmem:v23+s17+$0x0] =	vst.idx.msk vm4, v12;
	v23 =	vadd.s32 v8, v22;
	v8 =	vsel vm1, $0x1, v3;
	vm8 =	vge.f32 v18, v7  }
0x235: {  	v9 =	vld [tilespmem:s24+$0xFFFFFF90];
	[tilespmem:v19+s17+$0x0] =	vst.idx.msk vm5, v13;
	v19 =	vadd.s32 v8, v23;
	v10 =	vsel vm8, $0x1, v3;
	vm2 =	vge.f32 v24, v7  }
0x236: {  	v8 =	vld [tilespmem:s24+$0xFFFFFFA0];
	[tilespmem:v20+s17+$0x0] =	vst.idx.msk vm0, v14;
	v20 =	vadd.s32 v10, v19;
	v11 =	vsel vm2, $0x1, v3;
	vm3 =	vge.f32 v25, v7  }
0x237: {  	v10 =	vld [tilespmem:s24+$0xFFFFFFB0];
	[tilespmem:v21+s17+$0x0] =	vst.idx.msk vm6, v15;
	v21 =	vadd.s32 v11, v20;
	v12 =	vsel vm3, $0x1, v3;
	vm4 =	vge.f32 v26, v7  }
0x238: {  	v11 =	vld [tilespmem:s24+$0xFFFFFFC0];
	[tilespmem:v22+s17+$0x0] =	vst.idx.msk vm7, v16;
	v22 =	vadd.s32 v12, v21;
	v13 =	vsel vm4, $0x1, v3;
	vm6 =	vge.f32 v27, v7  }
0x239: {  	vm5 =	vge.f32 v28, v7;
	v12 =	vld [tilespmem:s24+$0xFFFFFFD0];
	[tilespmem:v23+s17+$0x0] =	vst.idx.msk vm1, v17;
	v23 =	vadd.s32 v13, v22;
	v14 =	vsel vm6, $0x1, v3  }
0x23a: {  	v15 =	vsel vm5, $0x1, v3;
	vm0 =	vge.f32 v9, v7;
	v13 =	vld [tilespmem:s24+$0xFFFFFFE0];
	[tilespmem:v19+s17+$0x0] =	vst.idx.msk vm8, v18;
	v18 =	vadd.s32 v14, v23  }
.Ltmp7:
0x23b: {  	v19 =	vadd.s32 v15, v18;
	v15 =	vsel vm0, $0x1, v3;
	vm1 =	vge.f32 v8, v7;
	v14 =	vld [tilespmem:s24+$0xFFFFFFF0];
	[tilespmem:v20+s17+$0x0] =	vst.idx.msk vm2, v24;
	(pc) =	sbr.rel @p0 .LBB2_10-.Ltmp7, $4  }
0x23c: {  	v20 =	vadd.s32 v15, v19;
	v16 =	vsel vm1, $0x1, v3;
	vm2 =	vge.f32 v10, v7;
	v15 =	vld [tilespmem:s24+$0x0];
	[tilespmem:v21+s17+$0x0] =	vst.idx.msk vm3, v25  }
0x23d: {  	v21 =	vadd.s32 v16, v20;
	v17 =	vsel vm2, $0x1, v3;
	vm3 =	vge.f32 v11, v7;
	v16 =	vld [tilespmem:s24+$0x10];
	[tilespmem:v22+s17+$0x0] =	vst.idx.msk vm4, v26  }
0x23e: {  	v22 =	vadd.s32 v17, v21;
	v24 =	vsel vm3, $0x1, v3;
	vm4 =	vge.f32 v12, v7;
	v17 =	vld [tilespmem:s24+$0x20];
	[tilespmem:v23+s17+$0x0] =	vst.idx.msk vm6, v27  }
0x23f: {  	[tilespmem:v18+s17+$0x0] =	vst.idx.msk vm5, v28;
	v23 =	vadd.s32 v24, v22;
	v24 =	vsel vm4, $0x1, v3;
	vm5 =	vge.f32 v13, v7;
	v18 =	vld [tilespmem:s24+$0x30]  }
0x240: {  	v24 =	vadd.s32 v24, v23;
	v25 =	vsel vm5, $0x1, v3;
	vm6 =	vge.f32 v14, v7;
	v26 =	vld [tilespmem:s24+$0x40]  }
0x241: {  	v28 =	vld [tilespmem:s24+$0x50];
	v25 =	vadd.s32 v25, v24;
	v27 =	vsel vm6, $0x1, v3;
	vm7 =	vge.f32 v15, v7  }
0x242: {  	v30 =	vld [tilespmem:s24+$0x60];
	v27 =	vadd.s32 v27, v25;
	v29 =	vsel vm7, $0x1, v3;
	vm8 =	vge.f32 v16, v7  }
0x243: {  	v32 =	vld [tilespmem:s24+$0x70];
	v29 =	vadd.s32 v29, v27;
	v31 =	vsel vm8, $0x1, v3;
	vm9 =	vge.f32 v17, v7  }
0x244: {  	v31 =	vadd.s32 v31, v29;
	v33 =	vsel vm9, $0x1, v3;
	vm10 =	vge.f32 v18, v7  }
0x245: {  	v33 =	vadd.s32 v33, v31;
	v34 =	vsel vm10, $0x1, v3;
	vm11 =	vge.f32 v26, v7  }
0x246: {  	vm12 =	vge.f32 v28, v7;
	v34 =	vadd.s32 v34, v33;
	v35 =	vsel vm11, $0x1, v3  }
0x247: {  	vm13 =	vge.f32 v30, v7;
	v36 =	vsel vm12, $0x1, v3;
	v35 =	vadd.s32 v35, v34  }
0x248: {  	vm14 =	vge.f32 v32, v7;
	v37 =	vsel vm13, $0x1, v3;
	v36 =	vadd.s32 v36, v35  }
0x249: {  	v7 =	vsel vm14, $0x1, v3;
	v37 =	vadd.s32 v37, v36  }
0x24a: {  	v7 =	vadd.s32 v7, v37  }
0x24b: {  	v7 =	vadd.s32 v4, v7  }
0x24c: {  	v38 =	vxor.u32 $0x80000000, v7  }
0x24d: {  	(xrf0) =	vmax.scan.msk.u32 $0xffff, v38;
	_ =	sdelay $0x5  }
0x24e: {  	v38, _, _ =	vpop (xrf0)  }
0x24f: {  	(v2sf) =	vpush v38, $0xF;
	_ =	sdelay $0x7  }
0x250: {  	[tilespmem:v19+s17+$0x0] =	vst.idx.msk vm0, v9  }
0x251: {  	[tilespmem:v20+s17+$0x0] =	vst.idx.msk vm1, v8  }
0x252: {  	[tilespmem:v21+s17+$0x0] =	vst.idx.msk vm2, v10  }
0x253: {  	[tilespmem:v22+s17+$0x0] =	vst.idx.msk vm3, v11  }
0x254: {  	[tilespmem:v23+s17+$0x0] =	vst.idx.msk vm4, v12  }
0x255: {  	[tilespmem:v24+s17+$0x0] =	vst.idx.msk vm5, v13  }
0x256: {  	[tilespmem:v25+s17+$0x0] =	vst.idx.msk vm6, v14  }
0x257: {  	[tilespmem:v27+s17+$0x0] =	vst.idx.msk vm7, v15;
	s31 =	spop (v2sf)  }
0x258: {  	[tilespmem:v29+s17+$0x0] =	vst.idx.msk vm8, v16;
	s24 =	sxor.u32 $0x80000000, s31  }
0x259: {  	[tilespmem:v31+s17+$0x0] =	vst.idx.msk vm9, v17;
	p0 =	slt.s32 s24, $0x1  }
.Ltmp8:
0x25a: {  	[tilespmem:v33+s17+$0x0] =	vst.idx.msk vm10, v18;
	(pc) =	sbr.rel @p0 .LBB2_17-.Ltmp8, $4  }
0x25b: {  	[tilespmem:v34+s17+$0x0] =	vst.idx.msk vm11, v26  }
0x25c: {  	[tilespmem:v35+s17+$0x0] =	vst.idx.msk vm12, v28  }
0x25d: {  	[tilespmem:v36+s17+$0x0] =	vst.idx.msk vm13, v30  }
0x25e: {  	s25 =	simm.s32 $0x0;
	v8 =	vimm.f32 $-3.399999950e+38;
	[tilespmem:v37+s17+$0x0] =	vst.idx.msk vm14, v32  }
0x25f: {  	v9 =	vadd.s32 s25, v2;
	_ =	sdelay $0x4  }
0x260: {  	v9 =	vld.idx.msk [tilespmem:v9+s17+$0x0], $0xffff;
	_ =	sdelay $0x2  }
0x261: {  	v10 =	vmov s25  }
0x262: {  	vm0 =	vlt.s32 v10, v7  }
0x263: {  	v9 =	vnsel vm0, $0xFF7FC99E, v9  }
0x264: {  	(xrf1) =	vsort.ascd.msk.f32 $0xffff, v9, v9;
	_ =	sdelay $0xc  }
0x265: {  	p1 =	sne.s32 s24, $0x1  }
.Ltmp9:
0x266: {  	v9, _, _ =	vpop (xrf1);
	(pc) =	sbr.rel @!p1 .LBB2_13-.Ltmp9, $3  }
0x267: {  	v9 =	vperm.xlane v9, v1;
	_ =	sdelay $0x1  }
0x268: {  	v9 =	vmax.f32 v8, v9  }
0x269: {  	s25 =	simm.s32 $0x1;
	p0 =	por $0x0, $0x0;
	(xrf1) =	vsort.ascd.msk.f32 $0xffff, v9, v9  }
0x26a: {  	_ =	sdelay $0x3  }
0x26b: {  	v9 =	vadd.s32 s25, v2;
	_ =	sdelay $0x4  }
0x26c: {  	v9 =	vld.idx.msk [tilespmem:v9+s17+$0x0], $0xffff  }
0x26d: {  	v10 =	vmov s25;
	_ =	sdelay $0x2  }
0x26e: {  	vm0 =	vlt.s32 v10, v7;
	v10, _, _ =	vpop (xrf1)  }
0x26f: {  	v9 =	vnsel vm0, $0xFF7FC99E, v9;
	v10 =	vperm.xlane v10, v1  }
0x270: {  	(xrf1) =	vsort.ascd.msk.f32 $0xffff, v9, v9  }
0x271: {  	v9 =	vmin.f32 v8, v10  }
0x272: {  	(xrf1) =	vsort.ascd.msk.f32 $0xffff, v9, v9;
	_ =	sdelay $0xb  }
0x273: {  	p1 =	sne.s32 s24, $0x2;
	v9, _, _ =	vpop (xrf1)  }
.Ltmp10:
0x274: {  	v9 =	vperm.xlane v9, v1;
	(pc) =	sbr.rel @!p1 .LBB2_16-.Ltmp10, $4  }
0x275: {  	v11, _, _ =	vpop (xrf1)  }
0x276: {  	v9 =	vmax.f32 v11, v9  }
0x277: {  	(xrf1) =	vsort.ascd.msk.f32 $0xffff, v9, v9  }
0x278: {  	s25 =	simm.s32 $0x2;
	p0 =	por $0x1, $0x1;
	v9 =	vmax.f32 v8, v10  }
.LBB2_15:
0x279: {  	(xrf1) =	vsort.ascd.msk.f32 $0xffff, v9, v9;
	s26 =	smov.u32 s25;
	s25 =	sadd.s32 $0x1, s25  }
0x27a: {  	p1 =	sne.s32 s24, s25  }
0x27b: {  	v9 =	vadd.s32 s26, v2;
	_ =	sdelay $0x4  }
0x27c: {  	v9 =	vld.idx.msk [tilespmem:v9+s17+$0x0], $0xffff;
	_ =	sdelay $0x3  }
0x27d: {  	v11 =	vmov s26  }
0x27e: {  	vm0 =	vlt.s32 v11, v7;
	v10, _, _ =	vpop (xrf1)  }
0x27f: {  	v11 =	vnsel vm0, $0xFF7FC99E, v9;
	v10 =	vperm.xlane v10, v1  }
0x280: {  	(xrf1) =	vsort.ascd.msk.f32 $0xffff, v11, v11;
	v9, _, _ =	vpop (xrf1)  }
0x281: {  	v11 =	vmin.f32 v9, v10  }
0x282: {  	(xrf1) =	vsort.ascd.msk.f32 $0xffff, v11, v11;
	_ =	sdelay $0xb  }
0x283: {  	v11, _, _ =	vpop (xrf1)  }
.Ltmp11:
0x284: {  	v11 =	vperm.xlane v11, v1;
	(pc) =	sbr.rel @p1 .LBB2_15-.Ltmp11, $4  }
0x285: {  	v12, _, _ =	vpop (xrf1)  }
0x286: {  	v11 =	vmax.f32 v12, v11  }
0x287: {  	(xrf1) =	vsort.ascd.msk.f32 $0xffff, v11, v11  }
0x288: {  	v9 =	vmax.f32 v9, v10  }
.LBB2_16:
0x289: {  	(xrf1) =	vsort.ascd.msk.f32 @p0 $0xffff, v9, v9;
	_ =	sdelay $0xc  }
0x28a: {  	v7, _, _ =	vpop (xrf1)  }
0x28b: {  	v7 =	vperm.xlane v7, v1;
	v9, _, _ =	vpop @p0 (xrf1)  }
0x28c: {  	v8 =	vpsel p0, v9, v8  }
0x28d: {  	v9 =	vmin.f32 v8, v7  }
0x28e: {  	v7 =	vmax.f32 v8, v7;
	(xrf1) =	vsort.ascd.msk.f32 $0xffff, v9, v9  }
0x28f: {  	(xrf1) =	vsort.ascd.msk.f32 $0xffff, v7, v7;
	_ =	sdelay $0xc  }
0x290: {  	v8, _, _ =	vpop (xrf1)  }
0x291: {  	v7, _, _ =	vpop (xrf1)  }
.LBB2_17:
0x292: {  	(xrf0) =	vmin.scan.msk.f32 $0xffff, v8;
	_ =	sdelay $0x5  }
0x293: {  	v7, _, _ =	vpop (xrf0)  }
0x294: {  	v7 =	vbroadcast v7, $0xF;
	_ =	sdelay $0x1  }
0x295: {  	[tilespmem:$0x14280] =	vst v7  }
0x296: {  	_ =	swait.ge [sflag:s19], $0x4000  }
0x297: {  	[sflag:s19] =	ssyncset.done $0x0  }
0x298: {  	s24 =	simm.s32 $0x8080;
	[sflag:s19] =	ssyncadd.s32 $0xFFFFC000  }
0x299: {  	v17 =	vld [tilespmem:s24+$0xFFFFFF80]  }
0x29a: {  	v8 =	vld [tilespmem:s24+$0xFFFFFF90]  }
0x29b: {  	v7 =	vld [tilespmem:s24+$0xFFFFFFA0]  }
0x29c: {  	v6 =	vbroadcast v6, $0xF;
	v9 =	vld [tilespmem:s24+$0xFFFFFFB0]  }
0x29d: {  	v10 =	vld [tilespmem:s24+$0xFFFFFFC0]  }
0x29e: {  	v11 =	vld [tilespmem:s24+$0xFFFFFFD0];
	vm5 =	vge.f32 v17, v6  }
0x29f: {  	v12 =	vld [tilespmem:s24+$0xFFFFFFE0];
	vm0 =	vge.f32 v8, v6;
	v13 =	vsel vm5, $0x1, v3  }
0x2a0: {  	vm1 =	vge.f32 v7, v6;
	v14 =	vsel vm0, $0x1, v3;
	v18 =	vadd.s32 v13, v2;
	v13 =	vld [tilespmem:s24+$0xFFFFFFF0]  }
0x2a1: {  	vm2 =	vge.f32 v9, v6;
	v15 =	vsel vm1, $0x1, v3;
	v19 =	vadd.s32 v14, v18;
	v14 =	vld [tilespmem:s24+$0x0]  }
0x2a2: {  	vm3 =	vge.f32 v10, v6;
	v16 =	vsel vm2, $0x1, v3;
	v20 =	vadd.s32 v15, v19;
	v15 =	vld [tilespmem:s24+$0x10]  }
0x2a3: {  	vm4 =	vge.f32 v11, v6;
	v22 =	vsel vm3, $0x1, v3;
	v21 =	vadd.s32 v16, v20;
	v16 =	vld [tilespmem:s24+$0x20]  }
0x2a4: {  	s25 =	simm.s32 $0x0;
	v23 =	vsel vm4, $0x1, v3;
	[tilespmem:v2+s17+$0x0] =	vst.idx.msk vm5, v17;
	v22 =	vadd.s32 v22, v21;
	vm5 =	vge.f32 v12, v6;
	v17 =	vld [tilespmem:s24+$0x30]  }
.LBB2_18:
0x2a5: {  	s25 =	sadd.s32 $0x10, s25;
	[tilespmem:v18+s17+$0x0] =	vst.idx.msk vm0, v8;
	v18 =	vadd.s32 v23, v22;
	v8 =	vsel vm5, $0x1, v3;
	vm0 =	vge.f32 v13, v6;
	v23 =	vld [tilespmem:s24+$0x40]  }
0x2a6: {  	p0 =	slt.u32 s25, $0x3F0;
	[tilespmem:v19+s17+$0x0] =	vst.idx.msk vm1, v7;
	v19 =	vadd.s32 v8, v18;
	v7 =	vsel vm0, $0x1, v3;
	vm6 =	vge.f32 v14, v6;
	v24 =	vld [tilespmem:s24+$0x50]  }
0x2a7: {  	[tilespmem:v20+s17+$0x0] =	vst.idx.msk vm2, v9;
	v20 =	vadd.s32 v7, v19;
	v7 =	vsel vm6, $0x1, v3;
	vm7 =	vge.f32 v15, v6;
	v25 =	vld [tilespmem:s24+$0x60]  }
0x2a8: {  	[tilespmem:v21+s17+$0x0] =	vst.idx.msk vm3, v10;
	v21 =	vadd.s32 v7, v20;
	v7 =	vsel vm7, $0x1, v3;
	vm1 =	vge.f32 v16, v6;
	v26 =	vld [tilespmem:s24+$0x70];
	s24 =	sadd.s32 $0x100, s24  }
0x2a9: {  	v27 =	vld [tilespmem:s24+$0xFFFFFF80];
	[tilespmem:v22+s17+$0x0] =	vst.idx.msk vm4, v11;
	v22 =	vadd.s32 v7, v21;
	v7 =	vsel vm1, $0x1, v3;
	vm8 =	vge.f32 v17, v6  }
0x2aa: {  	v8 =	vld [tilespmem:s24+$0xFFFFFF90];
	[tilespmem:v18+s17+$0x0] =	vst.idx.msk vm5, v12;
	v18 =	vadd.s32 v7, v22;
	v9 =	vsel vm8, $0x1, v3;
	vm2 =	vge.f32 v23, v6  }
0x2ab: {  	v7 =	vld [tilespmem:s24+$0xFFFFFFA0];
	[tilespmem:v19+s17+$0x0] =	vst.idx.msk vm0, v13;
	v19 =	vadd.s32 v9, v18;
	v10 =	vsel vm2, $0x1, v3;
	vm3 =	vge.f32 v24, v6  }
0x2ac: {  	v9 =	vld [tilespmem:s24+$0xFFFFFFB0];
	[tilespmem:v20+s17+$0x0] =	vst.idx.msk vm6, v14;
	v20 =	vadd.s32 v10, v19;
	v11 =	vsel vm3, $0x1, v3;
	vm4 =	vge.f32 v25, v6  }
0x2ad: {  	v10 =	vld [tilespmem:s24+$0xFFFFFFC0];
	[tilespmem:v21+s17+$0x0] =	vst.idx.msk vm7, v15;
	v21 =	vadd.s32 v11, v20;
	v12 =	vsel vm4, $0x1, v3;
	vm6 =	vge.f32 v26, v6  }
0x2ae: {  	vm5 =	vge.f32 v27, v6;
	v11 =	vld [tilespmem:s24+$0xFFFFFFD0];
	[tilespmem:v22+s17+$0x0] =	vst.idx.msk vm1, v16;
	v22 =	vadd.s32 v12, v21;
	v13 =	vsel vm6, $0x1, v3  }
0x2af: {  	v14 =	vsel vm5, $0x1, v3;
	vm0 =	vge.f32 v8, v6;
	v12 =	vld [tilespmem:s24+$0xFFFFFFE0];
	[tilespmem:v18+s17+$0x0] =	vst.idx.msk vm8, v17;
	v17 =	vadd.s32 v13, v22  }
.Ltmp12:
0x2b0: {  	v18 =	vadd.s32 v14, v17;
	v14 =	vsel vm0, $0x1, v3;
	vm1 =	vge.f32 v7, v6;
	v13 =	vld [tilespmem:s24+$0xFFFFFFF0];
	[tilespmem:v19+s17+$0x0] =	vst.idx.msk vm2, v23;
	(pc) =	sbr.rel @p0 .LBB2_18-.Ltmp12, $4  }
0x2b1: {  	v19 =	vadd.s32 v14, v18;
	v15 =	vsel vm1, $0x1, v3;
	vm2 =	vge.f32 v9, v6;
	v14 =	vld [tilespmem:s24+$0x0];
	[tilespmem:v20+s17+$0x0] =	vst.idx.msk vm3, v24  }
0x2b2: {  	v20 =	vadd.s32 v15, v19;
	v16 =	vsel vm2, $0x1, v3;
	vm3 =	vge.f32 v10, v6;
	v15 =	vld [tilespmem:s24+$0x10];
	[tilespmem:v21+s17+$0x0] =	vst.idx.msk vm4, v25  }
0x2b3: {  	v21 =	vadd.s32 v16, v20;
	v23 =	vsel vm3, $0x1, v3;
	vm4 =	vge.f32 v11, v6;
	v16 =	vld [tilespmem:s24+$0x20];
	[tilespmem:v22+s17+$0x0] =	vst.idx.msk vm6, v26  }
0x2b4: {  	[tilespmem:v17+s17+$0x0] =	vst.idx.msk vm5, v27;
	v22 =	vadd.s32 v23, v21;
	v23 =	vsel vm4, $0x1, v3;
	vm5 =	vge.f32 v12, v6;
	v17 =	vld [tilespmem:s24+$0x30]  }
0x2b5: {  	v23 =	vadd.s32 v23, v22;
	v24 =	vsel vm5, $0x1, v3;
	vm6 =	vge.f32 v13, v6;
	v25 =	vld [tilespmem:s24+$0x40]  }
0x2b6: {  	v27 =	vld [tilespmem:s24+$0x50];
	v24 =	vadd.s32 v24, v23;
	v26 =	vsel vm6, $0x1, v3;
	vm7 =	vge.f32 v14, v6  }
0x2b7: {  	v29 =	vld [tilespmem:s24+$0x60];
	v26 =	vadd.s32 v26, v24;
	v28 =	vsel vm7, $0x1, v3;
	vm8 =	vge.f32 v15, v6  }
0x2b8: {  	v31 =	vld [tilespmem:s24+$0x70];
	v28 =	vadd.s32 v28, v26;
	v30 =	vsel vm8, $0x1, v3;
	vm9 =	vge.f32 v16, v6  }
0x2b9: {  	v30 =	vadd.s32 v30, v28;
	v32 =	vsel vm9, $0x1, v3;
	vm10 =	vge.f32 v17, v6  }
0x2ba: {  	v32 =	vadd.s32 v32, v30;
	v33 =	vsel vm10, $0x1, v3;
	vm11 =	vge.f32 v25, v6  }
0x2bb: {  	vm12 =	vge.f32 v27, v6;
	v33 =	vadd.s32 v33, v32;
	v34 =	vsel vm11, $0x1, v3  }
0x2bc: {  	vm13 =	vge.f32 v29, v6;
	v35 =	vsel vm12, $0x1, v3;
	v34 =	vadd.s32 v34, v33  }
0x2bd: {  	vm14 =	vge.f32 v31, v6;
	v36 =	vsel vm13, $0x1, v3;
	v35 =	vadd.s32 v35, v34  }
0x2be: {  	v6 =	vsel vm14, $0x1, v3;
	v36 =	vadd.s32 v36, v35  }
0x2bf: {  	v6 =	vadd.s32 v6, v36  }
0x2c0: {  	v6 =	vadd.s32 v4, v6  }
0x2c1: {  	v37 =	vxor.u32 $0x80000000, v6  }
0x2c2: {  	(xrf0) =	vmax.scan.msk.u32 $0xffff, v37;
	_ =	sdelay $0x5  }
0x2c3: {  	v37, _, _ =	vpop (xrf0)  }
0x2c4: {  	(v2sf) =	vpush v37, $0xF;
	_ =	sdelay $0x7  }
0x2c5: {  	[tilespmem:v18+s17+$0x0] =	vst.idx.msk vm0, v8  }
0x2c6: {  	[tilespmem:v19+s17+$0x0] =	vst.idx.msk vm1, v7  }
0x2c7: {  	[tilespmem:v20+s17+$0x0] =	vst.idx.msk vm2, v9  }
0x2c8: {  	[tilespmem:v21+s17+$0x0] =	vst.idx.msk vm3, v10  }
0x2c9: {  	[tilespmem:v22+s17+$0x0] =	vst.idx.msk vm4, v11  }
0x2ca: {  	[tilespmem:v23+s17+$0x0] =	vst.idx.msk vm5, v12  }
0x2cb: {  	[tilespmem:v24+s17+$0x0] =	vst.idx.msk vm6, v13  }
0x2cc: {  	[tilespmem:v26+s17+$0x0] =	vst.idx.msk vm7, v14;
	s31 =	spop (v2sf)  }
0x2cd: {  	[tilespmem:v28+s17+$0x0] =	vst.idx.msk vm8, v15;
	s24 =	sxor.u32 $0x80000000, s31  }
0x2ce: {  	[tilespmem:v30+s17+$0x0] =	vst.idx.msk vm9, v16;
	p0 =	slt.s32 s24, $0x1  }
.Ltmp13:
0x2cf: {  	[tilespmem:v32+s17+$0x0] =	vst.idx.msk vm10, v17;
	(pc) =	sbr.rel @p0 .LBB2_25-.Ltmp13, $4  }
0x2d0: {  	[tilespmem:v33+s17+$0x0] =	vst.idx.msk vm11, v25  }
0x2d1: {  	[tilespmem:v34+s17+$0x0] =	vst.idx.msk vm12, v27  }
0x2d2: {  	[tilespmem:v35+s17+$0x0] =	vst.idx.msk vm13, v29  }
0x2d3: {  	s25 =	simm.s32 $0x0;
	v7 =	vimm.f32 $-3.399999950e+38;
	[tilespmem:v36+s17+$0x0] =	vst.idx.msk vm14, v31  }
0x2d4: {  	v8 =	vadd.s32 s25, v2;
	_ =	sdelay $0x4  }
0x2d5: {  	v8 =	vld.idx.msk [tilespmem:v8+s17+$0x0], $0xffff;
	_ =	sdelay $0x2  }
0x2d6: {  	v9 =	vmov s25  }
0x2d7: {  	vm0 =	vlt.s32 v9, v6  }
0x2d8: {  	v8 =	vnsel vm0, $0xFF7FC99E, v8  }
0x2d9: {  	(xrf1) =	vsort.ascd.msk.f32 $0xffff, v8, v8;
	_ =	sdelay $0xc  }
0x2da: {  	p1 =	sne.s32 s24, $0x1  }
.Ltmp14:
0x2db: {  	v8, _, _ =	vpop (xrf1);
	(pc) =	sbr.rel @!p1 .LBB2_21-.Ltmp14, $3  }
0x2dc: {  	v8 =	vperm.xlane v8, v1;
	_ =	sdelay $0x1  }
0x2dd: {  	v8 =	vmax.f32 v7, v8  }
0x2de: {  	s25 =	simm.s32 $0x1;
	p0 =	por $0x0, $0x0;
	(xrf1) =	vsort.ascd.msk.f32 $0xffff, v8, v8  }
0x2df: {  	_ =	sdelay $0x3  }
0x2e0: {  	v8 =	vadd.s32 s25, v2;
	_ =	sdelay $0x4  }
0x2e1: {  	v8 =	vld.idx.msk [tilespmem:v8+s17+$0x0], $0xffff  }
0x2e2: {  	v9 =	vmov s25;
	_ =	sdelay $0x2  }
0x2e3: {  	vm0 =	vlt.s32 v9, v6;
	v9, _, _ =	vpop (xrf1)  }
0x2e4: {  	v8 =	vnsel vm0, $0xFF7FC99E, v8;
	v9 =	vperm.xlane v9, v1  }
0x2e5: {  	(xrf1) =	vsort.ascd.msk.f32 $0xffff, v8, v8  }
0x2e6: {  	v8 =	vmin.f32 v7, v9  }
0x2e7: {  	(xrf1) =	vsort.ascd.msk.f32 $0xffff, v8, v8;
	_ =	sdelay $0xb  }
0x2e8: {  	p1 =	sne.s32 s24, $0x2;
	v8, _, _ =	vpop (xrf1)  }
.Ltmp15:
0x2e9: {  	v8 =	vperm.xlane v8, v1;
	(pc) =	sbr.rel @!p1 .LBB2_24-.Ltmp15, $4  }
0x2ea: {  	v10, _, _ =	vpop (xrf1)  }
0x2eb: {  	v8 =	vmax.f32 v10, v8  }
0x2ec: {  	(xrf1) =	vsort.ascd.msk.f32 $0xffff, v8, v8  }
0x2ed: {  	s25 =	simm.s32 $0x2;
	p0 =	por $0x1, $0x1;
	v8 =	vmax.f32 v7, v9  }
.LBB2_23:
0x2ee: {  	(xrf1) =	vsort.ascd.msk.f32 $0xffff, v8, v8;
	s26 =	smov.u32 s25;
	s25 =	sadd.s32 $0x1, s25  }
0x2ef: {  	p1 =	sne.s32 s24, s25  }
0x2f0: {  	v8 =	vadd.s32 s26, v2;
	_ =	sdelay $0x4  }
0x2f1: {  	v8 =	vld.idx.msk [tilespmem:v8+s17+$0x0], $0xffff;
	_ =	sdelay $0x3  }
0x2f2: {  	v10 =	vmov s26  }
0x2f3: {  	vm0 =	vlt.s32 v10, v6;
	v9, _, _ =	vpop (xrf1)  }
0x2f4: {  	v10 =	vnsel vm0, $0xFF7FC99E, v8;
	v9 =	vperm.xlane v9, v1  }
0x2f5: {  	(xrf1) =	vsort.ascd.msk.f32 $0xffff, v10, v10;
	v8, _, _ =	vpop (xrf1)  }
0x2f6: {  	v10 =	vmin.f32 v8, v9  }
0x2f7: {  	(xrf1) =	vsort.ascd.msk.f32 $0xffff, v10, v10;
	_ =	sdelay $0xb  }
0x2f8: {  	v10, _, _ =	vpop (xrf1)  }
.Ltmp16:
0x2f9: {  	v10 =	vperm.xlane v10, v1;
	(pc) =	sbr.rel @p1 .LBB2_23-.Ltmp16, $4  }
0x2fa: {  	v11, _, _ =	vpop (xrf1)  }
0x2fb: {  	v10 =	vmax.f32 v11, v10  }
0x2fc: {  	(xrf1) =	vsort.ascd.msk.f32 $0xffff, v10, v10  }
0x2fd: {  	v8 =	vmax.f32 v8, v9  }
.LBB2_24:
0x2fe: {  	(xrf1) =	vsort.ascd.msk.f32 @p0 $0xffff, v8, v8;
	_ =	sdelay $0xc  }
0x2ff: {  	v6, _, _ =	vpop (xrf1)  }
0x300: {  	v6 =	vperm.xlane v6, v1;
	v8, _, _ =	vpop @p0 (xrf1)  }
0x301: {  	v7 =	vpsel p0, v8, v7  }
0x302: {  	v8 =	vmin.f32 v7, v6  }
0x303: {  	v6 =	vmax.f32 v7, v6;
	(xrf1) =	vsort.ascd.msk.f32 $0xffff, v8, v8  }
0x304: {  	(xrf1) =	vsort.ascd.msk.f32 $0xffff, v6, v6;
	_ =	sdelay $0xc  }
0x305: {  	v7, _, _ =	vpop (xrf1)  }
0x306: {  	v6, _, _ =	vpop (xrf1)  }
.LBB2_25:
0x307: {  	(xrf0) =	vmin.scan.msk.f32 $0xffff, v7;
	_ =	sdelay $0x5  }
0x308: {  	v6, _, _ =	vpop (xrf0)  }
0x309: {  	v6 =	vbroadcast v6, $0xF;
	_ =	sdelay $0x1  }
0x30a: {  	[tilespmem:$0x14300] =	vst v6  }
0x30b: {  	_ =	swait.ge [sflag:s20], $0x4000  }
0x30c: {  	[sflag:s20] =	ssyncset.done $0x0  }
0x30d: {  	s24 =	simm.s32 $0xC080;
	[sflag:s20] =	ssyncadd.s32 $0xFFFFC000  }
0x30e: {  	v16 =	vld [tilespmem:s24+$0xFFFFFF80]  }
0x30f: {  	v7 =	vld [tilespmem:s24+$0xFFFFFF90]  }
0x310: {  	v6 =	vld [tilespmem:s24+$0xFFFFFFA0]  }
0x311: {  	v5 =	vbroadcast v5, $0xF;
	v8 =	vld [tilespmem:s24+$0xFFFFFFB0]  }
0x312: {  	v9 =	vld [tilespmem:s24+$0xFFFFFFC0]  }
0x313: {  	v10 =	vld [tilespmem:s24+$0xFFFFFFD0];
	vm5 =	vge.f32 v16, v5  }
0x314: {  	v11 =	vld [tilespmem:s24+$0xFFFFFFE0];
	vm0 =	vge.f32 v7, v5;
	v12 =	vsel vm5, $0x1, v3  }
0x315: {  	vm1 =	vge.f32 v6, v5;
	v13 =	vsel vm0, $0x1, v3;
	v17 =	vadd.s32 v12, v2;
	v12 =	vld [tilespmem:s24+$0xFFFFFFF0]  }
0x316: {  	vm2 =	vge.f32 v8, v5;
	v14 =	vsel vm1, $0x1, v3;
	v18 =	vadd.s32 v13, v17;
	v13 =	vld [tilespmem:s24+$0x0]  }
0x317: {  	vm3 =	vge.f32 v9, v5;
	v15 =	vsel vm2, $0x1, v3;
	v19 =	vadd.s32 v14, v18;
	v14 =	vld [tilespmem:s24+$0x10]  }
0x318: {  	vm4 =	vge.f32 v10, v5;
	v21 =	vsel vm3, $0x1, v3;
	v20 =	vadd.s32 v15, v19;
	v15 =	vld [tilespmem:s24+$0x20]  }
0x319: {  	s25 =	simm.s32 $0x0;
	v22 =	vsel vm4, $0x1, v3;
	[tilespmem:v2+s17+$0x0] =	vst.idx.msk vm5, v16;
	v21 =	vadd.s32 v21, v20;
	vm5 =	vge.f32 v11, v5;
	v16 =	vld [tilespmem:s24+$0x30]  }
.LBB2_26:
0x31a: {  	s25 =	sadd.s32 $0x10, s25;
	[tilespmem:v17+s17+$0x0] =	vst.idx.msk vm0, v7;
	v17 =	vadd.s32 v22, v21;
	v7 =	vsel vm5, $0x1, v3;
	vm0 =	vge.f32 v12, v5;
	v22 =	vld [tilespmem:s24+$0x40]  }
0x31b: {  	p0 =	slt.u32 s25, $0x3F0;
	[tilespmem:v18+s17+$0x0] =	vst.idx.msk vm1, v6;
	v18 =	vadd.s32 v7, v17;
	v6 =	vsel vm0, $0x1, v3;
	vm6 =	vge.f32 v13, v5;
	v23 =	vld [tilespmem:s24+$0x50]  }
0x31c: {  	[tilespmem:v19+s17+$0x0] =	vst.idx.msk vm2, v8;
	v19 =	vadd.s32 v6, v18;
	v6 =	vsel vm6, $0x1, v3;
	vm7 =	vge.f32 v14, v5;
	v24 =	vld [tilespmem:s24+$0x60]  }
0x31d: {  	[tilespmem:v20+s17+$0x0] =	vst.idx.msk vm3, v9;
	v20 =	vadd.s32 v6, v19;
	v6 =	vsel vm7, $0x1, v3;
	vm1 =	vge.f32 v15, v5;
	v25 =	vld [tilespmem:s24+$0x70];
	s24 =	sadd.s32 $0x100, s24  }
0x31e: {  	v26 =	vld [tilespmem:s24+$0xFFFFFF80];
	[tilespmem:v21+s17+$0x0] =	vst.idx.msk vm4, v10;
	v21 =	vadd.s32 v6, v20;
	v6 =	vsel vm1, $0x1, v3;
	vm8 =	vge.f32 v16, v5  }
0x31f: {  	v7 =	vld [tilespmem:s24+$0xFFFFFF90];
	[tilespmem:v17+s17+$0x0] =	vst.idx.msk vm5, v11;
	v17 =	vadd.s32 v6, v21;
	v8 =	vsel vm8, $0x1, v3;
	vm2 =	vge.f32 v22, v5  }
0x320: {  	v6 =	vld [tilespmem:s24+$0xFFFFFFA0];
	[tilespmem:v18+s17+$0x0] =	vst.idx.msk vm0, v12;
	v18 =	vadd.s32 v8, v17;
	v9 =	vsel vm2, $0x1, v3;
	vm3 =	vge.f32 v23, v5  }
0x321: {  	v8 =	vld [tilespmem:s24+$0xFFFFFFB0];
	[tilespmem:v19+s17+$0x0] =	vst.idx.msk vm6, v13;
	v19 =	vadd.s32 v9, v18;
	v10 =	vsel vm3, $0x1, v3;
	vm4 =	vge.f32 v24, v5  }
0x322: {  	v9 =	vld [tilespmem:s24+$0xFFFFFFC0];
	[tilespmem:v20+s17+$0x0] =	vst.idx.msk vm7, v14;
	v20 =	vadd.s32 v10, v19;
	v11 =	vsel vm4, $0x1, v3;
	vm6 =	vge.f32 v25, v5  }
0x323: {  	vm5 =	vge.f32 v26, v5;
	v10 =	vld [tilespmem:s24+$0xFFFFFFD0];
	[tilespmem:v21+s17+$0x0] =	vst.idx.msk vm1, v15;
	v21 =	vadd.s32 v11, v20;
	v12 =	vsel vm6, $0x1, v3  }
0x324: {  	v13 =	vsel vm5, $0x1, v3;
	vm0 =	vge.f32 v7, v5;
	v11 =	vld [tilespmem:s24+$0xFFFFFFE0];
	[tilespmem:v17+s17+$0x0] =	vst.idx.msk vm8, v16;
	v16 =	vadd.s32 v12, v21  }
.Ltmp17:
0x325: {  	v17 =	vadd.s32 v13, v16;
	v13 =	vsel vm0, $0x1, v3;
	vm1 =	vge.f32 v6, v5;
	v12 =	vld [tilespmem:s24+$0xFFFFFFF0];
	[tilespmem:v18+s17+$0x0] =	vst.idx.msk vm2, v22;
	(pc) =	sbr.rel @p0 .LBB2_26-.Ltmp17, $4  }
0x326: {  	v18 =	vadd.s32 v13, v17;
	v14 =	vsel vm1, $0x1, v3;
	vm2 =	vge.f32 v8, v5;
	v13 =	vld [tilespmem:s24+$0x0];
	[tilespmem:v19+s17+$0x0] =	vst.idx.msk vm3, v23  }
0x327: {  	v19 =	vadd.s32 v14, v18;
	v15 =	vsel vm2, $0x1, v3;
	vm3 =	vge.f32 v9, v5;
	v14 =	vld [tilespmem:s24+$0x10];
	[tilespmem:v20+s17+$0x0] =	vst.idx.msk vm4, v24  }
0x328: {  	v20 =	vadd.s32 v15, v19;
	v22 =	vsel vm3, $0x1, v3;
	vm4 =	vge.f32 v10, v5;
	v15 =	vld [tilespmem:s24+$0x20];
	[tilespmem:v21+s17+$0x0] =	vst.idx.msk vm6, v25  }
0x329: {  	[tilespmem:v16+s17+$0x0] =	vst.idx.msk vm5, v26;
	v21 =	vadd.s32 v22, v20;
	v22 =	vsel vm4, $0x1, v3;
	vm5 =	vge.f32 v11, v5;
	v16 =	vld [tilespmem:s24+$0x30]  }
0x32a: {  	v22 =	vadd.s32 v22, v21;
	v23 =	vsel vm5, $0x1, v3;
	vm6 =	vge.f32 v12, v5;
	v24 =	vld [tilespmem:s24+$0x40]  }
0x32b: {  	v26 =	vld [tilespmem:s24+$0x50];
	v23 =	vadd.s32 v23, v22;
	v25 =	vsel vm6, $0x1, v3;
	vm7 =	vge.f32 v13, v5  }
0x32c: {  	v28 =	vld [tilespmem:s24+$0x60];
	v25 =	vadd.s32 v25, v23;
	v27 =	vsel vm7, $0x1, v3;
	vm8 =	vge.f32 v14, v5  }
0x32d: {  	v30 =	vld [tilespmem:s24+$0x70];
	v27 =	vadd.s32 v27, v25;
	v29 =	vsel vm8, $0x1, v3;
	vm9 =	vge.f32 v15, v5  }
0x32e: {  	v29 =	vadd.s32 v29, v27;
	v31 =	vsel vm9, $0x1, v3;
	vm10 =	vge.f32 v16, v5  }
0x32f: {  	v31 =	vadd.s32 v31, v29;
	v32 =	vsel vm10, $0x1, v3;
	vm11 =	vge.f32 v24, v5  }
0x330: {  	vm12 =	vge.f32 v26, v5;
	v32 =	vadd.s32 v32, v31;
	v33 =	vsel vm11, $0x1, v3  }
0x331: {  	vm13 =	vge.f32 v28, v5;
	v34 =	vsel vm12, $0x1, v3;
	v33 =	vadd.s32 v33, v32  }
0x332: {  	vm14 =	vge.f32 v30, v5;
	v35 =	vsel vm13, $0x1, v3;
	v34 =	vadd.s32 v34, v33  }
0x333: {  	v63 =	vsel vm14, $0x1, v3;
	v5 =	vadd.s32 v35, v34  }
0x334: {  	v35 =	vadd.s32 v63, v5  }
0x335: {  	v4 =	vadd.s32 v4, v35  }
0x336: {  	v35 =	vxor.u32 $0x80000000, v4  }
0x337: {  	(xrf0) =	vmax.scan.msk.u32 $0xffff, v35;
	_ =	sdelay $0x5  }
0x338: {  	v35, _, _ =	vpop (xrf0)  }
0x339: {  	(v2sf) =	vpush v35, $0xF;
	_ =	sdelay $0x7  }
0x33a: {  	[tilespmem:v17+s17+$0x0] =	vst.idx.msk vm0, v7  }
0x33b: {  	[tilespmem:v18+s17+$0x0] =	vst.idx.msk vm1, v6  }
0x33c: {  	[tilespmem:v19+s17+$0x0] =	vst.idx.msk vm2, v8  }
0x33d: {  	[tilespmem:v20+s17+$0x0] =	vst.idx.msk vm3, v9  }
0x33e: {  	[tilespmem:v21+s17+$0x0] =	vst.idx.msk vm4, v10  }
0x33f: {  	[tilespmem:v22+s17+$0x0] =	vst.idx.msk vm5, v11  }
0x340: {  	[tilespmem:v23+s17+$0x0] =	vst.idx.msk vm6, v12  }
0x341: {  	[tilespmem:v25+s17+$0x0] =	vst.idx.msk vm7, v13;
	s31 =	spop (v2sf)  }
0x342: {  	[tilespmem:v27+s17+$0x0] =	vst.idx.msk vm8, v14;
	s24 =	sxor.u32 $0x80000000, s31  }
0x343: {  	[tilespmem:v29+s17+$0x0] =	vst.idx.msk vm9, v15;
	p0 =	slt.s32 s24, $0x1  }
.Ltmp18:
0x344: {  	[tilespmem:v31+s17+$0x0] =	vst.idx.msk vm10, v16;
	(pc) =	sbr.rel @p0 .LBB2_33-.Ltmp18, $4  }
0x345: {  	[tilespmem:v32+s17+$0x0] =	vst.idx.msk vm11, v24  }
0x346: {  	[tilespmem:v33+s17+$0x0] =	vst.idx.msk vm12, v26  }
0x347: {  	[tilespmem:v34+s17+$0x0] =	vst.idx.msk vm13, v28  }
0x348: {  	s25 =	simm.s32 $0x0;
	[tilespmem:v5+s17+$0x0] =	vst.idx.msk vm14, v30;
	v5 =	vimm.f32 $-3.399999950e+38  }
0x349: {  	v6 =	vadd.s32 s25, v2;
	_ =	sdelay $0x4  }
0x34a: {  	v6 =	vld.idx.msk [tilespmem:v6+s17+$0x0], $0xffff;
	_ =	sdelay $0x2  }
0x34b: {  	v7 =	vmov s25  }
0x34c: {  	vm0 =	vlt.s32 v7, v4  }
0x34d: {  	v6 =	vnsel vm0, $0xFF7FC99E, v6  }
0x34e: {  	(xrf1) =	vsort.ascd.msk.f32 $0xffff, v6, v6;
	_ =	sdelay $0xc  }
0x34f: {  	p1 =	sne.s32 s24, $0x1  }
.Ltmp19:
0x350: {  	v6, _, _ =	vpop (xrf1);
	(pc) =	sbr.rel @!p1 .LBB2_29-.Ltmp19, $3  }
0x351: {  	v6 =	vperm.xlane v6, v1;
	_ =	sdelay $0x1  }
0x352: {  	v6 =	vmax.f32 v5, v6  }
0x353: {  	s25 =	simm.s32 $0x1;
	p0 =	por $0x0, $0x0;
	(xrf1) =	vsort.ascd.msk.f32 $0xffff, v6, v6  }
0x354: {  	_ =	sdelay $0x3  }
0x355: {  	v6 =	vadd.s32 s25, v2;
	_ =	sdelay $0x4  }
0x356: {  	v6 =	vld.idx.msk [tilespmem:v6+s17+$0x0], $0xffff  }
0x357: {  	v7 =	vmov s25;
	_ =	sdelay $0x2  }
0x358: {  	vm0 =	vlt.s32 v7, v4;
	v7, _, _ =	vpop (xrf1)  }
0x359: {  	v6 =	vnsel vm0, $0xFF7FC99E, v6;
	v7 =	vperm.xlane v7, v1  }
0x35a: {  	(xrf1) =	vsort.ascd.msk.f32 $0xffff, v6, v6  }
0x35b: {  	v6 =	vmin.f32 v5, v7  }
0x35c: {  	(xrf1) =	vsort.ascd.msk.f32 $0xffff, v6, v6;
	_ =	sdelay $0xb  }
0x35d: {  	p1 =	sne.s32 s24, $0x2;
	v6, _, _ =	vpop (xrf1)  }
.Ltmp20:
0x35e: {  	v6 =	vperm.xlane v6, v1;
	(pc) =	sbr.rel @!p1 .LBB2_32-.Ltmp20, $4  }
0x35f: {  	v8, _, _ =	vpop (xrf1)  }
0x360: {  	v6 =	vmax.f32 v8, v6  }
0x361: {  	(xrf1) =	vsort.ascd.msk.f32 $0xffff, v6, v6  }
0x362: {  	s25 =	simm.s32 $0x2;
	p0 =	por $0x1, $0x1;
	v6 =	vmax.f32 v5, v7  }
.LBB2_31:
0x363: {  	(xrf1) =	vsort.ascd.msk.f32 $0xffff, v6, v6;
	s26 =	smov.u32 s25;
	s25 =	sadd.s32 $0x1, s25  }
0x364: {  	p1 =	sne.s32 s24, s25  }
0x365: {  	v6 =	vadd.s32 s26, v2;
	_ =	sdelay $0x4  }
0x366: {  	v6 =	vld.idx.msk [tilespmem:v6+s17+$0x0], $0xffff;
	_ =	sdelay $0x3  }
0x367: {  	v8 =	vmov s26  }
0x368: {  	vm0 =	vlt.s32 v8, v4;
	v7, _, _ =	vpop (xrf1)  }
0x369: {  	v8 =	vnsel vm0, $0xFF7FC99E, v6;
	v7 =	vperm.xlane v7, v1  }
0x36a: {  	(xrf1) =	vsort.ascd.msk.f32 $0xffff, v8, v8;
	v6, _, _ =	vpop (xrf1)  }
0x36b: {  	v8 =	vmin.f32 v6, v7  }
0x36c: {  	(xrf1) =	vsort.ascd.msk.f32 $0xffff, v8, v8;
	_ =	sdelay $0xb  }
0x36d: {  	v8, _, _ =	vpop (xrf1)  }
.Ltmp21:
0x36e: {  	v8 =	vperm.xlane v8, v1;
	(pc) =	sbr.rel @p1 .LBB2_31-.Ltmp21, $4  }
0x36f: {  	v9, _, _ =	vpop (xrf1)  }
0x370: {  	v8 =	vmax.f32 v9, v8  }
0x371: {  	(xrf1) =	vsort.ascd.msk.f32 $0xffff, v8, v8  }
0x372: {  	v6 =	vmax.f32 v6, v7  }
.Ltmp22:
0x373: {  	_ = 	snop;
	(pc) =	sbr.rel .LBB2_32-.Ltmp22, $1  }
0x374: {  	_ =	sdelay $0x3  }
.LBB2_5:
.Ltmp23:
0x375: {  	(pc) =	sbr.rel .LBB2_8-.Ltmp23, $2  }
0x376: {  	_ =	sdelay $0x2  }
0x377: {  	_ = 	snop  }
.LBB2_13:
.Ltmp24:
0x378: {  	(pc) =	sbr.rel .LBB2_16-.Ltmp24, $2  }
0x379: {  	_ =	sdelay $0x2  }
0x37a: {  	_ = 	snop  }
.LBB2_21:
.Ltmp25:
0x37b: {  	(pc) =	sbr.rel .LBB2_24-.Ltmp25, $2  }
0x37c: {  	_ =	sdelay $0x2  }
0x37d: {  	_ = 	snop  }
.LBB2_34:
0x37e: {  	_ =	sfence.sel $0x180000  }
0x37f: {  	[bflag:$0x0] =	sbarrier.arrive $0xFFFF  }
0x380: {  	p0 =	sne.s32 s1, $0x0;
	_ =	strace $0x90000047  }
0x381: {  	s0 =	sadd.s32 @!p0 $0x100000, s0;
	[bflag:$0x2] =	sbarrier.arrive $0xFFFF  }
0x382: {  	[sflag:s0] =	ssyncadd.tile.s32 @!p0 $0x1;
	_ =	shalt  }
.Lfunc_end2:
_tile_overlayer_lowered:
.L_overlay_start_2:
0x383: {  	(tag) =	ssettag $0x2  }
0x384: {  	s0 =	rddreg [dreg:$0x0];
	s2 =	stileid.u32  }
0x385: {  	s1 =	rddreg [dreg:$0x1];
	p0 =	sne.s32 s2, $0x0  }
0x386: {  	s3 =	rddreg [dreg:$0x2];
	[bflag:$0x3] =	sbarrier.arrive $0xFFFF;
	s2 =	simm.s32 @!p0 $0x1C06  }
0x387: {  	[timem:s3], [sflag:s2] =	dma.local @!p0 [hbm:s0], s1  }
0x388: {  	s0 =	simm.s32 @!p0 $0x6  }
0x389: {  	_ =	swait.ge @!p0 [sflag:s0], s1  }
0x38a: {  	s1 =	ssub.s32 @!p0 $0x0, s1;
	[sflag:s0] =	ssyncset.done @!p0 $0x0  }
0x38b: {  	[sflag:s0] =	ssyncadd.s32 @!p0 s1  }
0x38c: {  	[bflag:$0x3] =	sbarrier.arrive $0xFFFF  }
0x38d: {  	_ =	shalt  }

</sc_bundles>
